<compile_context>
chip_gen: v7x
topology: tpu7x:2x2x1
jax: 0.10.2.dev20260603
libtpu: 0.0.44.dev20260713+nightly
codegen_flags: <defaults>
</compile_context>

<pallas_src>
import functools

import jax
import jax.numpy as jnp
from jax import lax
from jax.experimental import pallas as pl
from jax.experimental.pallas import tpu as pltpu
from jax.experimental.pallas import tpu_sc as plsc

Q_SIZE = 1024
K_SIZE = 100000
D_SIZE = 64
K_BLK = 5000
NBLK = K_SIZE // K_BLK


def _split3(v):
    u = jax.lax.bitcast_convert_type(v, jnp.uint32)
    hi = jax.lax.bitcast_convert_type(u & jnp.uint32(0xFFFF0000), jnp.float32)
    r1 = v - hi
    u1 = jax.lax.bitcast_convert_type(r1, jnp.uint32)
    mid = jax.lax.bitcast_convert_type(u1 & jnp.uint32(0xFFFF0000), jnp.float32)
    r2 = r1 - mid
    return (hi.astype(jnp.bfloat16), mid.astype(jnp.bfloat16),
            r2.astype(jnp.bfloat16))


def _nn_kernel(xt_ref, mus_ref, min_out_ref, arg_out_ref, xaug_ref):
    pid = pl.program_id(0)

    @pl.when(pid == 0)
    def _prep():
        x_a, x_b, x_c = _split3(xt_ref[...])
        ones = jnp.ones((3, Q_SIZE), jnp.bfloat16)
        xaug_ref[...] = jnp.concatenate([x_a, x_a, x_b, x_c, x_a, x_b, ones],
                                        axis=0)

    mus_blk = mus_ref[...]
    m_a, m_b, m_c = _split3(mus_blk)
    norms = jnp.sum(mus_blk * mus_blk, axis=1, keepdims=True)
    n_a, n_b, n_c = _split3(norms)
    m_aug = jnp.concatenate([m_a, m_b, m_a, m_a, m_c, m_b, n_a, n_b, n_c],
                            axis=1)
    scores = jax.lax.dot_general(
        m_aug, xaug_ref[...], (((1,), (0,)), ((), ())),
        preferred_element_type=jnp.float32,
    )

    min_out_ref[...] = jnp.min(scores, axis=0, keepdims=True)[None]
    blk_arg = jnp.argmin(scores, axis=0).astype(jnp.int32)[None, :]
    arg_out_ref[...] = (blk_arg + pid * K_BLK)[None]


def _sc_merge(mins, args):
    info = plsc.get_sparse_core_info()
    qw = 128
    nw_active = Q_SIZE // qw
    mesh = plsc.VectorSubcoreMesh(core_axis_name="c", subcore_axis_name="s")

    @functools.partial(
        pl.kernel, mesh=mesh,
        out_type=jax.ShapeDtypeStruct((Q_SIZE,), jnp.int32),
        scratch_types=[
            pltpu.VMEM((NBLK, qw), jnp.float32),
            pltpu.VMEM((NBLK, qw), jnp.int32),
            pltpu.VMEM((qw,), jnp.int32),
        ],
    )
    def k(mins_hbm, args_hbm, out_hbm, mins_v, args_v, best_v):
        wid = lax.axis_index("s") * info.num_cores + lax.axis_index("c")

        @pl.when(wid < nw_active)
        def _work():
            base = wid * qw
            pltpu.sync_copy(mins_hbm.at[:, pl.ds(base, qw)], mins_v)
            pltpu.sync_copy(args_hbm.at[:, pl.ds(base, qw)], args_v)
            for h in range(qw // 16):
                sl = pl.ds(h * 16, 16)
                best = mins_v[0, sl]
                bidx = args_v[0, sl]
                for b in range(1, NBLK):
                    vb = mins_v[b, sl]
                    ab = args_v[b, sl]
                    better = vb < best
                    best = jnp.where(better, vb, best)
                    bidx = jnp.where(better, ab, bidx)
                best_v[sl] = bidx
            pltpu.sync_copy(best_v, out_hbm.at[pl.ds(base, qw)])

    return k(mins, args)


def kernel(X, mus):
    xt = -2.0 * X.T

    mins, args = pl.pallas_call(
        _nn_kernel,
        grid=(NBLK,),
        in_specs=[
            pl.BlockSpec((D_SIZE, Q_SIZE), lambda i: (0, 0)),
            pl.BlockSpec((K_BLK, D_SIZE), lambda i: (i, 0)),
        ],
        out_specs=[
            pl.BlockSpec((1, 1, Q_SIZE), lambda i: (i, 0, 0)),
            pl.BlockSpec((1, 1, Q_SIZE), lambda i: (i, 0, 0)),
        ],
        out_shape=[
            jax.ShapeDtypeStruct((NBLK, 1, Q_SIZE), jnp.float32),
            jax.ShapeDtypeStruct((NBLK, 1, Q_SIZE), jnp.int32),
        ],
        scratch_shapes=[
            pltpu.VMEM((6 * D_SIZE + 3, Q_SIZE), jnp.bfloat16),
        ],
    )(xt, mus)
    return _sc_merge(mins.reshape(NBLK, Q_SIZE), args.reshape(NBLK, Q_SIZE))

# --- scband reference (transcript-rebuilt; emitter-appended) ---
"""Pipeline reference for scband-ridge-prototypes-eqx-46437186404599 (READ-ONLY COPY).

The authoritative reference and input builder live on the scoring server;
editing this copy changes nothing except your own understanding.
"""

import jax, jax.numpy as jnp
import numpy as np

Q = 1024
K = 100000
D = 64


def setup_inputs(seed: int = 0) -> dict:
    key = jax.random.key(seed)
    k1, k2 = jax.random.split(key)
    X = jax.random.normal(k1, (Q, D), dtype=jnp.float32)
    # learned parameter of the eqx module: prototype matrix mus [K, D]
    mus = jax.random.normal(k2, (K, D), dtype=jnp.float32)
    return {"X": X, "mus": mus}


def reference(X, mus):
    # Faithful translation of RidgePrototypesEqx.predict:
    # vmap over queries of __call__(x) = argmin_k ||mus_k - x||^2
    def single(x):
        d2 = jnp.sum((mus - x[None, :]) ** 2, axis=1)  # [K]
        return jnp.argmin(d2)

    return jax.vmap(single)(X)  # int indices [Q]

if __name__ == "__main__":
    import jax
    _d = setup_inputs()
    print(jax.jit(kernel)(*tuple(_d.values())))

</pallas_src>

<mosaic_0001>
#map = affine_map<(d0, d1) -> (0, 0)>
#map1 = affine_map<(d0, d1) -> (0)>
module attributes {stable_mosaic.version = 14 : i64} {
  func.func @k(%arg0: i32, %arg1: i32, %arg2: memref<20x1024xf32, #tpu.memory_space<hbm>>, %arg3: memref<20x1024xi32, #tpu.memory_space<hbm>>, %arg4: memref<1024xi32, #tpu.memory_space<hbm>>, %arg5: memref<20x128xf32, #tpu.memory_space<vmem>>, %arg6: memref<20x128xi32, #tpu.memory_space<vmem>>, %arg7: memref<128xi32, #tpu.memory_space<vmem>>) attributes {dimension_semantics = [#tpu.dimension_semantics<core_parallel>, #tpu.dimension_semantics<subcore_parallel>], iteration_bounds = array<i64: 2, 16>, scalar_prefetch = 0 : i64, scratch_operands = 3 : i64, tpu.core_type = #tpu.core_type<sc_vector_subcore>, window_params = [{transform_indices = #map}, {transform_indices = #map}, {transform_indices = #map1}]} {
    %mul3A = arith.constant 2 : i32
    %mul3A_0 = arith.muli %arg1, %mul3A : i32
    %add3A = arith.addi %mul3A_0, %arg0 : i32
    %lt3A = arith.constant 8 : i32
    %lt3A_1 = arith.cmpi slt, %add3A, %lt3A : i32
    %convert_element_type3A = arith.extui %lt3A_1 : i1 to i32
    %cond3A = arith.constant 0 : i32
    %cond3A_2 = arith.cmpi ne, %convert_element_type3A, %cond3A : i32
    scf.if %cond3A_2 {
      %mul3A_3 = arith.constant 128 : i32
      %mul3A_4 = arith.muli %add3A, %mul3A_3 : i32
      "tpu.region"() ({
        %run_scoped3A = tpu.sem_alloc : memref<!tpu.dma_semaphore, #tpu.memory_space<semaphore_mem>>
        %dma_start3A = arith.constant 0 : i32
        %dma_start3A_2090 = tpu.memref_slice %arg2[%dma_start3A, %mul3A_4] : memref<20x1024xf32, #tpu.memory_space<hbm>> -> memref<20x128xf32, #tpu.memory_space<hbm>>
        %dma_start3A_2091 = arith.constant 0 : i32
        %dma_start3A_2092 = tpu.memref_slice %arg2[%dma_start3A_2091, %mul3A_4] : memref<20x1024xf32, #tpu.memory_space<hbm>> -> memref<20x128xf32, #tpu.memory_space<hbm>>
        tpu.enqueue_dma source(%dma_start3A_2092 : memref<20x128xf32, #tpu.memory_space<hbm>>) target(%arg5 : memref<20x128xf32, #tpu.memory_space<vmem>>) target_semaphore(%run_scoped3A : memref<!tpu.dma_semaphore, #tpu.memory_space<semaphore_mem>>)
        %dma_wait3A = arith.constant 0 : i32
        %dma_wait3A_2093 = tpu.memref_slice %arg2[%dma_wait3A, %mul3A_4] : memref<20x1024xf32, #tpu.memory_space<hbm>> -> memref<20x128xf32, #tpu.memory_space<hbm>>
        %dma_wait3A_2094 = arith.constant 0 : i32
        %dma_wait3A_2095 = tpu.memref_slice %arg2[%dma_wait3A_2094, %mul3A_4] : memref<20x1024xf32, #tpu.memory_space<hbm>> -> memref<20x128xf32, #tpu.memory_space<hbm>>
        tpu.wait_dma2 semaphore(%run_scoped3A : memref<!tpu.dma_semaphore, #tpu.memory_space<semaphore_mem>>) src(%dma_wait3A_2095 : memref<20x128xf32, #tpu.memory_space<hbm>>) dst(%arg5 : memref<20x128xf32, #tpu.memory_space<vmem>>)
        tpu.yield
      }) : () -> ()
      "tpu.region"() ({
        %run_scoped3A = tpu.sem_alloc : memref<!tpu.dma_semaphore, #tpu.memory_space<semaphore_mem>>
        %dma_start3A = arith.constant 0 : i32
        %dma_start3A_2090 = tpu.memref_slice %arg3[%dma_start3A, %mul3A_4] : memref<20x1024xi32, #tpu.memory_space<hbm>> -> memref<20x128xi32, #tpu.memory_space<hbm>>
        %dma_start3A_2091 = arith.constant 0 : i32
        %dma_start3A_2092 = tpu.memref_slice %arg3[%dma_start3A_2091, %mul3A_4] : memref<20x1024xi32, #tpu.memory_space<hbm>> -> memref<20x128xi32, #tpu.memory_space<hbm>>
        tpu.enqueue_dma source(%dma_start3A_2092 : memref<20x128xi32, #tpu.memory_space<hbm>>) target(%arg6 : memref<20x128xi32, #tpu.memory_space<vmem>>) target_semaphore(%run_scoped3A : memref<!tpu.dma_semaphore, #tpu.memory_space<semaphore_mem>>)
        %dma_wait3A = arith.constant 0 : i32
        %dma_wait3A_2093 = tpu.memref_slice %arg3[%dma_wait3A, %mul3A_4] : memref<20x1024xi32, #tpu.memory_space<hbm>> -> memref<20x128xi32, #tpu.memory_space<hbm>>
        %dma_wait3A_2094 = arith.constant 0 : i32
        %dma_wait3A_2095 = tpu.memref_slice %arg3[%dma_wait3A_2094, %mul3A_4] : memref<20x1024xi32, #tpu.memory_space<hbm>> -> memref<20x128xi32, #tpu.memory_space<hbm>>
        tpu.wait_dma2 semaphore(%run_scoped3A : memref<!tpu.dma_semaphore, #tpu.memory_space<semaphore_mem>>) src(%dma_wait3A_2095 : memref<20x128xi32, #tpu.memory_space<hbm>>) dst(%arg6 : memref<20x128xi32, #tpu.memory_space<vmem>>)
        tpu.yield
      }) : () -> ()
      %get3A = arith.constant 0 : i32
      %get3A_5 = arith.index_cast %get3A : i32 to index
      %get3A_6 = arith.constant 0 : index
      %get3A_7 = tpu.vector_load %arg5[%get3A_5, %get3A_6] {strides = array<i32>} : memref<20x128xf32, #tpu.memory_space<vmem>>, vector<1x16xf32>,
      %get3A_8 = vector.shape_cast %get3A_7 : vector<1x16xf32> to vector<16xf32>
      %get3A_9 = arith.constant 0 : i32
      %get3A_10 = arith.index_cast %get3A_9 : i32 to index
      %get3A_11 = arith.constant 0 : index
      %get3A_12 = tpu.vector_load %arg6[%get3A_10, %get3A_11] {strides = array<i32>} : memref<20x128xi32, #tpu.memory_space<vmem>>, vector<1x16xi32>,
      %get3A_13 = vector.shape_cast %get3A_12 : vector<1x16xi32> to vector<16xi32>
      %get3A_14 = arith.constant 1 : i32
      %get3A_15 = arith.index_cast %get3A_14 : i32 to index
      %get3A_16 = arith.constant 0 : index
      %get3A_17 = tpu.vector_load %arg5[%get3A_15, %get3A_16] {strides = array<i32>} : memref<20x128xf32, #tpu.memory_space<vmem>>, vector<1x16xf32>,
      %get3A_18 = vector.shape_cast %get3A_17 : vector<1x16xf32> to vector<16xf32>
      %get3A_19 = arith.constant 1 : i32
      %get3A_20 = arith.index_cast %get3A_19 : i32 to index
      %get3A_21 = arith.constant 0 : index
      %get3A_22 = tpu.vector_load %arg6[%get3A_20, %get3A_21] {strides = array<i32>} : memref<20x128xi32, #tpu.memory_space<vmem>>, vector<1x16xi32>,
      %get3A_23 = vector.shape_cast %get3A_22 : vector<1x16xi32> to vector<16xi32>
      %lt3A_24 = arith.cmpf olt, %get3A_18, %get3A_8 : vector<16xf32>
      %select_n3A = arith.select %lt3A_24, %get3A_18, %get3A_8 : vector<16xi1>, vector<16xf32>
      %select_n3A_25 = arith.select %lt3A_24, %get3A_23, %get3A_13 : vector<16xi1>, vector<16xi32>
      %get3A_26 = arith.constant 2 : i32
      %get3A_27 = arith.index_cast %get3A_26 : i32 to index
      %get3A_28 = arith.constant 0 : index
      %get3A_29 = tpu.vector_load %arg5[%get3A_27, %get3A_28] {strides = array<i32>} : memref<20x128xf32, #tpu.memory_space<vmem>>, vector<1x16xf32>,
      %get3A_30 = vector.shape_cast %get3A_29 : vector<1x16xf32> to vector<16xf32>
      %get3A_31 = arith.constant 2 : i32
      %get3A_32 = arith.index_cast %get3A_31 : i32 to index
      %get3A_33 = arith.constant 0 : index
      %get3A_34 = tpu.vector_load %arg6[%get3A_32, %get3A_33] {strides = array<i32>} : memref<20x128xi32, #tpu.memory_space<vmem>>, vector<1x16xi32>,
      %get3A_35 = vector.shape_cast %get3A_34 : vector<1x16xi32> to vector<16xi32>
      %lt3A_36 = arith.cmpf olt, %get3A_30, %select_n3A : vector<16xf32>
      %select_n3A_37 = arith.select %lt3A_36, %get3A_30, %select_n3A : vector<16xi1>, vector<16xf32>
      %select_n3A_38 = arith.select %lt3A_36, %get3A_35, %select_n3A_25 : vector<16xi1>, vector<16xi32>
      %get3A_39 = arith.constant 3 : i32
      %get3A_40 = arith.index_cast %get3A_39 : i32 to index
      %get3A_41 = arith.constant 0 : index
      %get3A_42 = tpu.vector_load %arg5[%get3A_40, %get3A_41] {strides = array<i32>} : memref<20x128xf32, #tpu.memory_space<vmem>>, vector<1x16xf32>,
      %get3A_43 = vector.shape_cast %get3A_42 : vector<1x16xf32> to vector<16xf32>
      %get3A_44 = arith.constant 3 : i32
      %get3A_45 = arith.index_cast %get3A_44 : i32 to index
      %get3A_46 = arith.constant 0 : index
      %get3A_47 = tpu.vector_load %arg6[%get3A_45, %get3A_46] {strides = array<i32>} : memref<20x128xi32, #tpu.memory_space<vmem>>, vector<1x16xi32>,
      %get3A_48 = vector.shape_cast %get3A_47 : vector<1x16xi32> to vector<16xi32>
      %lt3A_49 = arith.cmpf olt, %get3A_43, %select_n3A_37 : vector<16xf32>
      %select_n3A_50 = arith.select %lt3A_49, %get3A_43, %select_n3A_37 : vector<16xi1>, vector<16xf32>
      %select_n3A_51 = arith.select %lt3A_49, %get3A_48, %select_n3A_38 : vector<16xi1>, vector<16xi32>
      %get3A_52 = arith.constant 4 : i32
      %get3A_53 = arith.index_cast %get3A_52 : i32 to index
      %get3A_54 = arith.constant 0 : index
      %get3A_55 = tpu.vector_load %arg5[%get3A_53, %get3A_54] {strides = array<i32>} : memref<20x128xf32, #tpu.memory_space<vmem>>, vector<1x16xf32>,
      %get3A_56 = vector.shape_cast %get3A_55 : vector<1x16xf32> to vector<16xf32>
      %get3A_57 = arith.constant 4 : i32
      %get3A_58 = arith.index_cast %get3A_57 : i32 to index
      %get3A_59 = arith.constant 0 : index
      %get3A_60 = tpu.vector_load %arg6[%get3A_58, %get3A_59] {strides = array<i32>} : memref<20x128xi32, #tpu.memory_space<vmem>>, vector<1x16xi32>,
      %get3A_61 = vector.shape_cast %get3A_60 : vector<1x16xi32> to vector<16xi32>
      %lt3A_62 = arith.cmpf olt, %get3A_56, %select_n3A_50 : vector<16xf32>
      %select_n3A_63 = arith.select %lt3A_62, %get3A_56, %select_n3A_50 : vector<16xi1>, vector<16xf32>
      %select_n3A_64 = arith.select %lt3A_62, %get3A_61, %select_n3A_51 : vector<16xi1>, vector<16xi32>
      %get3A_65 = arith.constant 5 : i32
      %get3A_66 = arith.index_cast %get3A_65 : i32 to index
      %get3A_67 = arith.constant 0 : index
      %get3A_68 = tpu.vector_load %arg5[%get3A_66, %get3A_67] {strides = array<i32>} : memref<20x128xf32, #tpu.memory_space<vmem>>, vector<1x16xf32>,
      %get3A_69 = vector.shape_cast %get3A_68 : vector<1x16xf32> to vector<16xf32>
      %get3A_70 = arith.constant 5 : i32
      %get3A_71 = arith.index_cast %get3A_70 : i32 to index
      %get3A_72 = arith.constant 0 : index
      %get3A_73 = tpu.vector_load %arg6[%get3A_71, %get3A_72] {strides = array<i32>} : memref<20x128xi32, #tpu.memory_space<vmem>>, vector<1x16xi32>,
      %get3A_74 = vector.shape_cast %get3A_73 : vector<1x16xi32> to vector<16xi32>
      %lt3A_75 = arith.cmpf olt, %get3A_69, %select_n3A_63 : vector<16xf32>
      %select_n3A_76 = arith.select %lt3A_75, %get3A_69, %select_n3A_63 : vector<16xi1>, vector<16xf32>
      %select_n3A_77 = arith.select %lt3A_75, %get3A_74, %select_n3A_64 : vector<16xi1>, vector<16xi32>
      %get3A_78 = arith.constant 6 : i32
      %get3A_79 = arith.index_cast %get3A_78 : i32 to index
      %get3A_80 = arith.constant 0 : index
      %get3A_81 = tpu.vector_load %arg5[%get3A_79, %get3A_80] {strides = array<i32>} : memref<20x128xf32, #tpu.memory_space<vmem>>, vector<1x16xf32>,
      %get3A_82 = vector.shape_cast %get3A_81 : vector<1x16xf32> to vector<16xf32>
      %get3A_83 = arith.constant 6 : i32
      %get3A_84 = arith.index_cast %get3A_83 : i32 to index
      %get3A_85 = arith.constant 0 : index
      %get3A_86 = tpu.vector_load %arg6[%get3A_84, %get3A_85] {strides = array<i32>} : memref<20x128xi32, #tpu.memory_space<vmem>>, vector<1x16xi32>,
      %get3A_87 = vector.shape_cast %get3A_86 : vector<1x16xi32> to vector<16xi32>
      %lt3A_88 = arith.cmpf olt, %get3A_82, %select_n3A_76 : vector<16xf32>
      %select_n3A_89 = arith.select %lt3A_88, %get3A_82, %select_n3A_76 : vector<16xi1>, vector<16xf32>
      %select_n3A_90 = arith.select %lt3A_88, %get3A_87, %select_n3A_77 : vector<16xi1>, vector<16xi32>
      %get3A_91 = arith.constant 7 : i32
      %get3A_92 = arith.index_cast %get3A_91 : i32 to index
      %get3A_93 = arith.constant 0 : index
      %get3A_94 = tpu.vector_load %arg5[%get3A_92, %get3A_93] {strides = array<i32>} : memref<20x128xf32, #tpu.memory_space<vmem>>, vector<1x16xf32>,
      %get3A_95 = vector.shape_cast %get3A_94 : vector<1x16xf32> to vector<16xf32>
      %get3A_96 = arith.constant 7 : i32
      %get3A_97 = arith.index_cast %get3A_96 : i32 to index
      %get3A_98 = arith.constant 0 : index
      %get3A_99 = tpu.vector_load %arg6[%get3A_97, %get3A_98] {strides = array<i32>} : memref<20x128xi32, #tpu.memory_space<vmem>>, vector<1x16xi32>,
      %get3A_100 = vector.shape_cast %get3A_99 : vector<1x16xi32> to vector<16xi32>
      %lt3A_101 = arith.cmpf olt, %get3A_95, %select_n3A_89 : vector<16xf32>
      %select_n3A_102 = arith.select %lt3A_101, %get3A_95, %select_n3A_89 : vector<16xi1>, vector<16xf32>
      %select_n3A_103 = arith.select %lt3A_101, %get3A_100, %select_n3A_90 : vector<16xi1>, vector<16xi32>
      %get3A_104 = arith.constant 8 : i32
      %get3A_105 = arith.index_cast %get3A_104 : i32 to index
      %get3A_106 = arith.constant 0 : index
      %get3A_107 = tpu.vector_load %arg5[%get3A_105, %get3A_106] {strides = array<i32>} : memref<20x128xf32, #tpu.memory_space<vmem>>, vector<1x16xf32>,
      %get3A_108 = vector.shape_cast %get3A_107 : vector<1x16xf32> to vector<16xf32>
      %get3A_109 = arith.constant 8 : i32
      %get3A_110 = arith.index_cast %get3A_109 : i32 to index
      %get3A_111 = arith.constant 0 : index
      %get3A_112 = tpu.vector_load %arg6[%get3A_110, %get3A_111] {strides = array<i32>} : memref<20x128xi32, #tpu.memory_space<vmem>>, vector<1x16xi32>,
      %get3A_113 = vector.shape_cast %get3A_112 : vector<1x16xi32> to vector<16xi32>
      %lt3A_114 = arith.cmpf olt, %get3A_108, %select_n3A_102 : vector<16xf32>
      %select_n3A_115 = arith.select %lt3A_114, %get3A_108, %select_n3A_102 : vector<16xi1>, vector<16xf32>
      %select_n3A_116 = arith.select %lt3A_114, %get3A_113, %select_n3A_103 : vector<16xi1>, vector<16xi32>
      %get3A_117 = arith.constant 9 : i32
      %get3A_118 = arith.index_cast %get3A_117 : i32 to index
      %get3A_119 = arith.constant 0 : index
      %get3A_120 = tpu.vector_load %arg5[%get3A_118, %get3A_119] {strides = array<i32>} : memref<20x128xf32, #tpu.memory_space<vmem>>, vector<1x16xf32>,
      %get3A_121 = vector.shape_cast %get3A_120 : vector<1x16xf32> to vector<16xf32>
      %get3A_122 = arith.constant 9 : i32
      %get3A_123 = arith.index_cast %get3A_122 : i32 to index
      %get3A_124 = arith.constant 0 : index
      %get3A_125 = tpu.vector_load %arg6[%get3A_123, %get3A_124] {strides = array<i32>} : memref<20x128xi32, #tpu.memory_space<vmem>>, vector<1x16xi32>,
      %get3A_126 = vector.shape_cast %get3A_125 : vector<1x16xi32> to vector<16xi32>
      %lt3A_127 = arith.cmpf olt, %get3A_121, %select_n3A_115 : vector<16xf32>
      %select_n3A_128 = arith.select %lt3A_127, %get3A_121, %select_n3A_115 : vector<16xi1>, vector<16xf32>
      %select_n3A_129 = arith.select %lt3A_127, %get3A_126, %select_n3A_116 : vector<16xi1>, vector<16xi32>
      %get3A_130 = arith.constant 10 : i32
      %get3A_131 = arith.index_cast %get3A_130 : i32 to index
      %get3A_132 = arith.constant 0 : index
      %get3A_133 = tpu.vector_load %arg5[%get3A_131, %get3A_132] {strides = array<i32>} : memref<20x128xf32, #tpu.memory_space<vmem>>, vector<1x16xf32>,
      %get3A_134 = vector.shape_cast %get3A_133 : vector<1x16xf32> to vector<16xf32>
      %get3A_135 = arith.constant 10 : i32
      %get3A_136 = arith.index_cast %get3A_135 : i32 to index
      %get3A_137 = arith.constant 0 : index
      %get3A_138 = tpu.vector_load %arg6[%get3A_136, %get3A_137] {strides = array<i32>} : memref<20x128xi32, #tpu.memory_space<vmem>>, vector<1x16xi32>,
      %get3A_139 = vector.shape_cast %get3A_138 : vector<1x16xi32> to vector<16xi32>
      %lt3A_140 = arith.cmpf olt, %get3A_134, %select_n3A_128 : vector<16xf32>
      %select_n3A_141 = arith.select %lt3A_140, %get3A_134, %select_n3A_128 : vector<16xi1>, vector<16xf32>
      %select_n3A_142 = arith.select %lt3A_140, %get3A_139, %select_n3A_129 : vector<16xi1>, vector<16xi32>
      %get3A_143 = arith.constant 11 : i32
      %get3A_144 = arith.index_cast %get3A_143 : i32 to index
      %get3A_145 = arith.constant 0 : index
      %get3A_146 = tpu.vector_load %arg5[%get3A_144, %get3A_145] {strides = array<i32>} : memref<20x128xf32, #tpu.memory_space<vmem>>, vector<1x16xf32>,
      %get3A_147 = vector.shape_cast %get3A_146 : vector<1x16xf32> to vector<16xf32>
      %get3A_148 = arith.constant 11 : i32
      %get3A_149 = arith.index_cast %get3A_148 : i32 to index
      %get3A_150 = arith.constant 0 : index
      %get3A_151 = tpu.vector_load %arg6[%get3A_149, %get3A_150] {strides = array<i32>} : memref<20x128xi32, #tpu.memory_space<vmem>>, vector<1x16xi32>,
      %get3A_152 = vector.shape_cast %get3A_151 : vector<1x16xi32> to vector<16xi32>
      %lt3A_153 = arith.cmpf olt, %get3A_147, %select_n3A_141 : vector<16xf32>
      %select_n3A_154 = arith.select %lt3A_153, %get3A_147, %select_n3A_141 : vector<16xi1>, vector<16xf32>
      %select_n3A_155 = arith.select %lt3A_153, %get3A_152, %select_n3A_142 : vector<16xi1>, vector<16xi32>
      %get3A_156 = arith.constant 12 : i32
      %get3A_157 = arith.index_cast %get3A_156 : i32 to index
      %get3A_158 = arith.constant 0 : index
      %get3A_159 = tpu.vector_load %arg5[%get3A_157, %get3A_158] {strides = array<i32>} : memref<20x128xf32, #tpu.memory_space<vmem>>, vector<1x16xf32>,
      %get3A_160 = vector.shape_cast %get3A_159 : vector<1x16xf32> to vector<16xf32>
      %get3A_161 = arith.constant 12 : i32
      %get3A_162 = arith.index_cast %get3A_161 : i32 to index
      %get3A_163 = arith.constant 0 : index
      %get3A_164 = tpu.vector_load %arg6[%get3A_162, %get3A_163] {strides = array<i32>} : memref<20x128xi32, #tpu.memory_space<vmem>>, vector<1x16xi32>,
      %get3A_165 = vector.shape_cast %get3A_164 : vector<1x16xi32> to vector<16xi32>
      %lt3A_166 = arith.cmpf olt, %get3A_160, %select_n3A_154 : vector<16xf32>
      %select_n3A_167 = arith.select %lt3A_166, %get3A_160, %select_n3A_154 : vector<16xi1>, vector<16xf32>
      %select_n3A_168 = arith.select %lt3A_166, %get3A_165, %select_n3A_155 : vector<16xi1>, vector<16xi32>
      %get3A_169 = arith.constant 13 : i32
      %get3A_170 = arith.index_cast %get3A_169 : i32 to index
      %get3A_171 = arith.constant 0 : index
      %get3A_172 = tpu.vector_load %arg5[%get3A_170, %get3A_171] {strides = array<i32>} : memref<20x128xf32, #tpu.memory_space<vmem>>, vector<1x16xf32>,
      %get3A_173 = vector.shape_cast %get3A_172 : vector<1x16xf32> to vector<16xf32>
      %get3A_174 = arith.constant 13 : i32
      %get3A_175 = arith.index_cast %get3A_174 : i32 to index
      %get3A_176 = arith.constant 0 : index
      %get3A_177 = tpu.vector_load %arg6[%get3A_175, %get3A_176] {strides = array<i32>} : memref<20x128xi32, #tpu.memory_space<vmem>>, vector<1x16xi32>,
      %get3A_178 = vector.shape_cast %get3A_177 : vector<1x16xi32> to vector<16xi32>
      %lt3A_179 = arith.cmpf olt, %get3A_173, %select_n3A_167 : vector<16xf32>
      %select_n3A_180 = arith.select %lt3A_179, %get3A_173, %select_n3A_167 : vector<16xi1>, vector<16xf32>
      %select_n3A_181 = arith.select %lt3A_179, %get3A_178, %select_n3A_168 : vector<16xi1>, vector<16xi32>
      %get3A_182 = arith.constant 14 : i32
      %get3A_183 = arith.index_cast %get3A_182 : i32 to index
      %get3A_184 = arith.constant 0 : index
      %get3A_185 = tpu.vector_load %arg5[%get3A_183, %get3A_184] {strides = array<i32>} : memref<20x128xf32, #tpu.memory_space<vmem>>, vector<1x16xf32>,
      %get3A_186 = vector.shape_cast %get3A_185 : vector<1x16xf32> to vector<16xf32>
      %get3A_187 = arith.constant 14 : i32
      %get3A_188 = arith.index_cast %get3A_187 : i32 to index
      %get3A_189 = arith.constant 0 : index
      %get3A_190 = tpu.vector_load %arg6[%get3A_188, %get3A_189] {strides = array<i32>} : memref<20x128xi32, #tpu.memory_space<vmem>>, vector<1x16xi32>,
      %get3A_191 = vector.shape_cast %get3A_190 : vector<1x16xi32> to vector<16xi32>
      %lt3A_192 = arith.cmpf olt, %get3A_186, %select_n3A_180 : vector<16xf32>
      %select_n3A_193 = arith.select %lt3A_192, %get3A_186, %select_n3A_180 : vector<16xi1>, vector<16xf32>
      %select_n3A_194 = arith.select %lt3A_192, %get3A_191, %select_n3A_181 : vector<16xi1>, vector<16xi32>
      %get3A_195 = arith.constant 15 : i32
      %get3A_196 = arith.index_cast %get3A_195 : i32 to index
      %get3A_197 = arith.constant 0 : index
      %get3A_198 = tpu.vector_load %arg5[%get3A_196, %get3A_197] {strides = array<i32>} : memref<20x128xf32, #tpu.memory_space<vmem>>, vector<1x16xf32>,
      %get3A_199 = vector.shape_cast %get3A_198 : vector<1x16xf32> to vector<16xf32>
      %get3A_200 = arith.constant 15 : i32
      %get3A_201 = arith.index_cast %get3A_200 : i32 to index
      %get3A_202 = arith.constant 0 : index
      %get3A_203 = tpu.vector_load %arg6[%get3A_201, %get3A_202] {strides = array<i32>} : memref<20x128xi32, #tpu.memory_space<vmem>>, vector<1x16xi32>,
      %get3A_204 = vector.shape_cast %get3A_203 : vector<1x16xi32> to vector<16xi32>
      %lt3A_205 = arith.cmpf olt, %get3A_199, %select_n3A_193 : vector<16xf32>
      %select_n3A_206 = arith.select %lt3A_205, %get3A_199, %select_n3A_193 : vector<16xi1>, vector<16xf32>
      %select_n3A_207 = arith.select %lt3A_205, %get3A_204, %select_n3A_194 : vector<16xi1>, vector<16xi32>
      %get3A_208 = arith.constant 16 : i32
      %get3A_209 = arith.index_cast %get3A_208 : i32 to index
      %get3A_210 = arith.constant 0 : index
      %get3A_211 = tpu.vector_load %arg5[%get3A_209, %get3A_210] {strides = array<i32>} : memref<20x128xf32, #tpu.memory_space<vmem>>, vector<1x16xf32>,
      %get3A_212 = vector.shape_cast %get3A_211 : vector<1x16xf32> to vector<16xf32>
      %get3A_213 = arith.constant 16 : i32
      %get3A_214 = arith.index_cast %get3A_213 : i32 to index
      %get3A_215 = arith.constant 0 : index
      %get3A_216 = tpu.vector_load %arg6[%get3A_214, %get3A_215] {strides = array<i32>} : memref<20x128xi32, #tpu.memory_space<vmem>>, vector<1x16xi32>,
      %get3A_217 = vector.shape_cast %get3A_216 : vector<1x16xi32> to vector<16xi32>
      %lt3A_218 = arith.cmpf olt, %get3A_212, %select_n3A_206 : vector<16xf32>
      %select_n3A_219 = arith.select %lt3A_218, %get3A_212, %select_n3A_206 : vector<16xi1>, vector<16xf32>
      %select_n3A_220 = arith.select %lt3A_218, %get3A_217, %select_n3A_207 : vector<16xi1>, vector<16xi32>
      %get3A_221 = arith.constant 17 : i32
      %get3A_222 = arith.index_cast %get3A_221 : i32 to index
      %get3A_223 = arith.constant 0 : index
      %get3A_224 = tpu.vector_load %arg5[%get3A_222, %get3A_223] {strides = array<i32>} : memref<20x128xf32, #tpu.memory_space<vmem>>, vector<1x16xf32>,
      %get3A_225 = vector.shape_cast %get3A_224 : vector<1x16xf32> to vector<16xf32>
      %get3A_226 = arith.constant 17 : i32
      %get3A_227 = arith.index_cast %get3A_226 : i32 to index
      %get3A_228 = arith.constant 0 : index
      %get3A_229 = tpu.vector_load %arg6[%get3A_227, %get3A_228] {strides = array<i32>} : memref<20x128xi32, #tpu.memory_space<vmem>>, vector<1x16xi32>,
      %get3A_230 = vector.shape_cast %get3A_229 : vector<1x16xi32> to vector<16xi32>
      %lt3A_231 = arith.cmpf olt, %get3A_225, %select_n3A_219 : vector<16xf32>
      %select_n3A_232 = arith.select %lt3A_231, %get3A_225, %select_n3A_219 : vector<16xi1>, vector<16xf32>
      %select_n3A_233 = arith.select %lt3A_231, %get3A_230, %select_n3A_220 : vector<16xi1>, vector<16xi32>
      %get3A_234 = arith.constant 18 : i32
      %get3A_235 = arith.index_cast %get3A_234 : i32 to index
      %get3A_236 = arith.constant 0 : index
      %get3A_237 = tpu.vector_load %arg5[%get3A_235, %get3A_236] {strides = array<i32>} : memref<20x128xf32, #tpu.memory_space<vmem>>, vector<1x16xf32>,
      %get3A_238 = vector.shape_cast %get3A_237 : vector<1x16xf32> to vector<16xf32>
      %get3A_239 = arith.constant 18 : i32
      %get3A_240 = arith.index_cast %get3A_239 : i32 to index
      %get3A_241 = arith.constant 0 : index
      %get3A_242 = tpu.vector_load %arg6[%get3A_240, %get3A_241] {strides = array<i32>} : memref<20x128xi32, #tpu.memory_space<vmem>>, vector<1x16xi32>,
      %get3A_243 = vector.shape_cast %get3A_242 : vector<1x16xi32> to vector<16xi32>
      %lt3A_244 = arith.cmpf olt, %get3A_238, %select_n3A_232 : vector<16xf32>
      %select_n3A_245 = arith.select %lt3A_244, %get3A_238, %select_n3A_232 : vector<16xi1>, vector<16xf32>
      %select_n3A_246 = arith.select %lt3A_244, %get3A_243, %select_n3A_233 : vector<16xi1>, vector<16xi32>
      %get3A_247 = arith.constant 19 : i32
      %get3A_248 = arith.index_cast %get3A_247 : i32 to index
      %get3A_249 = arith.constant 0 : index
      %get3A_250 = tpu.vector_load %arg5[%get3A_248, %get3A_249] {strides = array<i32>} : memref<20x128xf32, #tpu.memory_space<vmem>>, vector<1x16xf32>,
      %get3A_251 = vector.shape_cast %get3A_250 : vector<1x16xf32> to vector<16xf32>
      %get3A_252 = arith.constant 19 : i32
      %get3A_253 = arith.index_cast %get3A_252 : i32 to index
      %get3A_254 = arith.constant 0 : index
      %get3A_255 = tpu.vector_load %arg6[%get3A_253, %get3A_254] {strides = array<i32>} : memref<20x128xi32, #tpu.memory_space<vmem>>, vector<1x16xi32>,
      %get3A_256 = vector.shape_cast %get3A_255 : vector<1x16xi32> to vector<16xi32>
      %lt3A_257 = arith.cmpf olt, %get3A_251, %select_n3A_245 : vector<16xf32>
      %select_n3A_258 = arith.select %lt3A_257, %get3A_251, %select_n3A_245 : vector<16xi1>, vector<16xf32>
      %select_n3A_259 = arith.select %lt3A_257, %get3A_256, %select_n3A_246 : vector<16xi1>, vector<16xi32>
      %swap3A = arith.constant 0 : index
      %swap3A_260 = tpu.vector_load %arg7[%swap3A] {strides = array<i32>} : memref<128xi32, #tpu.memory_space<vmem>>, vector<16xi32>,
      %swap3A_261 = vector.shape_cast %swap3A_260 : vector<16xi32> to vector<16xi32>
      %swap3A_262 = vector.shape_cast %select_n3A_259 : vector<16xi32> to vector<16xi32>
      tpu.vector_store %arg7[%swap3A], %swap3A_262 {strides = array<i32>} : memref<128xi32, #tpu.memory_space<vmem>>, vector<16xi32>,
      %get3A_263 = arith.constant 0 : i32
      %get3A_264 = arith.index_cast %get3A_263 : i32 to index
      %get3A_265 = arith.constant 16 : index
      %get3A_266 = tpu.vector_load %arg5[%get3A_264, %get3A_265] {strides = array<i32>} : memref<20x128xf32, #tpu.memory_space<vmem>>, vector<1x16xf32>,
      %get3A_267 = vector.shape_cast %get3A_266 : vector<1x16xf32> to vector<16xf32>
      %get3A_268 = arith.constant 0 : i32
      %get3A_269 = arith.index_cast %get3A_268 : i32 to index
      %get3A_270 = arith.constant 16 : index
      %get3A_271 = tpu.vector_load %arg6[%get3A_269, %get3A_270] {strides = array<i32>} : memref<20x128xi32, #tpu.memory_space<vmem>>, vector<1x16xi32>,
      %get3A_272 = vector.shape_cast %get3A_271 : vector<1x16xi32> to vector<16xi32>
      %get3A_273 = arith.constant 1 : i32
      %get3A_274 = arith.index_cast %get3A_273 : i32 to index
      %get3A_275 = arith.constant 16 : index
      %get3A_276 = tpu.vector_load %arg5[%get3A_274, %get3A_275] {strides = array<i32>} : memref<20x128xf32, #tpu.memory_space<vmem>>, vector<1x16xf32>,
      %get3A_277 = vector.shape_cast %get3A_276 : vector<1x16xf32> to vector<16xf32>
      %get3A_278 = arith.constant 1 : i32
      %get3A_279 = arith.index_cast %get3A_278 : i32 to index
      %get3A_280 = arith.constant 16 : index
      %get3A_281 = tpu.vector_load %arg6[%get3A_279, %get3A_280] {strides = array<i32>} : memref<20x128xi32, #tpu.memory_space<vmem>>, vector<1x16xi32>,
      %get3A_282 = vector.shape_cast %get3A_281 : vector<1x16xi32> to vector<16xi32>
      %lt3A_283 = arith.cmpf olt, %get3A_277, %get3A_267 : vector<16xf32>
      %select_n3A_284 = arith.select %lt3A_283, %get3A_277, %get3A_267 : vector<16xi1>, vector<16xf32>
      %select_n3A_285 = arith.select %lt3A_283, %get3A_282, %get3A_272 : vector<16xi1>, vector<16xi32>
      %get3A_286 = arith.constant 2 : i32
      %get3A_287 = arith.index_cast %get3A_286 : i32 to index
      %get3A_288 = arith.constant 16 : index
      %get3A_289 = tpu.vector_load %arg5[%get3A_287, %get3A_288] {strides = array<i32>} : memref<20x128xf32, #tpu.memory_space<vmem>>, vector<1x16xf32>,
      %get3A_290 = vector.shape_cast %get3A_289 : vector<1x16xf32> to vector<16xf32>
      %get3A_291 = arith.constant 2 : i32
      %get3A_292 = arith.index_cast %get3A_291 : i32 to index
      %get3A_293 = arith.constant 16 : index
      %get3A_294 = tpu.vector_load %arg6[%get3A_292, %get3A_293] {strides = array<i32>} : memref<20x128xi32, #tpu.memory_space<vmem>>, vector<1x16xi32>,
      %get3A_295 = vector.shape_cast %get3A_294 : vector<1x16xi32> to vector<16xi32>
      %lt3A_296 = arith.cmpf olt, %get3A_290, %select_n3A_284 : vector<16xf32>
      %select_n3A_297 = arith.select %lt3A_296, %get3A_290, %select_n3A_284 : vector<16xi1>, vector<16xf32>
      %select_n3A_298 = arith.select %lt3A_296, %get3A_295, %select_n3A_285 : vector<16xi1>, vector<16xi32>
      %get3A_299 = arith.constant 3 : i32
      %get3A_300 = arith.index_cast %get3A_299 : i32 to index
      %get3A_301 = arith.constant 16 : index
      %get3A_302 = tpu.vector_load %arg5[%get3A_300, %get3A_301] {strides = array<i32>} : memref<20x128xf32, #tpu.memory_space<vmem>>, vector<1x16xf32>,
      %get3A_303 = vector.shape_cast %get3A_302 : vector<1x16xf32> to vector<16xf32>
      %get3A_304 = arith.constant 3 : i32
      %get3A_305 = arith.index_cast %get3A_304 : i32 to index
      %get3A_306 = arith.constant 16 : index
      %get3A_307 = tpu.vector_load %arg6[%get3A_305, %get3A_306] {strides = array<i32>} : memref<20x128xi32, #tpu.memory_space<vmem>>, vector<1x16xi32>,
      %get3A_308 = vector.shape_cast %get3A_307 : vector<1x16xi32> to vector<16xi32>
      %lt3A_309 = arith.cmpf olt, %get3A_303, %select_n3A_297 : vector<16xf32>
      %select_n3A_310 = arith.select %lt3A_309, %get3A_303, %select_n3A_297 : vector<16xi1>, vector<16xf32>
      %select_n3A_311 = arith.select %lt3A_309, %get3A_308, %select_n3A_298 : vector<16xi1>, vector<16xi32>
      %get3A_312 = arith.constant 4 : i32
      %get3A_313 = arith.index_cast %get3A_312 : i32 to index
      %get3A_314 = arith.constant 16 : index
      %get3A_315 = tpu.vector_load %arg5[%get3A_313, %get3A_314] {strides = array<i32>} : memref<20x128xf32, #tpu.memory_space<vmem>>, vector<1x16xf32>,
      %get3A_316 = vector.shape_cast %get3A_315 : vector<1x16xf32> to vector<16xf32>
      %get3A_317 = arith.constant 4 : i32
      %get3A_318 = arith.index_cast %get3A_317 : i32 to index
      %get3A_319 = arith.constant 16 : index
      %get3A_320 = tpu.vector_load %arg6[%get3A_318, %get3A_319] {strides = array<i32>} : memref<20x128xi32, #tpu.memory_space<vmem>>, vector<1x16xi32>,
      %get3A_321 = vector.shape_cast %get3A_320 : vector<1x16xi32> to vector<16xi32>
      %lt3A_322 = arith.cmpf olt, %get3A_316, %select_n3A_310 : vector<16xf32>
      %select_n3A_323 = arith.select %lt3A_322, %get3A_316, %select_n3A_310 : vector<16xi1>, vector<16xf32>
      %select_n3A_324 = arith.select %lt3A_322, %get3A_321, %select_n3A_311 : vector<16xi1>, vector<16xi32>
      %get3A_325 = arith.constant 5 : i32
      %get3A_326 = arith.index_cast %get3A_325 : i32 to index
      %get3A_327 = arith.constant 16 : index
      %get3A_328 = tpu.vector_load %arg5[%get3A_326, %get3A_327] {strides = array<i32>} : memref<20x128xf32, #tpu.memory_space<vmem>>, vector<1x16xf32>,
      %get3A_329 = vector.shape_cast %get3A_328 : vector<1x16xf32> to vector<16xf32>
      %get3A_330 = arith.constant 5 : i32
      %get3A_331 = arith.index_cast %get3A_330 : i32 to index
      %get3A_332 = arith.constant 16 : index
      %get3A_333 = tpu.vector_load %arg6[%get3A_331, %get3A_332] {strides = array<i32>} : memref<20x128xi32, #tpu.memory_space<vmem>>, vector<1x16xi32>,
      %get3A_334 = vector.shape_cast %get3A_333 : vector<1x16xi32> to vector<16xi32>
      %lt3A_335 = arith.cmpf olt, %get3A_329, %select_n3A_323 : vector<16xf32>
      %select_n3A_336 = arith.select %lt3A_335, %get3A_329, %select_n3A_323 : vector<16xi1>, vector<16xf32>
      %select_n3A_337 = arith.select %lt3A_335, %get3A_334, %select_n3A_324 : vector<16xi1>, vector<16xi32>
      %get3A_338 = arith.constant 6 : i32
      %get3A_339 = arith.index_cast %get3A_338 : i32 to index
      %get3A_340 = arith.constant 16 : index
      %get3A_341 = tpu.vector_load %arg5[%get3A_339, %get3A_340] {strides = array<i32>} : memref<20x128xf32, #tpu.memory_space<vmem>>, vector<1x16xf32>,
      %get3A_342 = vector.shape_cast %get3A_341 : vector<1x16xf32> to vector<16xf32>
      %get3A_343 = arith.constant 6 : i32
      %get3A_344 = arith.index_cast %get3A_343 : i32 to index
      %get3A_345 = arith.constant 16 : index
      %get3A_346 = tpu.vector_load %arg6[%get3A_344, %get3A_345] {strides = array<i32>} : memref<20x128xi32, #tpu.memory_space<vmem>>, vector<1x16xi32>,
      %get3A_347 = vector.shape_cast %get3A_346 : vector<1x16xi32> to vector<16xi32>
      %lt3A_348 = arith.cmpf olt, %get3A_342, %select_n3A_336 : vector<16xf32>
      %select_n3A_349 = arith.select %lt3A_348, %get3A_342, %select_n3A_336 : vector<16xi1>, vector<16xf32>
      %select_n3A_350 = arith.select %lt3A_348, %get3A_347, %select_n3A_337 : vector<16xi1>, vector<16xi32>
      %get3A_351 = arith.constant 7 : i32
      %get3A_352 = arith.index_cast %get3A_351 : i32 to index
      %get3A_353 = arith.constant 16 : index
      %get3A_354 = tpu.vector_load %arg5[%get3A_352, %get3A_353] {strides = array<i32>} : memref<20x128xf32, #tpu.memory_space<vmem>>, vector<1x16xf32>,
      %get3A_355 = vector.shape_cast %get3A_354 : vector<1x16xf32> to vector<16xf32>
      %get3A_356 = arith.constant 7 : i32
      %get3A_357 = arith.index_cast %get3A_356 : i32 to index
      %get3A_358 = arith.constant 16 : index
      %get3A_359 = tpu.vector_load %arg6[%get3A_357, %get3A_358] {strides = array<i32>} : memref<20x128xi32, #tpu.memory_space<vmem>>, vector<1x16xi32>,
      %get3A_360 = vector.shape_cast %get3A_359 : vector<1x16xi32> to vector<16xi32>
      %lt3A_361 = arith.cmpf olt, %get3A_355, %select_n3A_349 : vector<16xf32>
      %select_n3A_362 = arith.select %lt3A_361, %get3A_355, %select_n3A_349 : vector<16xi1>, vector<16xf32>
      %select_n3A_363 = arith.select %lt3A_361, %get3A_360, %select_n3A_350 : vector<16xi1>, vector<16xi32>
      %get3A_364 = arith.constant 8 : i32
      %get3A_365 = arith.index_cast %get3A_364 : i32 to index
      %get3A_366 = arith.constant 16 : index
      %get3A_367 = tpu.vector_load %arg5[%get3A_365, %get3A_366] {strides = array<i32>} : memref<20x128xf32, #tpu.memory_space<vmem>>, vector<1x16xf32>,
      %get3A_368 = vector.shape_cast %get3A_367 : vector<1x16xf32> to vector<16xf32>
      %get3A_369 = arith.constant 8 : i32
      %get3A_370 = arith.index_cast %get3A_369 : i32 to index
      %get3A_371 = arith.constant 16 : index
      %get3A_372 = tpu.vector_load %arg6[%get3A_370, %get3A_371] {strides = array<i32>} : memref<20x128xi32, #tpu.memory_space<vmem>>, vector<1x16xi32>,
      %get3A_373 = vector.shape_cast %get3A_372 : vector<1x16xi32> to vector<16xi32>
      %lt3A_374 = arith.cmpf olt, %get3A_368, %select_n3A_362 : vector<16xf32>
      %select_n3A_375 = arith.select %lt3A_374, %get3A_368, %select_n3A_362 : vector<16xi1>, vector<16xf32>
      %select_n3A_376 = arith.select %lt3A_374, %get3A_373, %select_n3A_363 : vector<16xi1>, vector<16xi32>
      %get3A_377 = arith.constant 9 : i32
      %get3A_378 = arith.index_cast %get3A_377 : i32 to index
      %get3A_379 = arith.constant 16 : index
      %get3A_380 = tpu.vector_load %arg5[%get3A_378, %get3A_379] {strides = array<i32>} : memref<20x128xf32, #tpu.memory_space<vmem>>, vector<1x16xf32>,
      %get3A_381 = vector.shape_cast %get3A_380 : vector<1x16xf32> to vector<16xf32>
      %get3A_382 = arith.constant 9 : i32
      %get3A_383 = arith.index_cast %get3A_382 : i32 to index
      %get3A_384 = arith.constant 16 : index
      %get3A_385 = tpu.vector_load %arg6[%get3A_383, %get3A_384] {strides = array<i32>} : memref<20x128xi32, #tpu.memory_space<vmem>>, vector<1x16xi32>,
      %get3A_386 = vector.shape_cast %get3A_385 : vector<1x16xi32> to vector<16xi32>
      %lt3A_387 = arith.cmpf olt, %get3A_381, %select_n3A_375 : vector<16xf32>
      %select_n3A_388 = arith.select %lt3A_387, %get3A_381, %select_n3A_375 : vector<16xi1>, vector<16xf32>
      %select_n3A_389 = arith.select %lt3A_387, %get3A_386, %select_n3A_376 : vector<16xi1>, vector<16xi32>
      %get3A_390 = arith.constant 10 : i32
      %get3A_391 = arith.index_cast %get3A_390 : i32 to index
      %get3A_392 = arith.constant 16 : index
      %get3A_393 = tpu.vector_load %arg5[%get3A_391, %get3A_392] {strides = array<i32>} : memref<20x128xf32, #tpu.memory_space<vmem>>, vector<1x16xf32>,
      %get3A_394 = vector.shape_cast %get3A_393 : vector<1x16xf32> to vector<16xf32>
      %get3A_395 = arith.constant 10 : i32
      %get3A_396 = arith.index_cast %get3A_395 : i32 to index
      %get3A_397 = arith.constant 16 : index
      %get3A_398 = tpu.vector_load %arg6[%get3A_396, %get3A_397] {strides = array<i32>} : memref<20x128xi32, #tpu.memory_space<vmem>>, vector<1x16xi32>,
      %get3A_399 = vector.shape_cast %get3A_398 : vector<1x16xi32> to vector<16xi32>
      %lt3A_400 = arith.cmpf olt, %get3A_394, %select_n3A_388 : vector<16xf32>
      %select_n3A_401 = arith.select %lt3A_400, %get3A_394, %select_n3A_388 : vector<16xi1>, vector<16xf32>
      %select_n3A_402 = arith.select %lt3A_400, %get3A_399, %select_n3A_389 : vector<16xi1>, vector<16xi32>
      %get3A_403 = arith.constant 11 : i32
      %get3A_404 = arith.index_cast %get3A_403 : i32 to index
      %get3A_405 = arith.constant 16 : index
      %get3A_406 = tpu.vector_load %arg5[%get3A_404, %get3A_405] {strides = array<i32>} : memref<20x128xf32, #tpu.memory_space<vmem>>, vector<1x16xf32>,
      %get3A_407 = vector.shape_cast %get3A_406 : vector<1x16xf32> to vector<16xf32>
      %get3A_408 = arith.constant 11 : i32
      %get3A_409 = arith.index_cast %get3A_408 : i32 to index
      %get3A_410 = arith.constant 16 : index
      %get3A_411 = tpu.vector_load %arg6[%get3A_409, %get3A_410] {strides = array<i32>} : memref<20x128xi32, #tpu.memory_space<vmem>>, vector<1x16xi32>,
      %get3A_412 = vector.shape_cast %get3A_411 : vector<1x16xi32> to vector<16xi32>
      %lt3A_413 = arith.cmpf olt, %get3A_407, %select_n3A_401 : vector<16xf32>
      %select_n3A_414 = arith.select %lt3A_413, %get3A_407, %select_n3A_401 : vector<16xi1>, vector<16xf32>
      %select_n3A_415 = arith.select %lt3A_413, %get3A_412, %select_n3A_402 : vector<16xi1>, vector<16xi32>
      %get3A_416 = arith.constant 12 : i32
      %get3A_417 = arith.index_cast %get3A_416 : i32 to index
      %get3A_418 = arith.constant 16 : index
      %get3A_419 = tpu.vector_load %arg5[%get3A_417, %get3A_418] {strides = array<i32>} : memref<20x128xf32, #tpu.memory_space<vmem>>, vector<1x16xf32>,
      %get3A_420 = vector.shape_cast %get3A_419 : vector<1x16xf32> to vector<16xf32>
      %get3A_421 = arith.constant 12 : i32
      %get3A_422 = arith.index_cast %get3A_421 : i32 to index
      %get3A_423 = arith.constant 16 : index
      %get3A_424 = tpu.vector_load %arg6[%get3A_422, %get3A_423] {strides = array<i32>} : memref<20x128xi32, #tpu.memory_space<vmem>>, vector<1x16xi32>,
      %get3A_425 = vector.shape_cast %get3A_424 : vector<1x16xi32> to vector<16xi32>
      %lt3A_426 = arith.cmpf olt, %get3A_420, %select_n3A_414 : vector<16xf32>
      %select_n3A_427 = arith.select %lt3A_426, %get3A_420, %select_n3A_414 : vector<16xi1>, vector<16xf32>
      %select_n3A_428 = arith.select %lt3A_426, %get3A_425, %select_n3A_415 : vector<16xi1>, vector<16xi32>
      %get3A_429 = arith.constant 13 : i32
      %get3A_430 = arith.index_cast %get3A_429 : i32 to index
      %get3A_431 = arith.constant 16 : index
      %get3A_432 = tpu.vector_load %arg5[%get3A_430, %get3A_431] {strides = array<i32>} : memref<20x128xf32, #tpu.memory_space<vmem>>, vector<1x16xf32>,
      %get3A_433 = vector.shape_cast %get3A_432 : vector<1x16xf32> to vector<16xf32>
      %get3A_434 = arith.constant 13 : i32
      %get3A_435 = arith.index_cast %get3A_434 : i32 to index
      %get3A_436 = arith.constant 16 : index
      %get3A_437 = tpu.vector_load %arg6[%get3A_435, %get3A_436] {strides = array<i32>} : memref<20x128xi32, #tpu.memory_space<vmem>>, vector<1x16xi32>,
      %get3A_438 = vector.shape_cast %get3A_437 : vector<1x16xi32> to vector<16xi32>
      %lt3A_439 = arith.cmpf olt, %get3A_433, %select_n3A_427 : vector<16xf32>
      %select_n3A_440 = arith.select %lt3A_439, %get3A_433, %select_n3A_427 : vector<16xi1>, vector<16xf32>
      %select_n3A_441 = arith.select %lt3A_439, %get3A_438, %select_n3A_428 : vector<16xi1>, vector<16xi32>
      %get3A_442 = arith.constant 14 : i32
      %get3A_443 = arith.index_cast %get3A_442 : i32 to index
      %get3A_444 = arith.constant 16 : index
      %get3A_445 = tpu.vector_load %arg5[%get3A_443, %get3A_444] {strides = array<i32>} : memref<20x128xf32, #tpu.memory_space<vmem>>, vector<1x16xf32>,
      %get3A_446 = vector.shape_cast %get3A_445 : vector<1x16xf32> to vector<16xf32>
      %get3A_447 = arith.constant 14 : i32
      %get3A_448 = arith.index_cast %get3A_447 : i32 to index
      %get3A_449 = arith.constant 16 : index
      %get3A_450 = tpu.vector_load %arg6[%get3A_448, %get3A_449] {strides = array<i32>} : memref<20x128xi32, #tpu.memory_space<vmem>>, vector<1x16xi32>,
      %get3A_451 = vector.shape_cast %get3A_450 : vector<1x16xi32> to vector<16xi32>
      %lt3A_452 = arith.cmpf olt, %get3A_446, %select_n3A_440 : vector<16xf32>
      %select_n3A_453 = arith.select %lt3A_452, %get3A_446, %select_n3A_440 : vector<16xi1>, vector<16xf32>
      %select_n3A_454 = arith.select %lt3A_452, %get3A_451, %select_n3A_441 : vector<16xi1>, vector<16xi32>
      %get3A_455 = arith.constant 15 : i32
      %get3A_456 = arith.index_cast %get3A_455 : i32 to index
      %get3A_457 = arith.constant 16 : index
      %get3A_458 = tpu.vector_load %arg5[%get3A_456, %get3A_457] {strides = array<i32>} : memref<20x128xf32, #tpu.memory_space<vmem>>, vector<1x16xf32>,
      %get3A_459 = vector.shape_cast %get3A_458 : vector<1x16xf32> to vector<16xf32>
      %get3A_460 = arith.constant 15 : i32
      %get3A_461 = arith.index_cast %get3A_460 : i32 to index
      %get3A_462 = arith.constant 16 : index
      %get3A_463 = tpu.vector_load %arg6[%get3A_461, %get3A_462] {strides = array<i32>} : memref<20x128xi32, #tpu.memory_space<vmem>>, vector<1x16xi32>,
      %get3A_464 = vector.shape_cast %get3A_463 : vector<1x16xi32> to vector<16xi32>
      %lt3A_465 = arith.cmpf olt, %get3A_459, %select_n3A_453 : vector<16xf32>
      %select_n3A_466 = arith.select %lt3A_465, %get3A_459, %select_n3A_453 : vector<16xi1>, vector<16xf32>
      %select_n3A_467 = arith.select %lt3A_465, %get3A_464, %select_n3A_454 : vector<16xi1>, vector<16xi32>
      %get3A_468 = arith.constant 16 : i32
      %get3A_469 = arith.index_cast %get3A_468 : i32 to index
      %get3A_470 = arith.constant 16 : index
      %get3A_471 = tpu.vector_load %arg5[%get3A_469, %get3A_470] {strides = array<i32>} : memref<20x128xf32, #tpu.memory_space<vmem>>, vector<1x16xf32>,
      %get3A_472 = vector.shape_cast %get3A_471 : vector<1x16xf32> to vector<16xf32>
      %get3A_473 = arith.constant 16 : i32
      %get3A_474 = arith.index_cast %get3A_473 : i32 to index
      %get3A_475 = arith.constant 16 : index
      %get3A_476 = tpu.vector_load %arg6[%get3A_474, %get3A_475] {strides = array<i32>} : memref<20x128xi32, #tpu.memory_space<vmem>>, vector<1x16xi32>,
      %get3A_477 = vector.shape_cast %get3A_476 : vector<1x16xi32> to vector<16xi32>
      %lt3A_478 = arith.cmpf olt, %get3A_472, %select_n3A_466 : vector<16xf32>
      %select_n3A_479 = arith.select %lt3A_478, %get3A_472, %select_n3A_466 : vector<16xi1>, vector<16xf32>
      %select_n3A_480 = arith.select %lt3A_478, %get3A_477, %select_n3A_467 : vector<16xi1>, vector<16xi32>
      %get3A_481 = arith.constant 17 : i32
      %get3A_482 = arith.index_cast %get3A_481 : i32 to index
      %get3A_483 = arith.constant 16 : index
      %get3A_484 = tpu.vector_load %arg5[%get3A_482, %get3A_483] {strides = array<i32>} : memref<20x128xf32, #tpu.memory_space<vmem>>, vector<1x16xf32>,
      %get3A_485 = vector.shape_cast %get3A_484 : vector<1x16xf32> to vector<16xf32>
      %get3A_486 = arith.constant 17 : i32
      %get3A_487 = arith.index_cast %get3A_486 : i32 to index
      %get3A_488 = arith.constant 16 : index
      %get3A_489 = tpu.vector_load %arg6[%get3A_487, %get3A_488] {strides = array<i32>} : memref<20x128xi32, #tpu.memory_space<vmem>>, vector<1x16xi32>,
      %get3A_490 = vector.shape_cast %get3A_489 : vector<1x16xi32> to vector<16xi32>
      %lt3A_491 = arith.cmpf olt, %get3A_485, %select_n3A_479 : vector<16xf32>
      %select_n3A_492 = arith.select %lt3A_491, %get3A_485, %select_n3A_479 : vector<16xi1>, vector<16xf32>
      %select_n3A_493 = arith.select %lt3A_491, %get3A_490, %select_n3A_480 : vector<16xi1>, vector<16xi32>
      %get3A_494 = arith.constant 18 : i32
      %get3A_495 = arith.index_cast %get3A_494 : i32 to index
      %get3A_496 = arith.constant 16 : index
      %get3A_497 = tpu.vector_load %arg5[%get3A_495, %get3A_496] {strides = array<i32>} : memref<20x128xf32, #tpu.memory_space<vmem>>, vector<1x16xf32>,
      %get3A_498 = vector.shape_cast %get3A_497 : vector<1x16xf32> to vector<16xf32>
      %get3A_499 = arith.constant 18 : i32
      %get3A_500 = arith.index_cast %get3A_499 : i32 to index
      %get3A_501 = arith.constant 16 : index
      %get3A_502 = tpu.vector_load %arg6[%get3A_500, %get3A_501] {strides = array<i32>} : memref<20x128xi32, #tpu.memory_space<vmem>>, vector<1x16xi32>,
      %get3A_503 = vector.shape_cast %get3A_502 : vector<1x16xi32> to vector<16xi32>
      %lt3A_504 = arith.cmpf olt, %get3A_498, %select_n3A_492 : vector<16xf32>
      %select_n3A_505 = arith.select %lt3A_504, %get3A_498, %select_n3A_492 : vector<16xi1>, vector<16xf32>
      %select_n3A_506 = arith.select %lt3A_504, %get3A_503, %select_n3A_493 : vector<16xi1>, vector<16xi32>
      %get3A_507 = arith.constant 19 : i32
      %get3A_508 = arith.index_cast %get3A_507 : i32 to index
      %get3A_509 = arith.constant 16 : index
      %get3A_510 = tpu.vector_load %arg5[%get3A_508, %get3A_509] {strides = array<i32>} : memref<20x128xf32, #tpu.memory_space<vmem>>, vector<1x16xf32>,
      %get3A_511 = vector.shape_cast %get3A_510 : vector<1x16xf32> to vector<16xf32>
      %get3A_512 = arith.constant 19 : i32
      %get3A_513 = arith.index_cast %get3A_512 : i32 to index
      %get3A_514 = arith.constant 16 : index
      %get3A_515 = tpu.vector_load %arg6[%get3A_513, %get3A_514] {strides = array<i32>} : memref<20x128xi32, #tpu.memory_space<vmem>>, vector<1x16xi32>,
      %get3A_516 = vector.shape_cast %get3A_515 : vector<1x16xi32> to vector<16xi32>
      %lt3A_517 = arith.cmpf olt, %get3A_511, %select_n3A_505 : vector<16xf32>
      %select_n3A_518 = arith.select %lt3A_517, %get3A_511, %select_n3A_505 : vector<16xi1>, vector<16xf32>
      %select_n3A_519 = arith.select %lt3A_517, %get3A_516, %select_n3A_506 : vector<16xi1>, vector<16xi32>
      %swap3A_520 = arith.constant 16 : index
      %swap3A_521 = tpu.vector_load %arg7[%swap3A_520] {strides = array<i32>} : memref<128xi32, #tpu.memory_space<vmem>>, vector<16xi32>,
      %swap3A_522 = vector.shape_cast %swap3A_521 : vector<16xi32> to vector<16xi32>
      %swap3A_523 = vector.shape_cast %select_n3A_519 : vector<16xi32> to vector<16xi32>
      tpu.vector_store %arg7[%swap3A_520], %swap3A_523 {strides = array<i32>} : memref<128xi32, #tpu.memory_space<vmem>>, vector<16xi32>,
      %get3A_524 = arith.constant 0 : i32
      %get3A_525 = arith.index_cast %get3A_524 : i32 to index
      %get3A_526 = arith.constant 32 : index
      %get3A_527 = tpu.vector_load %arg5[%get3A_525, %get3A_526] {strides = array<i32>} : memref<20x128xf32, #tpu.memory_space<vmem>>, vector<1x16xf32>,
      %get3A_528 = vector.shape_cast %get3A_527 : vector<1x16xf32> to vector<16xf32>
      %get3A_529 = arith.constant 0 : i32
      %get3A_530 = arith.index_cast %get3A_529 : i32 to index
      %get3A_531 = arith.constant 32 : index
      %get3A_532 = tpu.vector_load %arg6[%get3A_530, %get3A_531] {strides = array<i32>} : memref<20x128xi32, #tpu.memory_space<vmem>>, vector<1x16xi32>,
      %get3A_533 = vector.shape_cast %get3A_532 : vector<1x16xi32> to vector<16xi32>
      %get3A_534 = arith.constant 1 : i32
      %get3A_535 = arith.index_cast %get3A_534 : i32 to index
      %get3A_536 = arith.constant 32 : index
      %get3A_537 = tpu.vector_load %arg5[%get3A_535, %get3A_536] {strides = array<i32>} : memref<20x128xf32, #tpu.memory_space<vmem>>, vector<1x16xf32>,
      %get3A_538 = vector.shape_cast %get3A_537 : vector<1x16xf32> to vector<16xf32>
      %get3A_539 = arith.constant 1 : i32
      %get3A_540 = arith.index_cast %get3A_539 : i32 to index
      %get3A_541 = arith.constant 32 : index
      %get3A_542 = tpu.vector_load %arg6[%get3A_540, %get3A_541] {strides = array<i32>} : memref<20x128xi32, #tpu.memory_space<vmem>>, vector<1x16xi32>,
      %get3A_543 = vector.shape_cast %get3A_542 : vector<1x16xi32> to vector<16xi32>
      %lt3A_544 = arith.cmpf olt, %get3A_538, %get3A_528 : vector<16xf32>
      %select_n3A_545 = arith.select %lt3A_544, %get3A_538, %get3A_528 : vector<16xi1>, vector<16xf32>
      %select_n3A_546 = arith.select %lt3A_544, %get3A_543, %get3A_533 : vector<16xi1>, vector<16xi32>
      %get3A_547 = arith.constant 2 : i32
      %get3A_548 = arith.index_cast %get3A_547 : i32 to index
      %get3A_549 = arith.constant 32 : index
      %get3A_550 = tpu.vector_load %arg5[%get3A_548, %get3A_549] {strides = array<i32>} : memref<20x128xf32, #tpu.memory_space<vmem>>, vector<1x16xf32>,
      %get3A_551 = vector.shape_cast %get3A_550 : vector<1x16xf32> to vector<16xf32>
      %get3A_552 = arith.constant 2 : i32
      %get3A_553 = arith.index_cast %get3A_552 : i32 to index
      %get3A_554 = arith.constant 32 : index
      %get3A_555 = tpu.vector_load %arg6[%get3A_553, %get3A_554] {strides = array<i32>} : memref<20x128xi32, #tpu.memory_space<vmem>>, vector<1x16xi32>,
      %get3A_556 = vector.shape_cast %get3A_555 : vector<1x16xi32> to vector<16xi32>
      %lt3A_557 = arith.cmpf olt, %get3A_551, %select_n3A_545 : vector<16xf32>
      %select_n3A_558 = arith.select %lt3A_557, %get3A_551, %select_n3A_545 : vector<16xi1>, vector<16xf32>
      %select_n3A_559 = arith.select %lt3A_557, %get3A_556, %select_n3A_546 : vector<16xi1>, vector<16xi32>
      %get3A_560 = arith.constant 3 : i32
      %get3A_561 = arith.index_cast %get3A_560 : i32 to index
      %get3A_562 = arith.constant 32 : index
      %get3A_563 = tpu.vector_load %arg5[%get3A_561, %get3A_562] {strides = array<i32>} : memref<20x128xf32, #tpu.memory_space<vmem>>, vector<1x16xf32>,
      %get3A_564 = vector.shape_cast %get3A_563 : vector<1x16xf32> to vector<16xf32>
      %get3A_565 = arith.constant 3 : i32
      %get3A_566 = arith.index_cast %get3A_565 : i32 to index
      %get3A_567 = arith.constant 32 : index
      %get3A_568 = tpu.vector_load %arg6[%get3A_566, %get3A_567] {strides = array<i32>} : memref<20x128xi32, #tpu.memory_space<vmem>>, vector<1x16xi32>,
      %get3A_569 = vector.shape_cast %get3A_568 : vector<1x16xi32> to vector<16xi32>
      %lt3A_570 = arith.cmpf olt, %get3A_564, %select_n3A_558 : vector<16xf32>
      %select_n3A_571 = arith.select %lt3A_570, %get3A_564, %select_n3A_558 : vector<16xi1>, vector<16xf32>
      %select_n3A_572 = arith.select %lt3A_570, %get3A_569, %select_n3A_559 : vector<16xi1>, vector<16xi32>
      %get3A_573 = arith.constant 4 : i32
      %get3A_574 = arith.index_cast %get3A_573 : i32 to index
      %get3A_575 = arith.constant 32 : index
      %get3A_576 = tpu.vector_load %arg5[%get3A_574, %get3A_575] {strides = array<i32>} : memref<20x128xf32, #tpu.memory_space<vmem>>, vector<1x16xf32>,
      %get3A_577 = vector.shape_cast %get3A_576 : vector<1x16xf32> to vector<16xf32>
      %get3A_578 = arith.constant 4 : i32
      %get3A_579 = arith.index_cast %get3A_578 : i32 to index
      %get3A_580 = arith.constant 32 : index
      %get3A_581 = tpu.vector_load %arg6[%get3A_579, %get3A_580] {strides = array<i32>} : memref<20x128xi32, #tpu.memory_space<vmem>>, vector<1x16xi32>,
      %get3A_582 = vector.shape_cast %get3A_581 : vector<1x16xi32> to vector<16xi32>
      %lt3A_583 = arith.cmpf olt, %get3A_577, %select_n3A_571 : vector<16xf32>
      %select_n3A_584 = arith.select %lt3A_583, %get3A_577, %select_n3A_571 : vector<16xi1>, vector<16xf32>
      %select_n3A_585 = arith.select %lt3A_583, %get3A_582, %select_n3A_572 : vector<16xi1>, vector<16xi32>
      %get3A_586 = arith.constant 5 : i32
      %get3A_587 = arith.index_cast %get3A_586 : i32 to index
      %get3A_588 = arith.constant 32 : index
      %get3A_589 = tpu.vector_load %arg5[%get3A_587, %get3A_588] {strides = array<i32>} : memref<20x128xf32, #tpu.memory_space<vmem>>, vector<1x16xf32>,
      %get3A_590 = vector.shape_cast %get3A_589 : vector<1x16xf32> to vector<16xf32>
      %get3A_591 = arith.constant 5 : i32
      %get3A_592 = arith.index_cast %get3A_591 : i32 to index
      %get3A_593 = arith.constant 32 : index
      %get3A_594 = tpu.vector_load %arg6[%get3A_592, %get3A_593] {strides = array<i32>} : memref<20x128xi32, #tpu.memory_space<vmem>>, vector<1x16xi32>,
      %get3A_595 = vector.shape_cast %get3A_594 : vector<1x16xi32> to vector<16xi32>
      %lt3A_596 = arith.cmpf olt, %get3A_590, %select_n3A_584 : vector<16xf32>
      %select_n3A_597 = arith.select %lt3A_596, %get3A_590, %select_n3A_584 : vector<16xi1>, vector<16xf32>
      %select_n3A_598 = arith.select %lt3A_596, %get3A_595, %select_n3A_585 : vector<16xi1>, vector<16xi32>
      %get3A_599 = arith.constant 6 : i32
      %get3A_600 = arith.index_cast %get3A_599 : i32 to index
      %get3A_601 = arith.constant 32 : index
      %get3A_602 = tpu.vector_load %arg5[%get3A_600, %get3A_601] {strides = array<i32>} : memref<20x128xf32, #tpu.memory_space<vmem>>, vector<1x16xf32>,
      %get3A_603 = vector.shape_cast %get3A_602 : vector<1x16xf32> to vector<16xf32>
      %get3A_604 = arith.constant 6 : i32
      %get3A_605 = arith.index_cast %get3A_604 : i32 to index
      %get3A_606 = arith.constant 32 : index
      %get3A_607 = tpu.vector_load %arg6[%get3A_605, %get3A_606] {strides = array<i32>} : memref<20x128xi32, #tpu.memory_space<vmem>>, vector<1x16xi32>,
      %get3A_608 = vector.shape_cast %get3A_607 : vector<1x16xi32> to vector<16xi32>
      %lt3A_609 = arith.cmpf olt, %get3A_603, %select_n3A_597 : vector<16xf32>
      %select_n3A_610 = arith.select %lt3A_609, %get3A_603, %select_n3A_597 : vector<16xi1>, vector<16xf32>
      %select_n3A_611 = arith.select %lt3A_609, %get3A_608, %select_n3A_598 : vector<16xi1>, vector<16xi32>
      %get3A_612 = arith.constant 7 : i32
      %get3A_613 = arith.index_cast %get3A_612 : i32 to index
      %get3A_614 = arith.constant 32 : index
      %get3A_615 = tpu.vector_load %arg5[%get3A_613, %get3A_614] {strides = array<i32>} : memref<20x128xf32, #tpu.memory_space<vmem>>, vector<1x16xf32>,
      %get3A_616 = vector.shape_cast %get3A_615 : vector<1x16xf32> to vector<16xf32>
      %get3A_617 = arith.constant 7 : i32
      %get3A_618 = arith.index_cast %get3A_617 : i32 to index
      %get3A_619 = arith.constant 32 : index
      %get3A_620 = tpu.vector_load %arg6[%get3A_618, %get3A_619] {strides = array<i32>} : memref<20x128xi32, #tpu.memory_space<vmem>>, vector<1x16xi32>,
      %get3A_621 = vector.shape_cast %get3A_620 : vector<1x16xi32> to vector<16xi32>
      %lt3A_622 = arith.cmpf olt, %get3A_616, %select_n3A_610 : vector<16xf32>
      %select_n3A_623 = arith.select %lt3A_622, %get3A_616, %select_n3A_610 : vector<16xi1>, vector<16xf32>
      %select_n3A_624 = arith.select %lt3A_622, %get3A_621, %select_n3A_611 : vector<16xi1>, vector<16xi32>
      %get3A_625 = arith.constant 8 : i32
      %get3A_626 = arith.index_cast %get3A_625 : i32 to index
      %get3A_627 = arith.constant 32 : index
      %get3A_628 = tpu.vector_load %arg5[%get3A_626, %get3A_627] {strides = array<i32>} : memref<20x128xf32, #tpu.memory_space<vmem>>, vector<1x16xf32>,
      %get3A_629 = vector.shape_cast %get3A_628 : vector<1x16xf32> to vector<16xf32>
      %get3A_630 = arith.constant 8 : i32
      %get3A_631 = arith.index_cast %get3A_630 : i32 to index
      %get3A_632 = arith.constant 32 : index
      %get3A_633 = tpu.vector_load %arg6[%get3A_631, %get3A_632] {strides = array<i32>} : memref<20x128xi32, #tpu.memory_space<vmem>>, vector<1x16xi32>,
      %get3A_634 = vector.shape_cast %get3A_633 : vector<1x16xi32> to vector<16xi32>
      %lt3A_635 = arith.cmpf olt, %get3A_629, %select_n3A_623 : vector<16xf32>
      %select_n3A_636 = arith.select %lt3A_635, %get3A_629, %select_n3A_623 : vector<16xi1>, vector<16xf32>
      %select_n3A_637 = arith.select %lt3A_635, %get3A_634, %select_n3A_624 : vector<16xi1>, vector<16xi32>
      %get3A_638 = arith.constant 9 : i32
      %get3A_639 = arith.index_cast %get3A_638 : i32 to index
      %get3A_640 = arith.constant 32 : index
      %get3A_641 = tpu.vector_load %arg5[%get3A_639, %get3A_640] {strides = array<i32>} : memref<20x128xf32, #tpu.memory_space<vmem>>, vector<1x16xf32>,
      %get3A_642 = vector.shape_cast %get3A_641 : vector<1x16xf32> to vector<16xf32>
      %get3A_643 = arith.constant 9 : i32
      %get3A_644 = arith.index_cast %get3A_643 : i32 to index
      %get3A_645 = arith.constant 32 : index
      %get3A_646 = tpu.vector_load %arg6[%get3A_644, %get3A_645] {strides = array<i32>} : memref<20x128xi32, #tpu.memory_space<vmem>>, vector<1x16xi32>,
      %get3A_647 = vector.shape_cast %get3A_646 : vector<1x16xi32> to vector<16xi32>
      %lt3A_648 = arith.cmpf olt, %get3A_642, %select_n3A_636 : vector<16xf32>
      %select_n3A_649 = arith.select %lt3A_648, %get3A_642, %select_n3A_636 : vector<16xi1>, vector<16xf32>
      %select_n3A_650 = arith.select %lt3A_648, %get3A_647, %select_n3A_637 : vector<16xi1>, vector<16xi32>
      %get3A_651 = arith.constant 10 : i32
      %get3A_652 = arith.index_cast %get3A_651 : i32 to index
      %get3A_653 = arith.constant 32 : index
      %get3A_654 = tpu.vector_load %arg5[%get3A_652, %get3A_653] {strides = array<i32>} : memref<20x128xf32, #tpu.memory_space<vmem>>, vector<1x16xf32>,
      %get3A_655 = vector.shape_cast %get3A_654 : vector<1x16xf32> to vector<16xf32>
      %get3A_656 = arith.constant 10 : i32
      %get3A_657 = arith.index_cast %get3A_656 : i32 to index
      %get3A_658 = arith.constant 32 : index
      %get3A_659 = tpu.vector_load %arg6[%get3A_657, %get3A_658] {strides = array<i32>} : memref<20x128xi32, #tpu.memory_space<vmem>>, vector<1x16xi32>,
      %get3A_660 = vector.shape_cast %get3A_659 : vector<1x16xi32> to vector<16xi32>
      %lt3A_661 = arith.cmpf olt, %get3A_655, %select_n3A_649 : vector<16xf32>
      %select_n3A_662 = arith.select %lt3A_661, %get3A_655, %select_n3A_649 : vector<16xi1>, vector<16xf32>
      %select_n3A_663 = arith.select %lt3A_661, %get3A_660, %select_n3A_650 : vector<16xi1>, vector<16xi32>
      %get3A_664 = arith.constant 11 : i32
      %get3A_665 = arith.index_cast %get3A_664 : i32 to index
      %get3A_666 = arith.constant 32 : index
      %get3A_667 = tpu.vector_load %arg5[%get3A_665, %get3A_666] {strides = array<i32>} : memref<20x128xf32, #tpu.memory_space<vmem>>, vector<1x16xf32>,
      %get3A_668 = vector.shape_cast %get3A_667 : vector<1x16xf32> to vector<16xf32>
      %get3A_669 = arith.constant 11 : i32
      %get3A_670 = arith.index_cast %get3A_669 : i32 to index
      %get3A_671 = arith.constant 32 : index
      %get3A_672 = tpu.vector_load %arg6[%get3A_670, %get3A_671] {strides = array<i32>} : memref<20x128xi32, #tpu.memory_space<vmem>>, vector<1x16xi32>,
      %get3A_673 = vector.shape_cast %get3A_672 : vector<1x16xi32> to vector<16xi32>
      %lt3A_674 = arith.cmpf olt, %get3A_668, %select_n3A_662 : vector<16xf32>
      %select_n3A_675 = arith.select %lt3A_674, %get3A_668, %select_n3A_662 : vector<16xi1>, vector<16xf32>
      %select_n3A_676 = arith.select %lt3A_674, %get3A_673, %select_n3A_663 : vector<16xi1>, vector<16xi32>
      %get3A_677 = arith.constant 12 : i32
      %get3A_678 = arith.index_cast %get3A_677 : i32 to index
      %get3A_679 = arith.constant 32 : index
      %get3A_680 = tpu.vector_load %arg5[%get3A_678, %get3A_679] {strides = array<i32>} : memref<20x128xf32, #tpu.memory_space<vmem>>, vector<1x16xf32>,
      %get3A_681 = vector.shape_cast %get3A_680 : vector<1x16xf32> to vector<16xf32>
      %get3A_682 = arith.constant 12 : i32
      %get3A_683 = arith.index_cast %get3A_682 : i32 to index
      %get3A_684 = arith.constant 32 : index
      %get3A_685 = tpu.vector_load %arg6[%get3A_683, %get3A_684] {strides = array<i32>} : memref<20x128xi32, #tpu.memory_space<vmem>>, vector<1x16xi32>,
      %get3A_686 = vector.shape_cast %get3A_685 : vector<1x16xi32> to vector<16xi32>
      %lt3A_687 = arith.cmpf olt, %get3A_681, %select_n3A_675 : vector<16xf32>
      %select_n3A_688 = arith.select %lt3A_687, %get3A_681, %select_n3A_675 : vector<16xi1>, vector<16xf32>
      %select_n3A_689 = arith.select %lt3A_687, %get3A_686, %select_n3A_676 : vector<16xi1>, vector<16xi32>
      %get3A_690 = arith.constant 13 : i32
      %get3A_691 = arith.index_cast %get3A_690 : i32 to index
      %get3A_692 = arith.constant 32 : index
      %get3A_693 = tpu.vector_load %arg5[%get3A_691, %get3A_692] {strides = array<i32>} : memref<20x128xf32, #tpu.memory_space<vmem>>, vector<1x16xf32>,
      %get3A_694 = vector.shape_cast %get3A_693 : vector<1x16xf32> to vector<16xf32>
      %get3A_695 = arith.constant 13 : i32
      %get3A_696 = arith.index_cast %get3A_695 : i32 to index
      %get3A_697 = arith.constant 32 : index
      %get3A_698 = tpu.vector_load %arg6[%get3A_696, %get3A_697] {strides = array<i32>} : memref<20x128xi32, #tpu.memory_space<vmem>>, vector<1x16xi32>,
      %get3A_699 = vector.shape_cast %get3A_698 : vector<1x16xi32> to vector<16xi32>
      %lt3A_700 = arith.cmpf olt, %get3A_694, %select_n3A_688 : vector<16xf32>
      %select_n3A_701 = arith.select %lt3A_700, %get3A_694, %select_n3A_688 : vector<16xi1>, vector<16xf32>
      %select_n3A_702 = arith.select %lt3A_700, %get3A_699, %select_n3A_689 : vector<16xi1>, vector<16xi32>
      %get3A_703 = arith.constant 14 : i32
      %get3A_704 = arith.index_cast %get3A_703 : i32 to index
      %get3A_705 = arith.constant 32 : index
      %get3A_706 = tpu.vector_load %arg5[%get3A_704, %get3A_705] {strides = array<i32>} : memref<20x128xf32, #tpu.memory_space<vmem>>, vector<1x16xf32>,
      %get3A_707 = vector.shape_cast %get3A_706 : vector<1x16xf32> to vector<16xf32>
      %get3A_708 = arith.constant 14 : i32
      %get3A_709 = arith.index_cast %get3A_708 : i32 to index
      %get3A_710 = arith.constant 32 : index
      %get3A_711 = tpu.vector_load %arg6[%get3A_709, %get3A_710] {strides = array<i32>} : memref<20x128xi32, #tpu.memory_space<vmem>>, vector<1x16xi32>,
      %get3A_712 = vector.shape_cast %get3A_711 : vector<1x16xi32> to vector<16xi32>
      %lt3A_713 = arith.cmpf olt, %get3A_707, %select_n3A_701 : vector<16xf32>
      %select_n3A_714 = arith.select %lt3A_713, %get3A_707, %select_n3A_701 : vector<16xi1>, vector<16xf32>
      %select_n3A_715 = arith.select %lt3A_713, %get3A_712, %select_n3A_702 : vector<16xi1>, vector<16xi32>
      %get3A_716 = arith.constant 15 : i32
      %get3A_717 = arith.index_cast %get3A_716 : i32 to index
      %get3A_718 = arith.constant 32 : index
      %get3A_719 = tpu.vector_load %arg5[%get3A_717, %get3A_718] {strides = array<i32>} : memref<20x128xf32, #tpu.memory_space<vmem>>, vector<1x16xf32>,
      %get3A_720 = vector.shape_cast %get3A_719 : vector<1x16xf32> to vector<16xf32>
      %get3A_721 = arith.constant 15 : i32
      %get3A_722 = arith.index_cast %get3A_721 : i32 to index
      %get3A_723 = arith.constant 32 : index
      %get3A_724 = tpu.vector_load %arg6[%get3A_722, %get3A_723] {strides = array<i32>} : memref<20x128xi32, #tpu.memory_space<vmem>>, vector<1x16xi32>,
      %get3A_725 = vector.shape_cast %get3A_724 : vector<1x16xi32> to vector<16xi32>
      %lt3A_726 = arith.cmpf olt, %get3A_720, %select_n3A_714 : vector<16xf32>
      %select_n3A_727 = arith.select %lt3A_726, %get3A_720, %select_n3A_714 : vector<16xi1>, vector<16xf32>
      %select_n3A_728 = arith.select %lt3A_726, %get3A_725, %select_n3A_715 : vector<16xi1>, vector<16xi32>
      %get3A_729 = arith.constant 16 : i32
      %get3A_730 = arith.index_cast %get3A_729 : i32 to index
      %get3A_731 = arith.constant 32 : index
      %get3A_732 = tpu.vector_load %arg5[%get3A_730, %get3A_731] {strides = array<i32>} : memref<20x128xf32, #tpu.memory_space<vmem>>, vector<1x16xf32>,
      %get3A_733 = vector.shape_cast %get3A_732 : vector<1x16xf32> to vector<16xf32>
      %get3A_734 = arith.constant 16 : i32
      %get3A_735 = arith.index_cast %get3A_734 : i32 to index
      %get3A_736 = arith.constant 32 : index
      %get3A_737 = tpu.vector_load %arg6[%get3A_735, %get3A_736] {strides = array<i32>} : memref<20x128xi32, #tpu.memory_space<vmem>>, vector<1x16xi32>,
      %get3A_738 = vector.shape_cast %get3A_737 : vector<1x16xi32> to vector<16xi32>
      %lt3A_739 = arith.cmpf olt, %get3A_733, %select_n3A_727 : vector<16xf32>
      %select_n3A_740 = arith.select %lt3A_739, %get3A_733, %select_n3A_727 : vector<16xi1>, vector<16xf32>
      %select_n3A_741 = arith.select %lt3A_739, %get3A_738, %select_n3A_728 : vector<16xi1>, vector<16xi32>
      %get3A_742 = arith.constant 17 : i32
      %get3A_743 = arith.index_cast %get3A_742 : i32 to index
      %get3A_744 = arith.constant 32 : index
      %get3A_745 = tpu.vector_load %arg5[%get3A_743, %get3A_744] {strides = array<i32>} : memref<20x128xf32, #tpu.memory_space<vmem>>, vector<1x16xf32>,
      %get3A_746 = vector.shape_cast %get3A_745 : vector<1x16xf32> to vector<16xf32>
      %get3A_747 = arith.constant 17 : i32
      %get3A_748 = arith.index_cast %get3A_747 : i32 to index
      %get3A_749 = arith.constant 32 : index
      %get3A_750 = tpu.vector_load %arg6[%get3A_748, %get3A_749] {strides = array<i32>} : memref<20x128xi32, #tpu.memory_space<vmem>>, vector<1x16xi32>,
      %get3A_751 = vector.shape_cast %get3A_750 : vector<1x16xi32> to vector<16xi32>
      %lt3A_752 = arith.cmpf olt, %get3A_746, %select_n3A_740 : vector<16xf32>
      %select_n3A_753 = arith.select %lt3A_752, %get3A_746, %select_n3A_740 : vector<16xi1>, vector<16xf32>
      %select_n3A_754 = arith.select %lt3A_752, %get3A_751, %select_n3A_741 : vector<16xi1>, vector<16xi32>
      %get3A_755 = arith.constant 18 : i32
      %get3A_756 = arith.index_cast %get3A_755 : i32 to index
      %get3A_757 = arith.constant 32 : index
      %get3A_758 = tpu.vector_load %arg5[%get3A_756, %get3A_757] {strides = array<i32>} : memref<20x128xf32, #tpu.memory_space<vmem>>, vector<1x16xf32>,
      %get3A_759 = vector.shape_cast %get3A_758 : vector<1x16xf32> to vector<16xf32>
      %get3A_760 = arith.constant 18 : i32
      %get3A_761 = arith.index_cast %get3A_760 : i32 to index
      %get3A_762 = arith.constant 32 : index
      %get3A_763 = tpu.vector_load %arg6[%get3A_761, %get3A_762] {strides = array<i32>} : memref<20x128xi32, #tpu.memory_space<vmem>>, vector<1x16xi32>,
      %get3A_764 = vector.shape_cast %get3A_763 : vector<1x16xi32> to vector<16xi32>
      %lt3A_765 = arith.cmpf olt, %get3A_759, %select_n3A_753 : vector<16xf32>
      %select_n3A_766 = arith.select %lt3A_765, %get3A_759, %select_n3A_753 : vector<16xi1>, vector<16xf32>
      %select_n3A_767 = arith.select %lt3A_765, %get3A_764, %select_n3A_754 : vector<16xi1>, vector<16xi32>
      %get3A_768 = arith.constant 19 : i32
      %get3A_769 = arith.index_cast %get3A_768 : i32 to index
      %get3A_770 = arith.constant 32 : index
      %get3A_771 = tpu.vector_load %arg5[%get3A_769, %get3A_770] {strides = array<i32>} : memref<20x128xf32, #tpu.memory_space<vmem>>, vector<1x16xf32>,
      %get3A_772 = vector.shape_cast %get3A_771 : vector<1x16xf32> to vector<16xf32>
      %get3A_773 = arith.constant 19 : i32
      %get3A_774 = arith.index_cast %get3A_773 : i32 to index
      %get3A_775 = arith.constant 32 : index
      %get3A_776 = tpu.vector_load %arg6[%get3A_774, %get3A_775] {strides = array<i32>} : memref<20x128xi32, #tpu.memory_space<vmem>>, vector<1x16xi32>,
      %get3A_777 = vector.shape_cast %get3A_776 : vector<1x16xi32> to vector<16xi32>
      %lt3A_778 = arith.cmpf olt, %get3A_772, %select_n3A_766 : vector<16xf32>
      %select_n3A_779 = arith.select %lt3A_778, %get3A_772, %select_n3A_766 : vector<16xi1>, vector<16xf32>
      %select_n3A_780 = arith.select %lt3A_778, %get3A_777, %select_n3A_767 : vector<16xi1>, vector<16xi32>
      %swap3A_781 = arith.constant 32 : index
      %swap3A_782 = tpu.vector_load %arg7[%swap3A_781] {strides = array<i32>} : memref<128xi32, #tpu.memory_space<vmem>>, vector<16xi32>,
      %swap3A_783 = vector.shape_cast %swap3A_782 : vector<16xi32> to vector<16xi32>
      %swap3A_784 = vector.shape_cast %select_n3A_780 : vector<16xi32> to vector<16xi32>
      tpu.vector_store %arg7[%swap3A_781], %swap3A_784 {strides = array<i32>} : memref<128xi32, #tpu.memory_space<vmem>>, vector<16xi32>,
      %get3A_785 = arith.constant 0 : i32
      %get3A_786 = arith.index_cast %get3A_785 : i32 to index
      %get3A_787 = arith.constant 48 : index
      %get3A_788 = tpu.vector_load %arg5[%get3A_786, %get3A_787] {strides = array<i32>} : memref<20x128xf32, #tpu.memory_space<vmem>>, vector<1x16xf32>,
      %get3A_789 = vector.shape_cast %get3A_788 : vector<1x16xf32> to vector<16xf32>
      %get3A_790 = arith.constant 0 : i32
      %get3A_791 = arith.index_cast %get3A_790 : i32 to index
      %get3A_792 = arith.constant 48 : index
      %get3A_793 = tpu.vector_load %arg6[%get3A_791, %get3A_792] {strides = array<i32>} : memref<20x128xi32, #tpu.memory_space<vmem>>, vector<1x16xi32>,
      %get3A_794 = vector.shape_cast %get3A_793 : vector<1x16xi32> to vector<16xi32>
      %get3A_795 = arith.constant 1 : i32
      %get3A_796 = arith.index_cast %get3A_795 : i32 to index
      %get3A_797 = arith.constant 48 : index
      %get3A_798 = tpu.vector_load %arg5[%get3A_796, %get3A_797] {strides = array<i32>} : memref<20x128xf32, #tpu.memory_space<vmem>>, vector<1x16xf32>,
      %get3A_799 = vector.shape_cast %get3A_798 : vector<1x16xf32> to vector<16xf32>
      %get3A_800 = arith.constant 1 : i32
      %get3A_801 = arith.index_cast %get3A_800 : i32 to index
      %get3A_802 = arith.constant 48 : index
      %get3A_803 = tpu.vector_load %arg6[%get3A_801, %get3A_802] {strides = array<i32>} : memref<20x128xi32, #tpu.memory_space<vmem>>, vector<1x16xi32>,
      %get3A_804 = vector.shape_cast %get3A_803 : vector<1x16xi32> to vector<16xi32>
      %lt3A_805 = arith.cmpf olt, %get3A_799, %get3A_789 : vector<16xf32>
      %select_n3A_806 = arith.select %lt3A_805, %get3A_799, %get3A_789 : vector<16xi1>, vector<16xf32>
      %select_n3A_807 = arith.select %lt3A_805, %get3A_804, %get3A_794 : vector<16xi1>, vector<16xi32>
      %get3A_808 = arith.constant 2 : i32
      %get3A_809 = arith.index_cast %get3A_808 : i32 to index
      %get3A_810 = arith.constant 48 : index
      %get3A_811 = tpu.vector_load %arg5[%get3A_809, %get3A_810] {strides = array<i32>} : memref<20x128xf32, #tpu.memory_space<vmem>>, vector<1x16xf32>,
      %get3A_812 = vector.shape_cast %get3A_811 : vector<1x16xf32> to vector<16xf32>
      %get3A_813 = arith.constant 2 : i32
      %get3A_814 = arith.index_cast %get3A_813 : i32 to index
      %get3A_815 = arith.constant 48 : index
      %get3A_816 = tpu.vector_load %arg6[%get3A_814, %get3A_815] {strides = array<i32>} : memref<20x128xi32, #tpu.memory_space<vmem>>, vector<1x16xi32>,
      %get3A_817 = vector.shape_cast %get3A_816 : vector<1x16xi32> to vector<16xi32>
      %lt3A_818 = arith.cmpf olt, %get3A_812, %select_n3A_806 : vector<16xf32>
      %select_n3A_819 = arith.select %lt3A_818, %get3A_812, %select_n3A_806 : vector<16xi1>, vector<16xf32>
      %select_n3A_820 = arith.select %lt3A_818, %get3A_817, %select_n3A_807 : vector<16xi1>, vector<16xi32>
      %get3A_821 = arith.constant 3 : i32
      %get3A_822 = arith.index_cast %get3A_821 : i32 to index
      %get3A_823 = arith.constant 48 : index
      %get3A_824 = tpu.vector_load %arg5[%get3A_822, %get3A_823] {strides = array<i32>} : memref<20x128xf32, #tpu.memory_space<vmem>>, vector<1x16xf32>,
      %get3A_825 = vector.shape_cast %get3A_824 : vector<1x16xf32> to vector<16xf32>
      %get3A_826 = arith.constant 3 : i32
      %get3A_827 = arith.index_cast %get3A_826 : i32 to index
      %get3A_828 = arith.constant 48 : index
      %get3A_829 = tpu.vector_load %arg6[%get3A_827, %get3A_828] {strides = array<i32>} : memref<20x128xi32, #tpu.memory_space<vmem>>, vector<1x16xi32>,
      %get3A_830 = vector.shape_cast %get3A_829 : vector<1x16xi32> to vector<16xi32>
      %lt3A_831 = arith.cmpf olt, %get3A_825, %select_n3A_819 : vector<16xf32>
      %select_n3A_832 = arith.select %lt3A_831, %get3A_825, %select_n3A_819 : vector<16xi1>, vector<16xf32>
      %select_n3A_833 = arith.select %lt3A_831, %get3A_830, %select_n3A_820 : vector<16xi1>, vector<16xi32>
      %get3A_834 = arith.constant 4 : i32
      %get3A_835 = arith.index_cast %get3A_834 : i32 to index
      %get3A_836 = arith.constant 48 : index
      %get3A_837 = tpu.vector_load %arg5[%get3A_835, %get3A_836] {strides = array<i32>} : memref<20x128xf32, #tpu.memory_space<vmem>>, vector<1x16xf32>,
      %get3A_838 = vector.shape_cast %get3A_837 : vector<1x16xf32> to vector<16xf32>
      %get3A_839 = arith.constant 4 : i32
      %get3A_840 = arith.index_cast %get3A_839 : i32 to index
      %get3A_841 = arith.constant 48 : index
      %get3A_842 = tpu.vector_load %arg6[%get3A_840, %get3A_841] {strides = array<i32>} : memref<20x128xi32, #tpu.memory_space<vmem>>, vector<1x16xi32>,
      %get3A_843 = vector.shape_cast %get3A_842 : vector<1x16xi32> to vector<16xi32>
      %lt3A_844 = arith.cmpf olt, %get3A_838, %select_n3A_832 : vector<16xf32>
      %select_n3A_845 = arith.select %lt3A_844, %get3A_838, %select_n3A_832 : vector<16xi1>, vector<16xf32>
      %select_n3A_846 = arith.select %lt3A_844, %get3A_843, %select_n3A_833 : vector<16xi1>, vector<16xi32>
      %get3A_847 = arith.constant 5 : i32
      %get3A_848 = arith.index_cast %get3A_847 : i32 to index
      %get3A_849 = arith.constant 48 : index
      %get3A_850 = tpu.vector_load %arg5[%get3A_848, %get3A_849] {strides = array<i32>} : memref<20x128xf32, #tpu.memory_space<vmem>>, vector<1x16xf32>,
      %get3A_851 = vector.shape_cast %get3A_850 : vector<1x16xf32> to vector<16xf32>
      %get3A_852 = arith.constant 5 : i32
      %get3A_853 = arith.index_cast %get3A_852 : i32 to index
      %get3A_854 = arith.constant 48 : index
      %get3A_855 = tpu.vector_load %arg6[%get3A_853, %get3A_854] {strides = array<i32>} : memref<20x128xi32, #tpu.memory_space<vmem>>, vector<1x16xi32>,
      %get3A_856 = vector.shape_cast %get3A_855 : vector<1x16xi32> to vector<16xi32>
      %lt3A_857 = arith.cmpf olt, %get3A_851, %select_n3A_845 : vector<16xf32>
      %select_n3A_858 = arith.select %lt3A_857, %get3A_851, %select_n3A_845 : vector<16xi1>, vector<16xf32>
      %select_n3A_859 = arith.select %lt3A_857, %get3A_856, %select_n3A_846 : vector<16xi1>, vector<16xi32>
      %get3A_860 = arith.constant 6 : i32
      %get3A_861 = arith.index_cast %get3A_860 : i32 to index
      %get3A_862 = arith.constant 48 : index
      %get3A_863 = tpu.vector_load %arg5[%get3A_861, %get3A_862] {strides = array<i32>} : memref<20x128xf32, #tpu.memory_space<vmem>>, vector<1x16xf32>,
      %get3A_864 = vector.shape_cast %get3A_863 : vector<1x16xf32> to vector<16xf32>
      %get3A_865 = arith.constant 6 : i32
      %get3A_866 = arith.index_cast %get3A_865 : i32 to index
      %get3A_867 = arith.constant 48 : index
      %get3A_868 = tpu.vector_load %arg6[%get3A_866, %get3A_867] {strides = array<i32>} : memref<20x128xi32, #tpu.memory_space<vmem>>, vector<1x16xi32>,
      %get3A_869 = vector.shape_cast %get3A_868 : vector<1x16xi32> to vector<16xi32>
      %lt3A_870 = arith.cmpf olt, %get3A_864, %select_n3A_858 : vector<16xf32>
      %select_n3A_871 = arith.select %lt3A_870, %get3A_864, %select_n3A_858 : vector<16xi1>, vector<16xf32>
      %select_n3A_872 = arith.select %lt3A_870, %get3A_869, %select_n3A_859 : vector<16xi1>, vector<16xi32>
      %get3A_873 = arith.constant 7 : i32
      %get3A_874 = arith.index_cast %get3A_873 : i32 to index
      %get3A_875 = arith.constant 48 : index
      %get3A_876 = tpu.vector_load %arg5[%get3A_874, %get3A_875] {strides = array<i32>} : memref<20x128xf32, #tpu.memory_space<vmem>>, vector<1x16xf32>,
      %get3A_877 = vector.shape_cast %get3A_876 : vector<1x16xf32> to vector<16xf32>
      %get3A_878 = arith.constant 7 : i32
      %get3A_879 = arith.index_cast %get3A_878 : i32 to index
      %get3A_880 = arith.constant 48 : index
      %get3A_881 = tpu.vector_load %arg6[%get3A_879, %get3A_880] {strides = array<i32>} : memref<20x128xi32, #tpu.memory_space<vmem>>, vector<1x16xi32>,
      %get3A_882 = vector.shape_cast %get3A_881 : vector<1x16xi32> to vector<16xi32>
      %lt3A_883 = arith.cmpf olt, %get3A_877, %select_n3A_871 : vector<16xf32>
      %select_n3A_884 = arith.select %lt3A_883, %get3A_877, %select_n3A_871 : vector<16xi1>, vector<16xf32>
      %select_n3A_885 = arith.select %lt3A_883, %get3A_882, %select_n3A_872 : vector<16xi1>, vector<16xi32>
      %get3A_886 = arith.constant 8 : i32
      %get3A_887 = arith.index_cast %get3A_886 : i32 to index
      %get3A_888 = arith.constant 48 : index
      %get3A_889 = tpu.vector_load %arg5[%get3A_887, %get3A_888] {strides = array<i32>} : memref<20x128xf32, #tpu.memory_space<vmem>>, vector<1x16xf32>,
      %get3A_890 = vector.shape_cast %get3A_889 : vector<1x16xf32> to vector<16xf32>
      %get3A_891 = arith.constant 8 : i32
      %get3A_892 = arith.index_cast %get3A_891 : i32 to index
      %get3A_893 = arith.constant 48 : index
      %get3A_894 = tpu.vector_load %arg6[%get3A_892, %get3A_893] {strides = array<i32>} : memref<20x128xi32, #tpu.memory_space<vmem>>, vector<1x16xi32>,
      %get3A_895 = vector.shape_cast %get3A_894 : vector<1x16xi32> to vector<16xi32>
      %lt3A_896 = arith.cmpf olt, %get3A_890, %select_n3A_884 : vector<16xf32>
      %select_n3A_897 = arith.select %lt3A_896, %get3A_890, %select_n3A_884 : vector<16xi1>, vector<16xf32>
      %select_n3A_898 = arith.select %lt3A_896, %get3A_895, %select_n3A_885 : vector<16xi1>, vector<16xi32>
      %get3A_899 = arith.constant 9 : i32
      %get3A_900 = arith.index_cast %get3A_899 : i32 to index
      %get3A_901 = arith.constant 48 : index
      %get3A_902 = tpu.vector_load %arg5[%get3A_900, %get3A_901] {strides = array<i32>} : memref<20x128xf32, #tpu.memory_space<vmem>>, vector<1x16xf32>,
      %get3A_903 = vector.shape_cast %get3A_902 : vector<1x16xf32> to vector<16xf32>
      %get3A_904 = arith.constant 9 : i32
      %get3A_905 = arith.index_cast %get3A_904 : i32 to index
      %get3A_906 = arith.constant 48 : index
      %get3A_907 = tpu.vector_load %arg6[%get3A_905, %get3A_906] {strides = array<i32>} : memref<20x128xi32, #tpu.memory_space<vmem>>, vector<1x16xi32>,
      %get3A_908 = vector.shape_cast %get3A_907 : vector<1x16xi32> to vector<16xi32>
      %lt3A_909 = arith.cmpf olt, %get3A_903, %select_n3A_897 : vector<16xf32>
      %select_n3A_910 = arith.select %lt3A_909, %get3A_903, %select_n3A_897 : vector<16xi1>, vector<16xf32>
      %select_n3A_911 = arith.select %lt3A_909, %get3A_908, %select_n3A_898 : vector<16xi1>, vector<16xi32>
      %get3A_912 = arith.constant 10 : i32
      %get3A_913 = arith.index_cast %get3A_912 : i32 to index
      %get3A_914 = arith.constant 48 : index
      %get3A_915 = tpu.vector_load %arg5[%get3A_913, %get3A_914] {strides = array<i32>} : memref<20x128xf32, #tpu.memory_space<vmem>>, vector<1x16xf32>,
      %get3A_916 = vector.shape_cast %get3A_915 : vector<1x16xf32> to vector<16xf32>
      %get3A_917 = arith.constant 10 : i32
      %get3A_918 = arith.index_cast %get3A_917 : i32 to index
      %get3A_919 = arith.constant 48 : index
      %get3A_920 = tpu.vector_load %arg6[%get3A_918, %get3A_919] {strides = array<i32>} : memref<20x128xi32, #tpu.memory_space<vmem>>, vector<1x16xi32>,
      %get3A_921 = vector.shape_cast %get3A_920 : vector<1x16xi32> to vector<16xi32>
      %lt3A_922 = arith.cmpf olt, %get3A_916, %select_n3A_910 : vector<16xf32>
      %select_n3A_923 = arith.select %lt3A_922, %get3A_916, %select_n3A_910 : vector<16xi1>, vector<16xf32>
      %select_n3A_924 = arith.select %lt3A_922, %get3A_921, %select_n3A_911 : vector<16xi1>, vector<16xi32>
      %get3A_925 = arith.constant 11 : i32
      %get3A_926 = arith.index_cast %get3A_925 : i32 to index
      %get3A_927 = arith.constant 48 : index
      %get3A_928 = tpu.vector_load %arg5[%get3A_926, %get3A_927] {strides = array<i32>} : memref<20x128xf32, #tpu.memory_space<vmem>>, vector<1x16xf32>,
      %get3A_929 = vector.shape_cast %get3A_928 : vector<1x16xf32> to vector<16xf32>
      %get3A_930 = arith.constant 11 : i32
      %get3A_931 = arith.index_cast %get3A_930 : i32 to index
      %get3A_932 = arith.constant 48 : index
      %get3A_933 = tpu.vector_load %arg6[%get3A_931, %get3A_932] {strides = array<i32>} : memref<20x128xi32, #tpu.memory_space<vmem>>, vector<1x16xi32>,
      %get3A_934 = vector.shape_cast %get3A_933 : vector<1x16xi32> to vector<16xi32>
      %lt3A_935 = arith.cmpf olt, %get3A_929, %select_n3A_923 : vector<16xf32>
      %select_n3A_936 = arith.select %lt3A_935, %get3A_929, %select_n3A_923 : vector<16xi1>, vector<16xf32>
      %select_n3A_937 = arith.select %lt3A_935, %get3A_934, %select_n3A_924 : vector<16xi1>, vector<16xi32>
      %get3A_938 = arith.constant 12 : i32
      %get3A_939 = arith.index_cast %get3A_938 : i32 to index
      %get3A_940 = arith.constant 48 : index
      %get3A_941 = tpu.vector_load %arg5[%get3A_939, %get3A_940] {strides = array<i32>} : memref<20x128xf32, #tpu.memory_space<vmem>>, vector<1x16xf32>,
      %get3A_942 = vector.shape_cast %get3A_941 : vector<1x16xf32> to vector<16xf32>
      %get3A_943 = arith.constant 12 : i32
      %get3A_944 = arith.index_cast %get3A_943 : i32 to index
      %get3A_945 = arith.constant 48 : index
      %get3A_946 = tpu.vector_load %arg6[%get3A_944, %get3A_945] {strides = array<i32>} : memref<20x128xi32, #tpu.memory_space<vmem>>, vector<1x16xi32>,
      %get3A_947 = vector.shape_cast %get3A_946 : vector<1x16xi32> to vector<16xi32>
      %lt3A_948 = arith.cmpf olt, %get3A_942, %select_n3A_936 : vector<16xf32>
      %select_n3A_949 = arith.select %lt3A_948, %get3A_942, %select_n3A_936 : vector<16xi1>, vector<16xf32>
      %select_n3A_950 = arith.select %lt3A_948, %get3A_947, %select_n3A_937 : vector<16xi1>, vector<16xi32>
      %get3A_951 = arith.constant 13 : i32
      %get3A_952 = arith.index_cast %get3A_951 : i32 to index
      %get3A_953 = arith.constant 48 : index
      %get3A_954 = tpu.vector_load %arg5[%get3A_952, %get3A_953] {strides = array<i32>} : memref<20x128xf32, #tpu.memory_space<vmem>>, vector<1x16xf32>,
      %get3A_955 = vector.shape_cast %get3A_954 : vector<1x16xf32> to vector<16xf32>
      %get3A_956 = arith.constant 13 : i32
      %get3A_957 = arith.index_cast %get3A_956 : i32 to index
      %get3A_958 = arith.constant 48 : index
      %get3A_959 = tpu.vector_load %arg6[%get3A_957, %get3A_958] {strides = array<i32>} : memref<20x128xi32, #tpu.memory_space<vmem>>, vector<1x16xi32>,
      %get3A_960 = vector.shape_cast %get3A_959 : vector<1x16xi32> to vector<16xi32>
      %lt3A_961 = arith.cmpf olt, %get3A_955, %select_n3A_949 : vector<16xf32>
      %select_n3A_962 = arith.select %lt3A_961, %get3A_955, %select_n3A_949 : vector<16xi1>, vector<16xf32>
      %select_n3A_963 = arith.select %lt3A_961, %get3A_960, %select_n3A_950 : vector<16xi1>, vector<16xi32>
      %get3A_964 = arith.constant 14 : i32
      %get3A_965 = arith.index_cast %get3A_964 : i32 to index
      %get3A_966 = arith.constant 48 : index
      %get3A_967 = tpu.vector_load %arg5[%get3A_965, %get3A_966] {strides = array<i32>} : memref<20x128xf32, #tpu.memory_space<vmem>>, vector<1x16xf32>,
      %get3A_968 = vector.shape_cast %get3A_967 : vector<1x16xf32> to vector<16xf32>
      %get3A_969 = arith.constant 14 : i32
      %get3A_970 = arith.index_cast %get3A_969 : i32 to index
      %get3A_971 = arith.constant 48 : index
      %get3A_972 = tpu.vector_load %arg6[%get3A_970, %get3A_971] {strides = array<i32>} : memref<20x128xi32, #tpu.memory_space<vmem>>, vector<1x16xi32>,
      %get3A_973 = vector.shape_cast %get3A_972 : vector<1x16xi32> to vector<16xi32>
      %lt3A_974 = arith.cmpf olt, %get3A_968, %select_n3A_962 : vector<16xf32>
      %select_n3A_975 = arith.select %lt3A_974, %get3A_968, %select_n3A_962 : vector<16xi1>, vector<16xf32>
      %select_n3A_976 = arith.select %lt3A_974, %get3A_973, %select_n3A_963 : vector<16xi1>, vector<16xi32>
      %get3A_977 = arith.constant 15 : i32
      %get3A_978 = arith.index_cast %get3A_977 : i32 to index
      %get3A_979 = arith.constant 48 : index
      %get3A_980 = tpu.vector_load %arg5[%get3A_978, %get3A_979] {strides = array<i32>} : memref<20x128xf32, #tpu.memory_space<vmem>>, vector<1x16xf32>,
      %get3A_981 = vector.shape_cast %get3A_980 : vector<1x16xf32> to vector<16xf32>
      %get3A_982 = arith.constant 15 : i32
      %get3A_983 = arith.index_cast %get3A_982 : i32 to index
      %get3A_984 = arith.constant 48 : index
      %get3A_985 = tpu.vector_load %arg6[%get3A_983, %get3A_984] {strides = array<i32>} : memref<20x128xi32, #tpu.memory_space<vmem>>, vector<1x16xi32>,
      %get3A_986 = vector.shape_cast %get3A_985 : vector<1x16xi32> to vector<16xi32>
      %lt3A_987 = arith.cmpf olt, %get3A_981, %select_n3A_975 : vector<16xf32>
      %select_n3A_988 = arith.select %lt3A_987, %get3A_981, %select_n3A_975 : vector<16xi1>, vector<16xf32>
      %select_n3A_989 = arith.select %lt3A_987, %get3A_986, %select_n3A_976 : vector<16xi1>, vector<16xi32>
      %get3A_990 = arith.constant 16 : i32
      %get3A_991 = arith.index_cast %get3A_990 : i32 to index
      %get3A_992 = arith.constant 48 : index
      %get3A_993 = tpu.vector_load %arg5[%get3A_991, %get3A_992] {strides = array<i32>} : memref<20x128xf32, #tpu.memory_space<vmem>>, vector<1x16xf32>,
      %get3A_994 = vector.shape_cast %get3A_993 : vector<1x16xf32> to vector<16xf32>
      %get3A_995 = arith.constant 16 : i32
      %get3A_996 = arith.index_cast %get3A_995 : i32 to index
      %get3A_997 = arith.constant 48 : index
      %get3A_998 = tpu.vector_load %arg6[%get3A_996, %get3A_997] {strides = array<i32>} : memref<20x128xi32, #tpu.memory_space<vmem>>, vector<1x16xi32>,
      %get3A_999 = vector.shape_cast %get3A_998 : vector<1x16xi32> to vector<16xi32>
      %lt3A_1000 = arith.cmpf olt, %get3A_994, %select_n3A_988 : vector<16xf32>
      %select_n3A_1001 = arith.select %lt3A_1000, %get3A_994, %select_n3A_988 : vector<16xi1>, vector<16xf32>
      %select_n3A_1002 = arith.select %lt3A_1000, %get3A_999, %select_n3A_989 : vector<16xi1>, vector<16xi32>
      %get3A_1003 = arith.constant 17 : i32
      %get3A_1004 = arith.index_cast %get3A_1003 : i32 to index
      %get3A_1005 = arith.constant 48 : index
      %get3A_1006 = tpu.vector_load %arg5[%get3A_1004, %get3A_1005] {strides = array<i32>} : memref<20x128xf32, #tpu.memory_space<vmem>>, vector<1x16xf32>,
      %get3A_1007 = vector.shape_cast %get3A_1006 : vector<1x16xf32> to vector<16xf32>
      %get3A_1008 = arith.constant 17 : i32
      %get3A_1009 = arith.index_cast %get3A_1008 : i32 to index
      %get3A_1010 = arith.constant 48 : index
      %get3A_1011 = tpu.vector_load %arg6[%get3A_1009, %get3A_1010] {strides = array<i32>} : memref<20x128xi32, #tpu.memory_space<vmem>>, vector<1x16xi32>,
      %get3A_1012 = vector.shape_cast %get3A_1011 : vector<1x16xi32> to vector<16xi32>
      %lt3A_1013 = arith.cmpf olt, %get3A_1007, %select_n3A_1001 : vector<16xf32>
      %select_n3A_1014 = arith.select %lt3A_1013, %get3A_1007, %select_n3A_1001 : vector<16xi1>, vector<16xf32>
      %select_n3A_1015 = arith.select %lt3A_1013, %get3A_1012, %select_n3A_1002 : vector<16xi1>, vector<16xi32>
      %get3A_1016 = arith.constant 18 : i32
      %get3A_1017 = arith.index_cast %get3A_1016 : i32 to index
      %get3A_1018 = arith.constant 48 : index
      %get3A_1019 = tpu.vector_load %arg5[%get3A_1017, %get3A_1018] {strides = array<i32>} : memref<20x128xf32, #tpu.memory_space<vmem>>, vector<1x16xf32>,
      %get3A_1020 = vector.shape_cast %get3A_1019 : vector<1x16xf32> to vector<16xf32>
      %get3A_1021 = arith.constant 18 : i32
      %get3A_1022 = arith.index_cast %get3A_1021 : i32 to index
      %get3A_1023 = arith.constant 48 : index
      %get3A_1024 = tpu.vector_load %arg6[%get3A_1022, %get3A_1023] {strides = array<i32>} : memref<20x128xi32, #tpu.memory_space<vmem>>, vector<1x16xi32>,
      %get3A_1025 = vector.shape_cast %get3A_1024 : vector<1x16xi32> to vector<16xi32>
      %lt3A_1026 = arith.cmpf olt, %get3A_1020, %select_n3A_1014 : vector<16xf32>
      %select_n3A_1027 = arith.select %lt3A_1026, %get3A_1020, %select_n3A_1014 : vector<16xi1>, vector<16xf32>
      %select_n3A_1028 = arith.select %lt3A_1026, %get3A_1025, %select_n3A_1015 : vector<16xi1>, vector<16xi32>
      %get3A_1029 = arith.constant 19 : i32
      %get3A_1030 = arith.index_cast %get3A_1029 : i32 to index
      %get3A_1031 = arith.constant 48 : index
      %get3A_1032 = tpu.vector_load %arg5[%get3A_1030, %get3A_1031] {strides = array<i32>} : memref<20x128xf32, #tpu.memory_space<vmem>>, vector<1x16xf32>,
      %get3A_1033 = vector.shape_cast %get3A_1032 : vector<1x16xf32> to vector<16xf32>
      %get3A_1034 = arith.constant 19 : i32
      %get3A_1035 = arith.index_cast %get3A_1034 : i32 to index
      %get3A_1036 = arith.constant 48 : index
      %get3A_1037 = tpu.vector_load %arg6[%get3A_1035, %get3A_1036] {strides = array<i32>} : memref<20x128xi32, #tpu.memory_space<vmem>>, vector<1x16xi32>,
      %get3A_1038 = vector.shape_cast %get3A_1037 : vector<1x16xi32> to vector<16xi32>
      %lt3A_1039 = arith.cmpf olt, %get3A_1033, %select_n3A_1027 : vector<16xf32>
      %select_n3A_1040 = arith.select %lt3A_1039, %get3A_1033, %select_n3A_1027 : vector<16xi1>, vector<16xf32>
      %select_n3A_1041 = arith.select %lt3A_1039, %get3A_1038, %select_n3A_1028 : vector<16xi1>, vector<16xi32>
      %swap3A_1042 = arith.constant 48 : index
      %swap3A_1043 = tpu.vector_load %arg7[%swap3A_1042] {strides = array<i32>} : memref<128xi32, #tpu.memory_space<vmem>>, vector<16xi32>,
      %swap3A_1044 = vector.shape_cast %swap3A_1043 : vector<16xi32> to vector<16xi32>
      %swap3A_1045 = vector.shape_cast %select_n3A_1041 : vector<16xi32> to vector<16xi32>
      tpu.vector_store %arg7[%swap3A_1042], %swap3A_1045 {strides = array<i32>} : memref<128xi32, #tpu.memory_space<vmem>>, vector<16xi32>,
      %get3A_1046 = arith.constant 0 : i32
      %get3A_1047 = arith.index_cast %get3A_1046 : i32 to index
      %get3A_1048 = arith.constant 64 : index
      %get3A_1049 = tpu.vector_load %arg5[%get3A_1047, %get3A_1048] {strides = array<i32>} : memref<20x128xf32, #tpu.memory_space<vmem>>, vector<1x16xf32>,
      %get3A_1050 = vector.shape_cast %get3A_1049 : vector<1x16xf32> to vector<16xf32>
      %get3A_1051 = arith.constant 0 : i32
      %get3A_1052 = arith.index_cast %get3A_1051 : i32 to index
      %get3A_1053 = arith.constant 64 : index
      %get3A_1054 = tpu.vector_load %arg6[%get3A_1052, %get3A_1053] {strides = array<i32>} : memref<20x128xi32, #tpu.memory_space<vmem>>, vector<1x16xi32>,
      %get3A_1055 = vector.shape_cast %get3A_1054 : vector<1x16xi32> to vector<16xi32>
      %get3A_1056 = arith.constant 1 : i32
      %get3A_1057 = arith.index_cast %get3A_1056 : i32 to index
      %get3A_1058 = arith.constant 64 : index
      %get3A_1059 = tpu.vector_load %arg5[%get3A_1057, %get3A_1058] {strides = array<i32>} : memref<20x128xf32, #tpu.memory_space<vmem>>, vector<1x16xf32>,
      %get3A_1060 = vector.shape_cast %get3A_1059 : vector<1x16xf32> to vector<16xf32>
      %get3A_1061 = arith.constant 1 : i32
      %get3A_1062 = arith.index_cast %get3A_1061 : i32 to index
      %get3A_1063 = arith.constant 64 : index
      %get3A_1064 = tpu.vector_load %arg6[%get3A_1062, %get3A_1063] {strides = array<i32>} : memref<20x128xi32, #tpu.memory_space<vmem>>, vector<1x16xi32>,
      %get3A_1065 = vector.shape_cast %get3A_1064 : vector<1x16xi32> to vector<16xi32>
      %lt3A_1066 = arith.cmpf olt, %get3A_1060, %get3A_1050 : vector<16xf32>
      %select_n3A_1067 = arith.select %lt3A_1066, %get3A_1060, %get3A_1050 : vector<16xi1>, vector<16xf32>
      %select_n3A_1068 = arith.select %lt3A_1066, %get3A_1065, %get3A_1055 : vector<16xi1>, vector<16xi32>
      %get3A_1069 = arith.constant 2 : i32
      %get3A_1070 = arith.index_cast %get3A_1069 : i32 to index
      %get3A_1071 = arith.constant 64 : index
      %get3A_1072 = tpu.vector_load %arg5[%get3A_1070, %get3A_1071] {strides = array<i32>} : memref<20x128xf32, #tpu.memory_space<vmem>>, vector<1x16xf32>,
      %get3A_1073 = vector.shape_cast %get3A_1072 : vector<1x16xf32> to vector<16xf32>
      %get3A_1074 = arith.constant 2 : i32
      %get3A_1075 = arith.index_cast %get3A_1074 : i32 to index
      %get3A_1076 = arith.constant 64 : index
      %get3A_1077 = tpu.vector_load %arg6[%get3A_1075, %get3A_1076] {strides = array<i32>} : memref<20x128xi32, #tpu.memory_space<vmem>>, vector<1x16xi32>,
      %get3A_1078 = vector.shape_cast %get3A_1077 : vector<1x16xi32> to vector<16xi32>
      %lt3A_1079 = arith.cmpf olt, %get3A_1073, %select_n3A_1067 : vector<16xf32>
      %select_n3A_1080 = arith.select %lt3A_1079, %get3A_1073, %select_n3A_1067 : vector<16xi1>, vector<16xf32>
      %select_n3A_1081 = arith.select %lt3A_1079, %get3A_1078, %select_n3A_1068 : vector<16xi1>, vector<16xi32>
      %get3A_1082 = arith.constant 3 : i32
      %get3A_1083 = arith.index_cast %get3A_1082 : i32 to index
      %get3A_1084 = arith.constant 64 : index
      %get3A_1085 = tpu.vector_load %arg5[%get3A_1083, %get3A_1084] {strides = array<i32>} : memref<20x128xf32, #tpu.memory_space<vmem>>, vector<1x16xf32>,
      %get3A_1086 = vector.shape_cast %get3A_1085 : vector<1x16xf32> to vector<16xf32>
      %get3A_1087 = arith.constant 3 : i32
      %get3A_1088 = arith.index_cast %get3A_1087 : i32 to index
      %get3A_1089 = arith.constant 64 : index
      %get3A_1090 = tpu.vector_load %arg6[%get3A_1088, %get3A_1089] {strides = array<i32>} : memref<20x128xi32, #tpu.memory_space<vmem>>, vector<1x16xi32>,
      %get3A_1091 = vector.shape_cast %get3A_1090 : vector<1x16xi32> to vector<16xi32>
      %lt3A_1092 = arith.cmpf olt, %get3A_1086, %select_n3A_1080 : vector<16xf32>
      %select_n3A_1093 = arith.select %lt3A_1092, %get3A_1086, %select_n3A_1080 : vector<16xi1>, vector<16xf32>
      %select_n3A_1094 = arith.select %lt3A_1092, %get3A_1091, %select_n3A_1081 : vector<16xi1>, vector<16xi32>
      %get3A_1095 = arith.constant 4 : i32
      %get3A_1096 = arith.index_cast %get3A_1095 : i32 to index
      %get3A_1097 = arith.constant 64 : index
      %get3A_1098 = tpu.vector_load %arg5[%get3A_1096, %get3A_1097] {strides = array<i32>} : memref<20x128xf32, #tpu.memory_space<vmem>>, vector<1x16xf32>,
      %get3A_1099 = vector.shape_cast %get3A_1098 : vector<1x16xf32> to vector<16xf32>
      %get3A_1100 = arith.constant 4 : i32
      %get3A_1101 = arith.index_cast %get3A_1100 : i32 to index
      %get3A_1102 = arith.constant 64 : index
      %get3A_1103 = tpu.vector_load %arg6[%get3A_1101, %get3A_1102] {strides = array<i32>} : memref<20x128xi32, #tpu.memory_space<vmem>>, vector<1x16xi32>,
      %get3A_1104 = vector.shape_cast %get3A_1103 : vector<1x16xi32> to vector<16xi32>
      %lt3A_1105 = arith.cmpf olt, %get3A_1099, %select_n3A_1093 : vector<16xf32>
      %select_n3A_1106 = arith.select %lt3A_1105, %get3A_1099, %select_n3A_1093 : vector<16xi1>, vector<16xf32>
      %select_n3A_1107 = arith.select %lt3A_1105, %get3A_1104, %select_n3A_1094 : vector<16xi1>, vector<16xi32>
      %get3A_1108 = arith.constant 5 : i32
      %get3A_1109 = arith.index_cast %get3A_1108 : i32 to index
      %get3A_1110 = arith.constant 64 : index
      %get3A_1111 = tpu.vector_load %arg5[%get3A_1109, %get3A_1110] {strides = array<i32>} : memref<20x128xf32, #tpu.memory_space<vmem>>, vector<1x16xf32>,
      %get3A_1112 = vector.shape_cast %get3A_1111 : vector<1x16xf32> to vector<16xf32>
      %get3A_1113 = arith.constant 5 : i32
      %get3A_1114 = arith.index_cast %get3A_1113 : i32 to index
      %get3A_1115 = arith.constant 64 : index
      %get3A_1116 = tpu.vector_load %arg6[%get3A_1114, %get3A_1115] {strides = array<i32>} : memref<20x128xi32, #tpu.memory_space<vmem>>, vector<1x16xi32>,
      %get3A_1117 = vector.shape_cast %get3A_1116 : vector<1x16xi32> to vector<16xi32>
      %lt3A_1118 = arith.cmpf olt, %get3A_1112, %select_n3A_1106 : vector<16xf32>
      %select_n3A_1119 = arith.select %lt3A_1118, %get3A_1112, %select_n3A_1106 : vector<16xi1>, vector<16xf32>
      %select_n3A_1120 = arith.select %lt3A_1118, %get3A_1117, %select_n3A_1107 : vector<16xi1>, vector<16xi32>
      %get3A_1121 = arith.constant 6 : i32
      %get3A_1122 = arith.index_cast %get3A_1121 : i32 to index
      %get3A_1123 = arith.constant 64 : index
      %get3A_1124 = tpu.vector_load %arg5[%get3A_1122, %get3A_1123] {strides = array<i32>} : memref<20x128xf32, #tpu.memory_space<vmem>>, vector<1x16xf32>,
      %get3A_1125 = vector.shape_cast %get3A_1124 : vector<1x16xf32> to vector<16xf32>
      %get3A_1126 = arith.constant 6 : i32
      %get3A_1127 = arith.index_cast %get3A_1126 : i32 to index
      %get3A_1128 = arith.constant 64 : index
      %get3A_1129 = tpu.vector_load %arg6[%get3A_1127, %get3A_1128] {strides = array<i32>} : memref<20x128xi32, #tpu.memory_space<vmem>>, vector<1x16xi32>,
      %get3A_1130 = vector.shape_cast %get3A_1129 : vector<1x16xi32> to vector<16xi32>
      %lt3A_1131 = arith.cmpf olt, %get3A_1125, %select_n3A_1119 : vector<16xf32>
      %select_n3A_1132 = arith.select %lt3A_1131, %get3A_1125, %select_n3A_1119 : vector<16xi1>, vector<16xf32>
      %select_n3A_1133 = arith.select %lt3A_1131, %get3A_1130, %select_n3A_1120 : vector<16xi1>, vector<16xi32>
      %get3A_1134 = arith.constant 7 : i32
      %get3A_1135 = arith.index_cast %get3A_1134 : i32 to index
      %get3A_1136 = arith.constant 64 : index
      %get3A_1137 = tpu.vector_load %arg5[%get3A_1135, %get3A_1136] {strides = array<i32>} : memref<20x128xf32, #tpu.memory_space<vmem>>, vector<1x16xf32>,
      %get3A_1138 = vector.shape_cast %get3A_1137 : vector<1x16xf32> to vector<16xf32>
      %get3A_1139 = arith.constant 7 : i32
      %get3A_1140 = arith.index_cast %get3A_1139 : i32 to index
      %get3A_1141 = arith.constant 64 : index
      %get3A_1142 = tpu.vector_load %arg6[%get3A_1140, %get3A_1141] {strides = array<i32>} : memref<20x128xi32, #tpu.memory_space<vmem>>, vector<1x16xi32>,
      %get3A_1143 = vector.shape_cast %get3A_1142 : vector<1x16xi32> to vector<16xi32>
      %lt3A_1144 = arith.cmpf olt, %get3A_1138, %select_n3A_1132 : vector<16xf32>
      %select_n3A_1145 = arith.select %lt3A_1144, %get3A_1138, %select_n3A_1132 : vector<16xi1>, vector<16xf32>
      %select_n3A_1146 = arith.select %lt3A_1144, %get3A_1143, %select_n3A_1133 : vector<16xi1>, vector<16xi32>
      %get3A_1147 = arith.constant 8 : i32
      %get3A_1148 = arith.index_cast %get3A_1147 : i32 to index
      %get3A_1149 = arith.constant 64 : index
      %get3A_1150 = tpu.vector_load %arg5[%get3A_1148, %get3A_1149] {strides = array<i32>} : memref<20x128xf32, #tpu.memory_space<vmem>>, vector<1x16xf32>,
      %get3A_1151 = vector.shape_cast %get3A_1150 : vector<1x16xf32> to vector<16xf32>
      %get3A_1152 = arith.constant 8 : i32
      %get3A_1153 = arith.index_cast %get3A_1152 : i32 to index
      %get3A_1154 = arith.constant 64 : index
      %get3A_1155 = tpu.vector_load %arg6[%get3A_1153, %get3A_1154] {strides = array<i32>} : memref<20x128xi32, #tpu.memory_space<vmem>>, vector<1x16xi32>,
      %get3A_1156 = vector.shape_cast %get3A_1155 : vector<1x16xi32> to vector<16xi32>
      %lt3A_1157 = arith.cmpf olt, %get3A_1151, %select_n3A_1145 : vector<16xf32>
      %select_n3A_1158 = arith.select %lt3A_1157, %get3A_1151, %select_n3A_1145 : vector<16xi1>, vector<16xf32>
      %select_n3A_1159 = arith.select %lt3A_1157, %get3A_1156, %select_n3A_1146 : vector<16xi1>, vector<16xi32>
      %get3A_1160 = arith.constant 9 : i32
      %get3A_1161 = arith.index_cast %get3A_1160 : i32 to index
      %get3A_1162 = arith.constant 64 : index
      %get3A_1163 = tpu.vector_load %arg5[%get3A_1161, %get3A_1162] {strides = array<i32>} : memref<20x128xf32, #tpu.memory_space<vmem>>, vector<1x16xf32>,
      %get3A_1164 = vector.shape_cast %get3A_1163 : vector<1x16xf32> to vector<16xf32>
      %get3A_1165 = arith.constant 9 : i32
      %get3A_1166 = arith.index_cast %get3A_1165 : i32 to index
      %get3A_1167 = arith.constant 64 : index
      %get3A_1168 = tpu.vector_load %arg6[%get3A_1166, %get3A_1167] {strides = array<i32>} : memref<20x128xi32, #tpu.memory_space<vmem>>, vector<1x16xi32>,
      %get3A_1169 = vector.shape_cast %get3A_1168 : vector<1x16xi32> to vector<16xi32>
      %lt3A_1170 = arith.cmpf olt, %get3A_1164, %select_n3A_1158 : vector<16xf32>
      %select_n3A_1171 = arith.select %lt3A_1170, %get3A_1164, %select_n3A_1158 : vector<16xi1>, vector<16xf32>
      %select_n3A_1172 = arith.select %lt3A_1170, %get3A_1169, %select_n3A_1159 : vector<16xi1>, vector<16xi32>
      %get3A_1173 = arith.constant 10 : i32
      %get3A_1174 = arith.index_cast %get3A_1173 : i32 to index
      %get3A_1175 = arith.constant 64 : index
      %get3A_1176 = tpu.vector_load %arg5[%get3A_1174, %get3A_1175] {strides = array<i32>} : memref<20x128xf32, #tpu.memory_space<vmem>>, vector<1x16xf32>,
      %get3A_1177 = vector.shape_cast %get3A_1176 : vector<1x16xf32> to vector<16xf32>
      %get3A_1178 = arith.constant 10 : i32
      %get3A_1179 = arith.index_cast %get3A_1178 : i32 to index
      %get3A_1180 = arith.constant 64 : index
      %get3A_1181 = tpu.vector_load %arg6[%get3A_1179, %get3A_1180] {strides = array<i32>} : memref<20x128xi32, #tpu.memory_space<vmem>>, vector<1x16xi32>,
      %get3A_1182 = vector.shape_cast %get3A_1181 : vector<1x16xi32> to vector<16xi32>
      %lt3A_1183 = arith.cmpf olt, %get3A_1177, %select_n3A_1171 : vector<16xf32>
      %select_n3A_1184 = arith.select %lt3A_1183, %get3A_1177, %select_n3A_1171 : vector<16xi1>, vector<16xf32>
      %select_n3A_1185 = arith.select %lt3A_1183, %get3A_1182, %select_n3A_1172 : vector<16xi1>, vector<16xi32>
      %get3A_1186 = arith.constant 11 : i32
      %get3A_1187 = arith.index_cast %get3A_1186 : i32 to index
      %get3A_1188 = arith.constant 64 : index
      %get3A_1189 = tpu.vector_load %arg5[%get3A_1187, %get3A_1188] {strides = array<i32>} : memref<20x128xf32, #tpu.memory_space<vmem>>, vector<1x16xf32>,
      %get3A_1190 = vector.shape_cast %get3A_1189 : vector<1x16xf32> to vector<16xf32>
      %get3A_1191 = arith.constant 11 : i32
      %get3A_1192 = arith.index_cast %get3A_1191 : i32 to index
      %get3A_1193 = arith.constant 64 : index
      %get3A_1194 = tpu.vector_load %arg6[%get3A_1192, %get3A_1193] {strides = array<i32>} : memref<20x128xi32, #tpu.memory_space<vmem>>, vector<1x16xi32>,
      %get3A_1195 = vector.shape_cast %get3A_1194 : vector<1x16xi32> to vector<16xi32>
      %lt3A_1196 = arith.cmpf olt, %get3A_1190, %select_n3A_1184 : vector<16xf32>
      %select_n3A_1197 = arith.select %lt3A_1196, %get3A_1190, %select_n3A_1184 : vector<16xi1>, vector<16xf32>
      %select_n3A_1198 = arith.select %lt3A_1196, %get3A_1195, %select_n3A_1185 : vector<16xi1>, vector<16xi32>
      %get3A_1199 = arith.constant 12 : i32
      %get3A_1200 = arith.index_cast %get3A_1199 : i32 to index
      %get3A_1201 = arith.constant 64 : index
      %get3A_1202 = tpu.vector_load %arg5[%get3A_1200, %get3A_1201] {strides = array<i32>} : memref<20x128xf32, #tpu.memory_space<vmem>>, vector<1x16xf32>,
      %get3A_1203 = vector.shape_cast %get3A_1202 : vector<1x16xf32> to vector<16xf32>
      %get3A_1204 = arith.constant 12 : i32
      %get3A_1205 = arith.index_cast %get3A_1204 : i32 to index
      %get3A_1206 = arith.constant 64 : index
      %get3A_1207 = tpu.vector_load %arg6[%get3A_1205, %get3A_1206] {strides = array<i32>} : memref<20x128xi32, #tpu.memory_space<vmem>>, vector<1x16xi32>,
      %get3A_1208 = vector.shape_cast %get3A_1207 : vector<1x16xi32> to vector<16xi32>
      %lt3A_1209 = arith.cmpf olt, %get3A_1203, %select_n3A_1197 : vector<16xf32>
      %select_n3A_1210 = arith.select %lt3A_1209, %get3A_1203, %select_n3A_1197 : vector<16xi1>, vector<16xf32>
      %select_n3A_1211 = arith.select %lt3A_1209, %get3A_1208, %select_n3A_1198 : vector<16xi1>, vector<16xi32>
      %get3A_1212 = arith.constant 13 : i32
      %get3A_1213 = arith.index_cast %get3A_1212 : i32 to index
      %get3A_1214 = arith.constant 64 : index
      %get3A_1215 = tpu.vector_load %arg5[%get3A_1213, %get3A_1214] {strides = array<i32>} : memref<20x128xf32, #tpu.memory_space<vmem>>, vector<1x16xf32>,
      %get3A_1216 = vector.shape_cast %get3A_1215 : vector<1x16xf32> to vector<16xf32>
      %get3A_1217 = arith.constant 13 : i32
      %get3A_1218 = arith.index_cast %get3A_1217 : i32 to index
      %get3A_1219 = arith.constant 64 : index
      %get3A_1220 = tpu.vector_load %arg6[%get3A_1218, %get3A_1219] {strides = array<i32>} : memref<20x128xi32, #tpu.memory_space<vmem>>, vector<1x16xi32>,
      %get3A_1221 = vector.shape_cast %get3A_1220 : vector<1x16xi32> to vector<16xi32>
      %lt3A_1222 = arith.cmpf olt, %get3A_1216, %select_n3A_1210 : vector<16xf32>
      %select_n3A_1223 = arith.select %lt3A_1222, %get3A_1216, %select_n3A_1210 : vector<16xi1>, vector<16xf32>
      %select_n3A_1224 = arith.select %lt3A_1222, %get3A_1221, %select_n3A_1211 : vector<16xi1>, vector<16xi32>
      %get3A_1225 = arith.constant 14 : i32
      %get3A_1226 = arith.index_cast %get3A_1225 : i32 to index
      %get3A_1227 = arith.constant 64 : index
      %get3A_1228 = tpu.vector_load %arg5[%get3A_1226, %get3A_1227] {strides = array<i32>} : memref<20x128xf32, #tpu.memory_space<vmem>>, vector<1x16xf32>,
      %get3A_1229 = vector.shape_cast %get3A_1228 : vector<1x16xf32> to vector<16xf32>
      %get3A_1230 = arith.constant 14 : i32
      %get3A_1231 = arith.index_cast %get3A_1230 : i32 to index
      %get3A_1232 = arith.constant 64 : index
      %get3A_1233 = tpu.vector_load %arg6[%get3A_1231, %get3A_1232] {strides = array<i32>} : memref<20x128xi32, #tpu.memory_space<vmem>>, vector<1x16xi32>,
      %get3A_1234 = vector.shape_cast %get3A_1233 : vector<1x16xi32> to vector<16xi32>
      %lt3A_1235 = arith.cmpf olt, %get3A_1229, %select_n3A_1223 : vector<16xf32>
      %select_n3A_1236 = arith.select %lt3A_1235, %get3A_1229, %select_n3A_1223 : vector<16xi1>, vector<16xf32>
      %select_n3A_1237 = arith.select %lt3A_1235, %get3A_1234, %select_n3A_1224 : vector<16xi1>, vector<16xi32>
      %get3A_1238 = arith.constant 15 : i32
      %get3A_1239 = arith.index_cast %get3A_1238 : i32 to index
      %get3A_1240 = arith.constant 64 : index
      %get3A_1241 = tpu.vector_load %arg5[%get3A_1239, %get3A_1240] {strides = array<i32>} : memref<20x128xf32, #tpu.memory_space<vmem>>, vector<1x16xf32>,
      %get3A_1242 = vector.shape_cast %get3A_1241 : vector<1x16xf32> to vector<16xf32>
      %get3A_1243 = arith.constant 15 : i32
      %get3A_1244 = arith.index_cast %get3A_1243 : i32 to index
      %get3A_1245 = arith.constant 64 : index
      %get3A_1246 = tpu.vector_load %arg6[%get3A_1244, %get3A_1245] {strides = array<i32>} : memref<20x128xi32, #tpu.memory_space<vmem>>, vector<1x16xi32>,
      %get3A_1247 = vector.shape_cast %get3A_1246 : vector<1x16xi32> to vector<16xi32>
      %lt3A_1248 = arith.cmpf olt, %get3A_1242, %select_n3A_1236 : vector<16xf32>
      %select_n3A_1249 = arith.select %lt3A_1248, %get3A_1242, %select_n3A_1236 : vector<16xi1>, vector<16xf32>
      %select_n3A_1250 = arith.select %lt3A_1248, %get3A_1247, %select_n3A_1237 : vector<16xi1>, vector<16xi32>
      %get3A_1251 = arith.constant 16 : i32
      %get3A_1252 = arith.index_cast %get3A_1251 : i32 to index
      %get3A_1253 = arith.constant 64 : index
      %get3A_1254 = tpu.vector_load %arg5[%get3A_1252, %get3A_1253] {strides = array<i32>} : memref<20x128xf32, #tpu.memory_space<vmem>>, vector<1x16xf32>,
      %get3A_1255 = vector.shape_cast %get3A_1254 : vector<1x16xf32> to vector<16xf32>
      %get3A_1256 = arith.constant 16 : i32
      %get3A_1257 = arith.index_cast %get3A_1256 : i32 to index
      %get3A_1258 = arith.constant 64 : index
      %get3A_1259 = tpu.vector_load %arg6[%get3A_1257, %get3A_1258] {strides = array<i32>} : memref<20x128xi32, #tpu.memory_space<vmem>>, vector<1x16xi32>,
      %get3A_1260 = vector.shape_cast %get3A_1259 : vector<1x16xi32> to vector<16xi32>
      %lt3A_1261 = arith.cmpf olt, %get3A_1255, %select_n3A_1249 : vector<16xf32>
      %select_n3A_1262 = arith.select %lt3A_1261, %get3A_1255, %select_n3A_1249 : vector<16xi1>, vector<16xf32>
      %select_n3A_1263 = arith.select %lt3A_1261, %get3A_1260, %select_n3A_1250 : vector<16xi1>, vector<16xi32>
      %get3A_1264 = arith.constant 17 : i32
      %get3A_1265 = arith.index_cast %get3A_1264 : i32 to index
      %get3A_1266 = arith.constant 64 : index
      %get3A_1267 = tpu.vector_load %arg5[%get3A_1265, %get3A_1266] {strides = array<i32>} : memref<20x128xf32, #tpu.memory_space<vmem>>, vector<1x16xf32>,
      %get3A_1268 = vector.shape_cast %get3A_1267 : vector<1x16xf32> to vector<16xf32>
      %get3A_1269 = arith.constant 17 : i32
      %get3A_1270 = arith.index_cast %get3A_1269 : i32 to index
      %get3A_1271 = arith.constant 64 : index
      %get3A_1272 = tpu.vector_load %arg6[%get3A_1270, %get3A_1271] {strides = array<i32>} : memref<20x128xi32, #tpu.memory_space<vmem>>, vector<1x16xi32>,
      %get3A_1273 = vector.shape_cast %get3A_1272 : vector<1x16xi32> to vector<16xi32>
      %lt3A_1274 = arith.cmpf olt, %get3A_1268, %select_n3A_1262 : vector<16xf32>
      %select_n3A_1275 = arith.select %lt3A_1274, %get3A_1268, %select_n3A_1262 : vector<16xi1>, vector<16xf32>
      %select_n3A_1276 = arith.select %lt3A_1274, %get3A_1273, %select_n3A_1263 : vector<16xi1>, vector<16xi32>
      %get3A_1277 = arith.constant 18 : i32
      %get3A_1278 = arith.index_cast %get3A_1277 : i32 to index
      %get3A_1279 = arith.constant 64 : index
      %get3A_1280 = tpu.vector_load %arg5[%get3A_1278, %get3A_1279] {strides = array<i32>} : memref<20x128xf32, #tpu.memory_space<vmem>>, vector<1x16xf32>,
      %get3A_1281 = vector.shape_cast %get3A_1280 : vector<1x16xf32> to vector<16xf32>
      %get3A_1282 = arith.constant 18 : i32
      %get3A_1283 = arith.index_cast %get3A_1282 : i32 to index
      %get3A_1284 = arith.constant 64 : index
      %get3A_1285 = tpu.vector_load %arg6[%get3A_1283, %get3A_1284] {strides = array<i32>} : memref<20x128xi32, #tpu.memory_space<vmem>>, vector<1x16xi32>,
      %get3A_1286 = vector.shape_cast %get3A_1285 : vector<1x16xi32> to vector<16xi32>
      %lt3A_1287 = arith.cmpf olt, %get3A_1281, %select_n3A_1275 : vector<16xf32>
      %select_n3A_1288 = arith.select %lt3A_1287, %get3A_1281, %select_n3A_1275 : vector<16xi1>, vector<16xf32>
      %select_n3A_1289 = arith.select %lt3A_1287, %get3A_1286, %select_n3A_1276 : vector<16xi1>, vector<16xi32>
      %get3A_1290 = arith.constant 19 : i32
      %get3A_1291 = arith.index_cast %get3A_1290 : i32 to index
      %get3A_1292 = arith.constant 64 : index
      %get3A_1293 = tpu.vector_load %arg5[%get3A_1291, %get3A_1292] {strides = array<i32>} : memref<20x128xf32, #tpu.memory_space<vmem>>, vector<1x16xf32>,
      %get3A_1294 = vector.shape_cast %get3A_1293 : vector<1x16xf32> to vector<16xf32>
      %get3A_1295 = arith.constant 19 : i32
      %get3A_1296 = arith.index_cast %get3A_1295 : i32 to index
      %get3A_1297 = arith.constant 64 : index
      %get3A_1298 = tpu.vector_load %arg6[%get3A_1296, %get3A_1297] {strides = array<i32>} : memref<20x128xi32, #tpu.memory_space<vmem>>, vector<1x16xi32>,
      %get3A_1299 = vector.shape_cast %get3A_1298 : vector<1x16xi32> to vector<16xi32>
      %lt3A_1300 = arith.cmpf olt, %get3A_1294, %select_n3A_1288 : vector<16xf32>
      %select_n3A_1301 = arith.select %lt3A_1300, %get3A_1294, %select_n3A_1288 : vector<16xi1>, vector<16xf32>
      %select_n3A_1302 = arith.select %lt3A_1300, %get3A_1299, %select_n3A_1289 : vector<16xi1>, vector<16xi32>
      %swap3A_1303 = arith.constant 64 : index
      %swap3A_1304 = tpu.vector_load %arg7[%swap3A_1303] {strides = array<i32>} : memref<128xi32, #tpu.memory_space<vmem>>, vector<16xi32>,
      %swap3A_1305 = vector.shape_cast %swap3A_1304 : vector<16xi32> to vector<16xi32>
      %swap3A_1306 = vector.shape_cast %select_n3A_1302 : vector<16xi32> to vector<16xi32>
      tpu.vector_store %arg7[%swap3A_1303], %swap3A_1306 {strides = array<i32>} : memref<128xi32, #tpu.memory_space<vmem>>, vector<16xi32>,
      %get3A_1307 = arith.constant 0 : i32
      %get3A_1308 = arith.index_cast %get3A_1307 : i32 to index
      %get3A_1309 = arith.constant 80 : index
      %get3A_1310 = tpu.vector_load %arg5[%get3A_1308, %get3A_1309] {strides = array<i32>} : memref<20x128xf32, #tpu.memory_space<vmem>>, vector<1x16xf32>,
      %get3A_1311 = vector.shape_cast %get3A_1310 : vector<1x16xf32> to vector<16xf32>
      %get3A_1312 = arith.constant 0 : i32
      %get3A_1313 = arith.index_cast %get3A_1312 : i32 to index
      %get3A_1314 = arith.constant 80 : index
      %get3A_1315 = tpu.vector_load %arg6[%get3A_1313, %get3A_1314] {strides = array<i32>} : memref<20x128xi32, #tpu.memory_space<vmem>>, vector<1x16xi32>,
      %get3A_1316 = vector.shape_cast %get3A_1315 : vector<1x16xi32> to vector<16xi32>
      %get3A_1317 = arith.constant 1 : i32
      %get3A_1318 = arith.index_cast %get3A_1317 : i32 to index
      %get3A_1319 = arith.constant 80 : index
      %get3A_1320 = tpu.vector_load %arg5[%get3A_1318, %get3A_1319] {strides = array<i32>} : memref<20x128xf32, #tpu.memory_space<vmem>>, vector<1x16xf32>,
      %get3A_1321 = vector.shape_cast %get3A_1320 : vector<1x16xf32> to vector<16xf32>
      %get3A_1322 = arith.constant 1 : i32
      %get3A_1323 = arith.index_cast %get3A_1322 : i32 to index
      %get3A_1324 = arith.constant 80 : index
      %get3A_1325 = tpu.vector_load %arg6[%get3A_1323, %get3A_1324] {strides = array<i32>} : memref<20x128xi32, #tpu.memory_space<vmem>>, vector<1x16xi32>,
      %get3A_1326 = vector.shape_cast %get3A_1325 : vector<1x16xi32> to vector<16xi32>
      %lt3A_1327 = arith.cmpf olt, %get3A_1321, %get3A_1311 : vector<16xf32>
      %select_n3A_1328 = arith.select %lt3A_1327, %get3A_1321, %get3A_1311 : vector<16xi1>, vector<16xf32>
      %select_n3A_1329 = arith.select %lt3A_1327, %get3A_1326, %get3A_1316 : vector<16xi1>, vector<16xi32>
      %get3A_1330 = arith.constant 2 : i32
      %get3A_1331 = arith.index_cast %get3A_1330 : i32 to index
      %get3A_1332 = arith.constant 80 : index
      %get3A_1333 = tpu.vector_load %arg5[%get3A_1331, %get3A_1332] {strides = array<i32>} : memref<20x128xf32, #tpu.memory_space<vmem>>, vector<1x16xf32>,
      %get3A_1334 = vector.shape_cast %get3A_1333 : vector<1x16xf32> to vector<16xf32>
      %get3A_1335 = arith.constant 2 : i32
      %get3A_1336 = arith.index_cast %get3A_1335 : i32 to index
      %get3A_1337 = arith.constant 80 : index
      %get3A_1338 = tpu.vector_load %arg6[%get3A_1336, %get3A_1337] {strides = array<i32>} : memref<20x128xi32, #tpu.memory_space<vmem>>, vector<1x16xi32>,
      %get3A_1339 = vector.shape_cast %get3A_1338 : vector<1x16xi32> to vector<16xi32>
      %lt3A_1340 = arith.cmpf olt, %get3A_1334, %select_n3A_1328 : vector<16xf32>
      %select_n3A_1341 = arith.select %lt3A_1340, %get3A_1334, %select_n3A_1328 : vector<16xi1>, vector<16xf32>
      %select_n3A_1342 = arith.select %lt3A_1340, %get3A_1339, %select_n3A_1329 : vector<16xi1>, vector<16xi32>
      %get3A_1343 = arith.constant 3 : i32
      %get3A_1344 = arith.index_cast %get3A_1343 : i32 to index
      %get3A_1345 = arith.constant 80 : index
      %get3A_1346 = tpu.vector_load %arg5[%get3A_1344, %get3A_1345] {strides = array<i32>} : memref<20x128xf32, #tpu.memory_space<vmem>>, vector<1x16xf32>,
      %get3A_1347 = vector.shape_cast %get3A_1346 : vector<1x16xf32> to vector<16xf32>
      %get3A_1348 = arith.constant 3 : i32
      %get3A_1349 = arith.index_cast %get3A_1348 : i32 to index
      %get3A_1350 = arith.constant 80 : index
      %get3A_1351 = tpu.vector_load %arg6[%get3A_1349, %get3A_1350] {strides = array<i32>} : memref<20x128xi32, #tpu.memory_space<vmem>>, vector<1x16xi32>,
      %get3A_1352 = vector.shape_cast %get3A_1351 : vector<1x16xi32> to vector<16xi32>
      %lt3A_1353 = arith.cmpf olt, %get3A_1347, %select_n3A_1341 : vector<16xf32>
      %select_n3A_1354 = arith.select %lt3A_1353, %get3A_1347, %select_n3A_1341 : vector<16xi1>, vector<16xf32>
      %select_n3A_1355 = arith.select %lt3A_1353, %get3A_1352, %select_n3A_1342 : vector<16xi1>, vector<16xi32>
      %get3A_1356 = arith.constant 4 : i32
      %get3A_1357 = arith.index_cast %get3A_1356 : i32 to index
      %get3A_1358 = arith.constant 80 : index
      %get3A_1359 = tpu.vector_load %arg5[%get3A_1357, %get3A_1358] {strides = array<i32>} : memref<20x128xf32, #tpu.memory_space<vmem>>, vector<1x16xf32>,
      %get3A_1360 = vector.shape_cast %get3A_1359 : vector<1x16xf32> to vector<16xf32>
      %get3A_1361 = arith.constant 4 : i32
      %get3A_1362 = arith.index_cast %get3A_1361 : i32 to index
      %get3A_1363 = arith.constant 80 : index
      %get3A_1364 = tpu.vector_load %arg6[%get3A_1362, %get3A_1363] {strides = array<i32>} : memref<20x128xi32, #tpu.memory_space<vmem>>, vector<1x16xi32>,
      %get3A_1365 = vector.shape_cast %get3A_1364 : vector<1x16xi32> to vector<16xi32>
      %lt3A_1366 = arith.cmpf olt, %get3A_1360, %select_n3A_1354 : vector<16xf32>
      %select_n3A_1367 = arith.select %lt3A_1366, %get3A_1360, %select_n3A_1354 : vector<16xi1>, vector<16xf32>
      %select_n3A_1368 = arith.select %lt3A_1366, %get3A_1365, %select_n3A_1355 : vector<16xi1>, vector<16xi32>
      %get3A_1369 = arith.constant 5 : i32
      %get3A_1370 = arith.index_cast %get3A_1369 : i32 to index
      %get3A_1371 = arith.constant 80 : index
      %get3A_1372 = tpu.vector_load %arg5[%get3A_1370, %get3A_1371] {strides = array<i32>} : memref<20x128xf32, #tpu.memory_space<vmem>>, vector<1x16xf32>,
      %get3A_1373 = vector.shape_cast %get3A_1372 : vector<1x16xf32> to vector<16xf32>
      %get3A_1374 = arith.constant 5 : i32
      %get3A_1375 = arith.index_cast %get3A_1374 : i32 to index
      %get3A_1376 = arith.constant 80 : index
      %get3A_1377 = tpu.vector_load %arg6[%get3A_1375, %get3A_1376] {strides = array<i32>} : memref<20x128xi32, #tpu.memory_space<vmem>>, vector<1x16xi32>,
      %get3A_1378 = vector.shape_cast %get3A_1377 : vector<1x16xi32> to vector<16xi32>
      %lt3A_1379 = arith.cmpf olt, %get3A_1373, %select_n3A_1367 : vector<16xf32>
      %select_n3A_1380 = arith.select %lt3A_1379, %get3A_1373, %select_n3A_1367 : vector<16xi1>, vector<16xf32>
      %select_n3A_1381 = arith.select %lt3A_1379, %get3A_1378, %select_n3A_1368 : vector<16xi1>, vector<16xi32>
      %get3A_1382 = arith.constant 6 : i32
      %get3A_1383 = arith.index_cast %get3A_1382 : i32 to index
      %get3A_1384 = arith.constant 80 : index
      %get3A_1385 = tpu.vector_load %arg5[%get3A_1383, %get3A_1384] {strides = array<i32>} : memref<20x128xf32, #tpu.memory_space<vmem>>, vector<1x16xf32>,
      %get3A_1386 = vector.shape_cast %get3A_1385 : vector<1x16xf32> to vector<16xf32>
      %get3A_1387 = arith.constant 6 : i32
      %get3A_1388 = arith.index_cast %get3A_1387 : i32 to index
      %get3A_1389 = arith.constant 80 : index
      %get3A_1390 = tpu.vector_load %arg6[%get3A_1388, %get3A_1389] {strides = array<i32>} : memref<20x128xi32, #tpu.memory_space<vmem>>, vector<1x16xi32>,
      %get3A_1391 = vector.shape_cast %get3A_1390 : vector<1x16xi32> to vector<16xi32>
      %lt3A_1392 = arith.cmpf olt, %get3A_1386, %select_n3A_1380 : vector<16xf32>
      %select_n3A_1393 = arith.select %lt3A_1392, %get3A_1386, %select_n3A_1380 : vector<16xi1>, vector<16xf32>
      %select_n3A_1394 = arith.select %lt3A_1392, %get3A_1391, %select_n3A_1381 : vector<16xi1>, vector<16xi32>
      %get3A_1395 = arith.constant 7 : i32
      %get3A_1396 = arith.index_cast %get3A_1395 : i32 to index
      %get3A_1397 = arith.constant 80 : index
      %get3A_1398 = tpu.vector_load %arg5[%get3A_1396, %get3A_1397] {strides = array<i32>} : memref<20x128xf32, #tpu.memory_space<vmem>>, vector<1x16xf32>,
      %get3A_1399 = vector.shape_cast %get3A_1398 : vector<1x16xf32> to vector<16xf32>
      %get3A_1400 = arith.constant 7 : i32
      %get3A_1401 = arith.index_cast %get3A_1400 : i32 to index
      %get3A_1402 = arith.constant 80 : index
      %get3A_1403 = tpu.vector_load %arg6[%get3A_1401, %get3A_1402] {strides = array<i32>} : memref<20x128xi32, #tpu.memory_space<vmem>>, vector<1x16xi32>,
      %get3A_1404 = vector.shape_cast %get3A_1403 : vector<1x16xi32> to vector<16xi32>
      %lt3A_1405 = arith.cmpf olt, %get3A_1399, %select_n3A_1393 : vector<16xf32>
      %select_n3A_1406 = arith.select %lt3A_1405, %get3A_1399, %select_n3A_1393 : vector<16xi1>, vector<16xf32>
      %select_n3A_1407 = arith.select %lt3A_1405, %get3A_1404, %select_n3A_1394 : vector<16xi1>, vector<16xi32>
      %get3A_1408 = arith.constant 8 : i32
      %get3A_1409 = arith.index_cast %get3A_1408 : i32 to index
      %get3A_1410 = arith.constant 80 : index
      %get3A_1411 = tpu.vector_load %arg5[%get3A_1409, %get3A_1410] {strides = array<i32>} : memref<20x128xf32, #tpu.memory_space<vmem>>, vector<1x16xf32>,
      %get3A_1412 = vector.shape_cast %get3A_1411 : vector<1x16xf32> to vector<16xf32>
      %get3A_1413 = arith.constant 8 : i32
      %get3A_1414 = arith.index_cast %get3A_1413 : i32 to index
      %get3A_1415 = arith.constant 80 : index
      %get3A_1416 = tpu.vector_load %arg6[%get3A_1414, %get3A_1415] {strides = array<i32>} : memref<20x128xi32, #tpu.memory_space<vmem>>, vector<1x16xi32>,
      %get3A_1417 = vector.shape_cast %get3A_1416 : vector<1x16xi32> to vector<16xi32>
      %lt3A_1418 = arith.cmpf olt, %get3A_1412, %select_n3A_1406 : vector<16xf32>
      %select_n3A_1419 = arith.select %lt3A_1418, %get3A_1412, %select_n3A_1406 : vector<16xi1>, vector<16xf32>
      %select_n3A_1420 = arith.select %lt3A_1418, %get3A_1417, %select_n3A_1407 : vector<16xi1>, vector<16xi32>
      %get3A_1421 = arith.constant 9 : i32
      %get3A_1422 = arith.index_cast %get3A_1421 : i32 to index
      %get3A_1423 = arith.constant 80 : index
      %get3A_1424 = tpu.vector_load %arg5[%get3A_1422, %get3A_1423] {strides = array<i32>} : memref<20x128xf32, #tpu.memory_space<vmem>>, vector<1x16xf32>,
      %get3A_1425 = vector.shape_cast %get3A_1424 : vector<1x16xf32> to vector<16xf32>
      %get3A_1426 = arith.constant 9 : i32
      %get3A_1427 = arith.index_cast %get3A_1426 : i32 to index
      %get3A_1428 = arith.constant 80 : index
      %get3A_1429 = tpu.vector_load %arg6[%get3A_1427, %get3A_1428] {strides = array<i32>} : memref<20x128xi32, #tpu.memory_space<vmem>>, vector<1x16xi32>,
      %get3A_1430 = vector.shape_cast %get3A_1429 : vector<1x16xi32> to vector<16xi32>
      %lt3A_1431 = arith.cmpf olt, %get3A_1425, %select_n3A_1419 : vector<16xf32>
      %select_n3A_1432 = arith.select %lt3A_1431, %get3A_1425, %select_n3A_1419 : vector<16xi1>, vector<16xf32>
      %select_n3A_1433 = arith.select %lt3A_1431, %get3A_1430, %select_n3A_1420 : vector<16xi1>, vector<16xi32>
      %get3A_1434 = arith.constant 10 : i32
      %get3A_1435 = arith.index_cast %get3A_1434 : i32 to index
      %get3A_1436 = arith.constant 80 : index
      %get3A_1437 = tpu.vector_load %arg5[%get3A_1435, %get3A_1436] {strides = array<i32>} : memref<20x128xf32, #tpu.memory_space<vmem>>, vector<1x16xf32>,
      %get3A_1438 = vector.shape_cast %get3A_1437 : vector<1x16xf32> to vector<16xf32>
      %get3A_1439 = arith.constant 10 : i32
      %get3A_1440 = arith.index_cast %get3A_1439 : i32 to index
      %get3A_1441 = arith.constant 80 : index
      %get3A_1442 = tpu.vector_load %arg6[%get3A_1440, %get3A_1441] {strides = array<i32>} : memref<20x128xi32, #tpu.memory_space<vmem>>, vector<1x16xi32>,
      %get3A_1443 = vector.shape_cast %get3A_1442 : vector<1x16xi32> to vector<16xi32>
      %lt3A_1444 = arith.cmpf olt, %get3A_1438, %select_n3A_1432 : vector<16xf32>
      %select_n3A_1445 = arith.select %lt3A_1444, %get3A_1438, %select_n3A_1432 : vector<16xi1>, vector<16xf32>
      %select_n3A_1446 = arith.select %lt3A_1444, %get3A_1443, %select_n3A_1433 : vector<16xi1>, vector<16xi32>
      %get3A_1447 = arith.constant 11 : i32
      %get3A_1448 = arith.index_cast %get3A_1447 : i32 to index
      %get3A_1449 = arith.constant 80 : index
      %get3A_1450 = tpu.vector_load %arg5[%get3A_1448, %get3A_1449] {strides = array<i32>} : memref<20x128xf32, #tpu.memory_space<vmem>>, vector<1x16xf32>,
      %get3A_1451 = vector.shape_cast %get3A_1450 : vector<1x16xf32> to vector<16xf32>
      %get3A_1452 = arith.constant 11 : i32
      %get3A_1453 = arith.index_cast %get3A_1452 : i32 to index
      %get3A_1454 = arith.constant 80 : index
      %get3A_1455 = tpu.vector_load %arg6[%get3A_1453, %get3A_1454] {strides = array<i32>} : memref<20x128xi32, #tpu.memory_space<vmem>>, vector<1x16xi32>,
      %get3A_1456 = vector.shape_cast %get3A_1455 : vector<1x16xi32> to vector<16xi32>
      %lt3A_1457 = arith.cmpf olt, %get3A_1451, %select_n3A_1445 : vector<16xf32>
      %select_n3A_1458 = arith.select %lt3A_1457, %get3A_1451, %select_n3A_1445 : vector<16xi1>, vector<16xf32>
      %select_n3A_1459 = arith.select %lt3A_1457, %get3A_1456, %select_n3A_1446 : vector<16xi1>, vector<16xi32>
      %get3A_1460 = arith.constant 12 : i32
      %get3A_1461 = arith.index_cast %get3A_1460 : i32 to index
      %get3A_1462 = arith.constant 80 : index
      %get3A_1463 = tpu.vector_load %arg5[%get3A_1461, %get3A_1462] {strides = array<i32>} : memref<20x128xf32, #tpu.memory_space<vmem>>, vector<1x16xf32>,
      %get3A_1464 = vector.shape_cast %get3A_1463 : vector<1x16xf32> to vector<16xf32>
      %get3A_1465 = arith.constant 12 : i32
      %get3A_1466 = arith.index_cast %get3A_1465 : i32 to index
      %get3A_1467 = arith.constant 80 : index
      %get3A_1468 = tpu.vector_load %arg6[%get3A_1466, %get3A_1467] {strides = array<i32>} : memref<20x128xi32, #tpu.memory_space<vmem>>, vector<1x16xi32>,
      %get3A_1469 = vector.shape_cast %get3A_1468 : vector<1x16xi32> to vector<16xi32>
      %lt3A_1470 = arith.cmpf olt, %get3A_1464, %select_n3A_1458 : vector<16xf32>
      %select_n3A_1471 = arith.select %lt3A_1470, %get3A_1464, %select_n3A_1458 : vector<16xi1>, vector<16xf32>
      %select_n3A_1472 = arith.select %lt3A_1470, %get3A_1469, %select_n3A_1459 : vector<16xi1>, vector<16xi32>
      %get3A_1473 = arith.constant 13 : i32
      %get3A_1474 = arith.index_cast %get3A_1473 : i32 to index
      %get3A_1475 = arith.constant 80 : index
      %get3A_1476 = tpu.vector_load %arg5[%get3A_1474, %get3A_1475] {strides = array<i32>} : memref<20x128xf32, #tpu.memory_space<vmem>>, vector<1x16xf32>,
      %get3A_1477 = vector.shape_cast %get3A_1476 : vector<1x16xf32> to vector<16xf32>
      %get3A_1478 = arith.constant 13 : i32
      %get3A_1479 = arith.index_cast %get3A_1478 : i32 to index
      %get3A_1480 = arith.constant 80 : index
      %get3A_1481 = tpu.vector_load %arg6[%get3A_1479, %get3A_1480] {strides = array<i32>} : memref<20x128xi32, #tpu.memory_space<vmem>>, vector<1x16xi32>,
      %get3A_1482 = vector.shape_cast %get3A_1481 : vector<1x16xi32> to vector<16xi32>
      %lt3A_1483 = arith.cmpf olt, %get3A_1477, %select_n3A_1471 : vector<16xf32>
      %select_n3A_1484 = arith.select %lt3A_1483, %get3A_1477, %select_n3A_1471 : vector<16xi1>, vector<16xf32>
      %select_n3A_1485 = arith.select %lt3A_1483, %get3A_1482, %select_n3A_1472 : vector<16xi1>, vector<16xi32>
      %get3A_1486 = arith.constant 14 : i32
      %get3A_1487 = arith.index_cast %get3A_1486 : i32 to index
      %get3A_1488 = arith.constant 80 : index
      %get3A_1489 = tpu.vector_load %arg5[%get3A_1487, %get3A_1488] {strides = array<i32>} : memref<20x128xf32, #tpu.memory_space<vmem>>, vector<1x16xf32>,
      %get3A_1490 = vector.shape_cast %get3A_1489 : vector<1x16xf32> to vector<16xf32>
      %get3A_1491 = arith.constant 14 : i32
      %get3A_1492 = arith.index_cast %get3A_1491 : i32 to index
      %get3A_1493 = arith.constant 80 : index
      %get3A_1494 = tpu.vector_load %arg6[%get3A_1492, %get3A_1493] {strides = array<i32>} : memref<20x128xi32, #tpu.memory_space<vmem>>, vector<1x16xi32>,
      %get3A_1495 = vector.shape_cast %get3A_1494 : vector<1x16xi32> to vector<16xi32>
      %lt3A_1496 = arith.cmpf olt, %get3A_1490, %select_n3A_1484 : vector<16xf32>
      %select_n3A_1497 = arith.select %lt3A_1496, %get3A_1490, %select_n3A_1484 : vector<16xi1>, vector<16xf32>
      %select_n3A_1498 = arith.select %lt3A_1496, %get3A_1495, %select_n3A_1485 : vector<16xi1>, vector<16xi32>
      %get3A_1499 = arith.constant 15 : i32
      %get3A_1500 = arith.index_cast %get3A_1499 : i32 to index
      %get3A_1501 = arith.constant 80 : index
      %get3A_1502 = tpu.vector_load %arg5[%get3A_1500, %get3A_1501] {strides = array<i32>} : memref<20x128xf32, #tpu.memory_space<vmem>>, vector<1x16xf32>,
      %get3A_1503 = vector.shape_cast %get3A_1502 : vector<1x16xf32> to vector<16xf32>
      %get3A_1504 = arith.constant 15 : i32
      %get3A_1505 = arith.index_cast %get3A_1504 : i32 to index
      %get3A_1506 = arith.constant 80 : index
      %get3A_1507 = tpu.vector_load %arg6[%get3A_1505, %get3A_1506] {strides = array<i32>} : memref<20x128xi32, #tpu.memory_space<vmem>>, vector<1x16xi32>,
      %get3A_1508 = vector.shape_cast %get3A_1507 : vector<1x16xi32> to vector<16xi32>
      %lt3A_1509 = arith.cmpf olt, %get3A_1503, %select_n3A_1497 : vector<16xf32>
      %select_n3A_1510 = arith.select %lt3A_1509, %get3A_1503, %select_n3A_1497 : vector<16xi1>, vector<16xf32>
      %select_n3A_1511 = arith.select %lt3A_1509, %get3A_1508, %select_n3A_1498 : vector<16xi1>, vector<16xi32>
      %get3A_1512 = arith.constant 16 : i32
      %get3A_1513 = arith.index_cast %get3A_1512 : i32 to index
      %get3A_1514 = arith.constant 80 : index
      %get3A_1515 = tpu.vector_load %arg5[%get3A_1513, %get3A_1514] {strides = array<i32>} : memref<20x128xf32, #tpu.memory_space<vmem>>, vector<1x16xf32>,
      %get3A_1516 = vector.shape_cast %get3A_1515 : vector<1x16xf32> to vector<16xf32>
      %get3A_1517 = arith.constant 16 : i32
      %get3A_1518 = arith.index_cast %get3A_1517 : i32 to index
      %get3A_1519 = arith.constant 80 : index
      %get3A_1520 = tpu.vector_load %arg6[%get3A_1518, %get3A_1519] {strides = array<i32>} : memref<20x128xi32, #tpu.memory_space<vmem>>, vector<1x16xi32>,
      %get3A_1521 = vector.shape_cast %get3A_1520 : vector<1x16xi32> to vector<16xi32>
      %lt3A_1522 = arith.cmpf olt, %get3A_1516, %select_n3A_1510 : vector<16xf32>
      %select_n3A_1523 = arith.select %lt3A_1522, %get3A_1516, %select_n3A_1510 : vector<16xi1>, vector<16xf32>
      %select_n3A_1524 = arith.select %lt3A_1522, %get3A_1521, %select_n3A_1511 : vector<16xi1>, vector<16xi32>
      %get3A_1525 = arith.constant 17 : i32
      %get3A_1526 = arith.index_cast %get3A_1525 : i32 to index
      %get3A_1527 = arith.constant 80 : index
      %get3A_1528 = tpu.vector_load %arg5[%get3A_1526, %get3A_1527] {strides = array<i32>} : memref<20x128xf32, #tpu.memory_space<vmem>>, vector<1x16xf32>,
      %get3A_1529 = vector.shape_cast %get3A_1528 : vector<1x16xf32> to vector<16xf32>
      %get3A_1530 = arith.constant 17 : i32
      %get3A_1531 = arith.index_cast %get3A_1530 : i32 to index
      %get3A_1532 = arith.constant 80 : index
      %get3A_1533 = tpu.vector_load %arg6[%get3A_1531, %get3A_1532] {strides = array<i32>} : memref<20x128xi32, #tpu.memory_space<vmem>>, vector<1x16xi32>,
      %get3A_1534 = vector.shape_cast %get3A_1533 : vector<1x16xi32> to vector<16xi32>
      %lt3A_1535 = arith.cmpf olt, %get3A_1529, %select_n3A_1523 : vector<16xf32>
      %select_n3A_1536 = arith.select %lt3A_1535, %get3A_1529, %select_n3A_1523 : vector<16xi1>, vector<16xf32>
      %select_n3A_1537 = arith.select %lt3A_1535, %get3A_1534, %select_n3A_1524 : vector<16xi1>, vector<16xi32>
      %get3A_1538 = arith.constant 18 : i32
      %get3A_1539 = arith.index_cast %get3A_1538 : i32 to index
      %get3A_1540 = arith.constant 80 : index
      %get3A_1541 = tpu.vector_load %arg5[%get3A_1539, %get3A_1540] {strides = array<i32>} : memref<20x128xf32, #tpu.memory_space<vmem>>, vector<1x16xf32>,
      %get3A_1542 = vector.shape_cast %get3A_1541 : vector<1x16xf32> to vector<16xf32>
      %get3A_1543 = arith.constant 18 : i32
      %get3A_1544 = arith.index_cast %get3A_1543 : i32 to index
      %get3A_1545 = arith.constant 80 : index
      %get3A_1546 = tpu.vector_load %arg6[%get3A_1544, %get3A_1545] {strides = array<i32>} : memref<20x128xi32, #tpu.memory_space<vmem>>, vector<1x16xi32>,
      %get3A_1547 = vector.shape_cast %get3A_1546 : vector<1x16xi32> to vector<16xi32>
      %lt3A_1548 = arith.cmpf olt, %get3A_1542, %select_n3A_1536 : vector<16xf32>
      %select_n3A_1549 = arith.select %lt3A_1548, %get3A_1542, %select_n3A_1536 : vector<16xi1>, vector<16xf32>
      %select_n3A_1550 = arith.select %lt3A_1548, %get3A_1547, %select_n3A_1537 : vector<16xi1>, vector<16xi32>
      %get3A_1551 = arith.constant 19 : i32
      %get3A_1552 = arith.index_cast %get3A_1551 : i32 to index
      %get3A_1553 = arith.constant 80 : index
      %get3A_1554 = tpu.vector_load %arg5[%get3A_1552, %get3A_1553] {strides = array<i32>} : memref<20x128xf32, #tpu.memory_space<vmem>>, vector<1x16xf32>,
      %get3A_1555 = vector.shape_cast %get3A_1554 : vector<1x16xf32> to vector<16xf32>
      %get3A_1556 = arith.constant 19 : i32
      %get3A_1557 = arith.index_cast %get3A_1556 : i32 to index
      %get3A_1558 = arith.constant 80 : index
      %get3A_1559 = tpu.vector_load %arg6[%get3A_1557, %get3A_1558] {strides = array<i32>} : memref<20x128xi32, #tpu.memory_space<vmem>>, vector<1x16xi32>,
      %get3A_1560 = vector.shape_cast %get3A_1559 : vector<1x16xi32> to vector<16xi32>
      %lt3A_1561 = arith.cmpf olt, %get3A_1555, %select_n3A_1549 : vector<16xf32>
      %select_n3A_1562 = arith.select %lt3A_1561, %get3A_1555, %select_n3A_1549 : vector<16xi1>, vector<16xf32>
      %select_n3A_1563 = arith.select %lt3A_1561, %get3A_1560, %select_n3A_1550 : vector<16xi1>, vector<16xi32>
      %swap3A_1564 = arith.constant 80 : index
      %swap3A_1565 = tpu.vector_load %arg7[%swap3A_1564] {strides = array<i32>} : memref<128xi32, #tpu.memory_space<vmem>>, vector<16xi32>,
      %swap3A_1566 = vector.shape_cast %swap3A_1565 : vector<16xi32> to vector<16xi32>
      %swap3A_1567 = vector.shape_cast %select_n3A_1563 : vector<16xi32> to vector<16xi32>
      tpu.vector_store %arg7[%swap3A_1564], %swap3A_1567 {strides = array<i32>} : memref<128xi32, #tpu.memory_space<vmem>>, vector<16xi32>,
      %get3A_1568 = arith.constant 0 : i32
      %get3A_1569 = arith.index_cast %get3A_1568 : i32 to index
      %get3A_1570 = arith.constant 96 : index
      %get3A_1571 = tpu.vector_load %arg5[%get3A_1569, %get3A_1570] {strides = array<i32>} : memref<20x128xf32, #tpu.memory_space<vmem>>, vector<1x16xf32>,
      %get3A_1572 = vector.shape_cast %get3A_1571 : vector<1x16xf32> to vector<16xf32>
      %get3A_1573 = arith.constant 0 : i32
      %get3A_1574 = arith.index_cast %get3A_1573 : i32 to index
      %get3A_1575 = arith.constant 96 : index
      %get3A_1576 = tpu.vector_load %arg6[%get3A_1574, %get3A_1575] {strides = array<i32>} : memref<20x128xi32, #tpu.memory_space<vmem>>, vector<1x16xi32>,
      %get3A_1577 = vector.shape_cast %get3A_1576 : vector<1x16xi32> to vector<16xi32>
      %get3A_1578 = arith.constant 1 : i32
      %get3A_1579 = arith.index_cast %get3A_1578 : i32 to index
      %get3A_1580 = arith.constant 96 : index
      %get3A_1581 = tpu.vector_load %arg5[%get3A_1579, %get3A_1580] {strides = array<i32>} : memref<20x128xf32, #tpu.memory_space<vmem>>, vector<1x16xf32>,
      %get3A_1582 = vector.shape_cast %get3A_1581 : vector<1x16xf32> to vector<16xf32>
      %get3A_1583 = arith.constant 1 : i32
      %get3A_1584 = arith.index_cast %get3A_1583 : i32 to index
      %get3A_1585 = arith.constant 96 : index
      %get3A_1586 = tpu.vector_load %arg6[%get3A_1584, %get3A_1585] {strides = array<i32>} : memref<20x128xi32, #tpu.memory_space<vmem>>, vector<1x16xi32>,
      %get3A_1587 = vector.shape_cast %get3A_1586 : vector<1x16xi32> to vector<16xi32>
      %lt3A_1588 = arith.cmpf olt, %get3A_1582, %get3A_1572 : vector<16xf32>
      %select_n3A_1589 = arith.select %lt3A_1588, %get3A_1582, %get3A_1572 : vector<16xi1>, vector<16xf32>
      %select_n3A_1590 = arith.select %lt3A_1588, %get3A_1587, %get3A_1577 : vector<16xi1>, vector<16xi32>
      %get3A_1591 = arith.constant 2 : i32
      %get3A_1592 = arith.index_cast %get3A_1591 : i32 to index
      %get3A_1593 = arith.constant 96 : index
      %get3A_1594 = tpu.vector_load %arg5[%get3A_1592, %get3A_1593] {strides = array<i32>} : memref<20x128xf32, #tpu.memory_space<vmem>>, vector<1x16xf32>,
      %get3A_1595 = vector.shape_cast %get3A_1594 : vector<1x16xf32> to vector<16xf32>
      %get3A_1596 = arith.constant 2 : i32
      %get3A_1597 = arith.index_cast %get3A_1596 : i32 to index
      %get3A_1598 = arith.constant 96 : index
      %get3A_1599 = tpu.vector_load %arg6[%get3A_1597, %get3A_1598] {strides = array<i32>} : memref<20x128xi32, #tpu.memory_space<vmem>>, vector<1x16xi32>,
      %get3A_1600 = vector.shape_cast %get3A_1599 : vector<1x16xi32> to vector<16xi32>
      %lt3A_1601 = arith.cmpf olt, %get3A_1595, %select_n3A_1589 : vector<16xf32>
      %select_n3A_1602 = arith.select %lt3A_1601, %get3A_1595, %select_n3A_1589 : vector<16xi1>, vector<16xf32>
      %select_n3A_1603 = arith.select %lt3A_1601, %get3A_1600, %select_n3A_1590 : vector<16xi1>, vector<16xi32>
      %get3A_1604 = arith.constant 3 : i32
      %get3A_1605 = arith.index_cast %get3A_1604 : i32 to index
      %get3A_1606 = arith.constant 96 : index
      %get3A_1607 = tpu.vector_load %arg5[%get3A_1605, %get3A_1606] {strides = array<i32>} : memref<20x128xf32, #tpu.memory_space<vmem>>, vector<1x16xf32>,
      %get3A_1608 = vector.shape_cast %get3A_1607 : vector<1x16xf32> to vector<16xf32>
      %get3A_1609 = arith.constant 3 : i32
      %get3A_1610 = arith.index_cast %get3A_1609 : i32 to index
      %get3A_1611 = arith.constant 96 : index
      %get3A_1612 = tpu.vector_load %arg6[%get3A_1610, %get3A_1611] {strides = array<i32>} : memref<20x128xi32, #tpu.memory_space<vmem>>, vector<1x16xi32>,
      %get3A_1613 = vector.shape_cast %get3A_1612 : vector<1x16xi32> to vector<16xi32>
      %lt3A_1614 = arith.cmpf olt, %get3A_1608, %select_n3A_1602 : vector<16xf32>
      %select_n3A_1615 = arith.select %lt3A_1614, %get3A_1608, %select_n3A_1602 : vector<16xi1>, vector<16xf32>
      %select_n3A_1616 = arith.select %lt3A_1614, %get3A_1613, %select_n3A_1603 : vector<16xi1>, vector<16xi32>
      %get3A_1617 = arith.constant 4 : i32
      %get3A_1618 = arith.index_cast %get3A_1617 : i32 to index
      %get3A_1619 = arith.constant 96 : index
      %get3A_1620 = tpu.vector_load %arg5[%get3A_1618, %get3A_1619] {strides = array<i32>} : memref<20x128xf32, #tpu.memory_space<vmem>>, vector<1x16xf32>,
      %get3A_1621 = vector.shape_cast %get3A_1620 : vector<1x16xf32> to vector<16xf32>
      %get3A_1622 = arith.constant 4 : i32
      %get3A_1623 = arith.index_cast %get3A_1622 : i32 to index
      %get3A_1624 = arith.constant 96 : index
      %get3A_1625 = tpu.vector_load %arg6[%get3A_1623, %get3A_1624] {strides = array<i32>} : memref<20x128xi32, #tpu.memory_space<vmem>>, vector<1x16xi32>,
      %get3A_1626 = vector.shape_cast %get3A_1625 : vector<1x16xi32> to vector<16xi32>
      %lt3A_1627 = arith.cmpf olt, %get3A_1621, %select_n3A_1615 : vector<16xf32>
      %select_n3A_1628 = arith.select %lt3A_1627, %get3A_1621, %select_n3A_1615 : vector<16xi1>, vector<16xf32>
      %select_n3A_1629 = arith.select %lt3A_1627, %get3A_1626, %select_n3A_1616 : vector<16xi1>, vector<16xi32>
      %get3A_1630 = arith.constant 5 : i32
      %get3A_1631 = arith.index_cast %get3A_1630 : i32 to index
      %get3A_1632 = arith.constant 96 : index
      %get3A_1633 = tpu.vector_load %arg5[%get3A_1631, %get3A_1632] {strides = array<i32>} : memref<20x128xf32, #tpu.memory_space<vmem>>, vector<1x16xf32>,
      %get3A_1634 = vector.shape_cast %get3A_1633 : vector<1x16xf32> to vector<16xf32>
      %get3A_1635 = arith.constant 5 : i32
      %get3A_1636 = arith.index_cast %get3A_1635 : i32 to index
      %get3A_1637 = arith.constant 96 : index
      %get3A_1638 = tpu.vector_load %arg6[%get3A_1636, %get3A_1637] {strides = array<i32>} : memref<20x128xi32, #tpu.memory_space<vmem>>, vector<1x16xi32>,
      %get3A_1639 = vector.shape_cast %get3A_1638 : vector<1x16xi32> to vector<16xi32>
      %lt3A_1640 = arith.cmpf olt, %get3A_1634, %select_n3A_1628 : vector<16xf32>
      %select_n3A_1641 = arith.select %lt3A_1640, %get3A_1634, %select_n3A_1628 : vector<16xi1>, vector<16xf32>
      %select_n3A_1642 = arith.select %lt3A_1640, %get3A_1639, %select_n3A_1629 : vector<16xi1>, vector<16xi32>
      %get3A_1643 = arith.constant 6 : i32
      %get3A_1644 = arith.index_cast %get3A_1643 : i32 to index
      %get3A_1645 = arith.constant 96 : index
      %get3A_1646 = tpu.vector_load %arg5[%get3A_1644, %get3A_1645] {strides = array<i32>} : memref<20x128xf32, #tpu.memory_space<vmem>>, vector<1x16xf32>,
      %get3A_1647 = vector.shape_cast %get3A_1646 : vector<1x16xf32> to vector<16xf32>
      %get3A_1648 = arith.constant 6 : i32
      %get3A_1649 = arith.index_cast %get3A_1648 : i32 to index
      %get3A_1650 = arith.constant 96 : index
      %get3A_1651 = tpu.vector_load %arg6[%get3A_1649, %get3A_1650] {strides = array<i32>} : memref<20x128xi32, #tpu.memory_space<vmem>>, vector<1x16xi32>,
      %get3A_1652 = vector.shape_cast %get3A_1651 : vector<1x16xi32> to vector<16xi32>
      %lt3A_1653 = arith.cmpf olt, %get3A_1647, %select_n3A_1641 : vector<16xf32>
      %select_n3A_1654 = arith.select %lt3A_1653, %get3A_1647, %select_n3A_1641 : vector<16xi1>, vector<16xf32>
      %select_n3A_1655 = arith.select %lt3A_1653, %get3A_1652, %select_n3A_1642 : vector<16xi1>, vector<16xi32>
      %get3A_1656 = arith.constant 7 : i32
      %get3A_1657 = arith.index_cast %get3A_1656 : i32 to index
      %get3A_1658 = arith.constant 96 : index
      %get3A_1659 = tpu.vector_load %arg5[%get3A_1657, %get3A_1658] {strides = array<i32>} : memref<20x128xf32, #tpu.memory_space<vmem>>, vector<1x16xf32>,
      %get3A_1660 = vector.shape_cast %get3A_1659 : vector<1x16xf32> to vector<16xf32>
      %get3A_1661 = arith.constant 7 : i32
      %get3A_1662 = arith.index_cast %get3A_1661 : i32 to index
      %get3A_1663 = arith.constant 96 : index
      %get3A_1664 = tpu.vector_load %arg6[%get3A_1662, %get3A_1663] {strides = array<i32>} : memref<20x128xi32, #tpu.memory_space<vmem>>, vector<1x16xi32>,
      %get3A_1665 = vector.shape_cast %get3A_1664 : vector<1x16xi32> to vector<16xi32>
      %lt3A_1666 = arith.cmpf olt, %get3A_1660, %select_n3A_1654 : vector<16xf32>
      %select_n3A_1667 = arith.select %lt3A_1666, %get3A_1660, %select_n3A_1654 : vector<16xi1>, vector<16xf32>
      %select_n3A_1668 = arith.select %lt3A_1666, %get3A_1665, %select_n3A_1655 : vector<16xi1>, vector<16xi32>
      %get3A_1669 = arith.constant 8 : i32
      %get3A_1670 = arith.index_cast %get3A_1669 : i32 to index
      %get3A_1671 = arith.constant 96 : index
      %get3A_1672 = tpu.vector_load %arg5[%get3A_1670, %get3A_1671] {strides = array<i32>} : memref<20x128xf32, #tpu.memory_space<vmem>>, vector<1x16xf32>,
      %get3A_1673 = vector.shape_cast %get3A_1672 : vector<1x16xf32> to vector<16xf32>
      %get3A_1674 = arith.constant 8 : i32
      %get3A_1675 = arith.index_cast %get3A_1674 : i32 to index
      %get3A_1676 = arith.constant 96 : index
      %get3A_1677 = tpu.vector_load %arg6[%get3A_1675, %get3A_1676] {strides = array<i32>} : memref<20x128xi32, #tpu.memory_space<vmem>>, vector<1x16xi32>,
      %get3A_1678 = vector.shape_cast %get3A_1677 : vector<1x16xi32> to vector<16xi32>
      %lt3A_1679 = arith.cmpf olt, %get3A_1673, %select_n3A_1667 : vector<16xf32>
      %select_n3A_1680 = arith.select %lt3A_1679, %get3A_1673, %select_n3A_1667 : vector<16xi1>, vector<16xf32>
      %select_n3A_1681 = arith.select %lt3A_1679, %get3A_1678, %select_n3A_1668 : vector<16xi1>, vector<16xi32>
      %get3A_1682 = arith.constant 9 : i32
      %get3A_1683 = arith.index_cast %get3A_1682 : i32 to index
      %get3A_1684 = arith.constant 96 : index
      %get3A_1685 = tpu.vector_load %arg5[%get3A_1683, %get3A_1684] {strides = array<i32>} : memref<20x128xf32, #tpu.memory_space<vmem>>, vector<1x16xf32>,
      %get3A_1686 = vector.shape_cast %get3A_1685 : vector<1x16xf32> to vector<16xf32>
      %get3A_1687 = arith.constant 9 : i32
      %get3A_1688 = arith.index_cast %get3A_1687 : i32 to index
      %get3A_1689 = arith.constant 96 : index
      %get3A_1690 = tpu.vector_load %arg6[%get3A_1688, %get3A_1689] {strides = array<i32>} : memref<20x128xi32, #tpu.memory_space<vmem>>, vector<1x16xi32>,
      %get3A_1691 = vector.shape_cast %get3A_1690 : vector<1x16xi32> to vector<16xi32>
      %lt3A_1692 = arith.cmpf olt, %get3A_1686, %select_n3A_1680 : vector<16xf32>
      %select_n3A_1693 = arith.select %lt3A_1692, %get3A_1686, %select_n3A_1680 : vector<16xi1>, vector<16xf32>
      %select_n3A_1694 = arith.select %lt3A_1692, %get3A_1691, %select_n3A_1681 : vector<16xi1>, vector<16xi32>
      %get3A_1695 = arith.constant 10 : i32
      %get3A_1696 = arith.index_cast %get3A_1695 : i32 to index
      %get3A_1697 = arith.constant 96 : index
      %get3A_1698 = tpu.vector_load %arg5[%get3A_1696, %get3A_1697] {strides = array<i32>} : memref<20x128xf32, #tpu.memory_space<vmem>>, vector<1x16xf32>,
      %get3A_1699 = vector.shape_cast %get3A_1698 : vector<1x16xf32> to vector<16xf32>
      %get3A_1700 = arith.constant 10 : i32
      %get3A_1701 = arith.index_cast %get3A_1700 : i32 to index
      %get3A_1702 = arith.constant 96 : index
      %get3A_1703 = tpu.vector_load %arg6[%get3A_1701, %get3A_1702] {strides = array<i32>} : memref<20x128xi32, #tpu.memory_space<vmem>>, vector<1x16xi32>,
      %get3A_1704 = vector.shape_cast %get3A_1703 : vector<1x16xi32> to vector<16xi32>
      %lt3A_1705 = arith.cmpf olt, %get3A_1699, %select_n3A_1693 : vector<16xf32>
      %select_n3A_1706 = arith.select %lt3A_1705, %get3A_1699, %select_n3A_1693 : vector<16xi1>, vector<16xf32>
      %select_n3A_1707 = arith.select %lt3A_1705, %get3A_1704, %select_n3A_1694 : vector<16xi1>, vector<16xi32>
      %get3A_1708 = arith.constant 11 : i32
      %get3A_1709 = arith.index_cast %get3A_1708 : i32 to index
      %get3A_1710 = arith.constant 96 : index
      %get3A_1711 = tpu.vector_load %arg5[%get3A_1709, %get3A_1710] {strides = array<i32>} : memref<20x128xf32, #tpu.memory_space<vmem>>, vector<1x16xf32>,
      %get3A_1712 = vector.shape_cast %get3A_1711 : vector<1x16xf32> to vector<16xf32>
      %get3A_1713 = arith.constant 11 : i32
      %get3A_1714 = arith.index_cast %get3A_1713 : i32 to index
      %get3A_1715 = arith.constant 96 : index
      %get3A_1716 = tpu.vector_load %arg6[%get3A_1714, %get3A_1715] {strides = array<i32>} : memref<20x128xi32, #tpu.memory_space<vmem>>, vector<1x16xi32>,
      %get3A_1717 = vector.shape_cast %get3A_1716 : vector<1x16xi32> to vector<16xi32>
      %lt3A_1718 = arith.cmpf olt, %get3A_1712, %select_n3A_1706 : vector<16xf32>
      %select_n3A_1719 = arith.select %lt3A_1718, %get3A_1712, %select_n3A_1706 : vector<16xi1>, vector<16xf32>
      %select_n3A_1720 = arith.select %lt3A_1718, %get3A_1717, %select_n3A_1707 : vector<16xi1>, vector<16xi32>
      %get3A_1721 = arith.constant 12 : i32
      %get3A_1722 = arith.index_cast %get3A_1721 : i32 to index
      %get3A_1723 = arith.constant 96 : index
      %get3A_1724 = tpu.vector_load %arg5[%get3A_1722, %get3A_1723] {strides = array<i32>} : memref<20x128xf32, #tpu.memory_space<vmem>>, vector<1x16xf32>,
      %get3A_1725 = vector.shape_cast %get3A_1724 : vector<1x16xf32> to vector<16xf32>
      %get3A_1726 = arith.constant 12 : i32
      %get3A_1727 = arith.index_cast %get3A_1726 : i32 to index
      %get3A_1728 = arith.constant 96 : index
      %get3A_1729 = tpu.vector_load %arg6[%get3A_1727, %get3A_1728] {strides = array<i32>} : memref<20x128xi32, #tpu.memory_space<vmem>>, vector<1x16xi32>,
      %get3A_1730 = vector.shape_cast %get3A_1729 : vector<1x16xi32> to vector<16xi32>
      %lt3A_1731 = arith.cmpf olt, %get3A_1725, %select_n3A_1719 : vector<16xf32>
      %select_n3A_1732 = arith.select %lt3A_1731, %get3A_1725, %select_n3A_1719 : vector<16xi1>, vector<16xf32>
      %select_n3A_1733 = arith.select %lt3A_1731, %get3A_1730, %select_n3A_1720 : vector<16xi1>, vector<16xi32>
      %get3A_1734 = arith.constant 13 : i32
      %get3A_1735 = arith.index_cast %get3A_1734 : i32 to index
      %get3A_1736 = arith.constant 96 : index
      %get3A_1737 = tpu.vector_load %arg5[%get3A_1735, %get3A_1736] {strides = array<i32>} : memref<20x128xf32, #tpu.memory_space<vmem>>, vector<1x16xf32>,
      %get3A_1738 = vector.shape_cast %get3A_1737 : vector<1x16xf32> to vector<16xf32>
      %get3A_1739 = arith.constant 13 : i32
      %get3A_1740 = arith.index_cast %get3A_1739 : i32 to index
      %get3A_1741 = arith.constant 96 : index
      %get3A_1742 = tpu.vector_load %arg6[%get3A_1740, %get3A_1741] {strides = array<i32>} : memref<20x128xi32, #tpu.memory_space<vmem>>, vector<1x16xi32>,
      %get3A_1743 = vector.shape_cast %get3A_1742 : vector<1x16xi32> to vector<16xi32>
      %lt3A_1744 = arith.cmpf olt, %get3A_1738, %select_n3A_1732 : vector<16xf32>
      %select_n3A_1745 = arith.select %lt3A_1744, %get3A_1738, %select_n3A_1732 : vector<16xi1>, vector<16xf32>
      %select_n3A_1746 = arith.select %lt3A_1744, %get3A_1743, %select_n3A_1733 : vector<16xi1>, vector<16xi32>
      %get3A_1747 = arith.constant 14 : i32
      %get3A_1748 = arith.index_cast %get3A_1747 : i32 to index
      %get3A_1749 = arith.constant 96 : index
      %get3A_1750 = tpu.vector_load %arg5[%get3A_1748, %get3A_1749] {strides = array<i32>} : memref<20x128xf32, #tpu.memory_space<vmem>>, vector<1x16xf32>,
      %get3A_1751 = vector.shape_cast %get3A_1750 : vector<1x16xf32> to vector<16xf32>
      %get3A_1752 = arith.constant 14 : i32
      %get3A_1753 = arith.index_cast %get3A_1752 : i32 to index
      %get3A_1754 = arith.constant 96 : index
      %get3A_1755 = tpu.vector_load %arg6[%get3A_1753, %get3A_1754] {strides = array<i32>} : memref<20x128xi32, #tpu.memory_space<vmem>>, vector<1x16xi32>,
      %get3A_1756 = vector.shape_cast %get3A_1755 : vector<1x16xi32> to vector<16xi32>
      %lt3A_1757 = arith.cmpf olt, %get3A_1751, %select_n3A_1745 : vector<16xf32>
      %select_n3A_1758 = arith.select %lt3A_1757, %get3A_1751, %select_n3A_1745 : vector<16xi1>, vector<16xf32>
      %select_n3A_1759 = arith.select %lt3A_1757, %get3A_1756, %select_n3A_1746 : vector<16xi1>, vector<16xi32>
      %get3A_1760 = arith.constant 15 : i32
      %get3A_1761 = arith.index_cast %get3A_1760 : i32 to index
      %get3A_1762 = arith.constant 96 : index
      %get3A_1763 = tpu.vector_load %arg5[%get3A_1761, %get3A_1762] {strides = array<i32>} : memref<20x128xf32, #tpu.memory_space<vmem>>, vector<1x16xf32>,
      %get3A_1764 = vector.shape_cast %get3A_1763 : vector<1x16xf32> to vector<16xf32>
      %get3A_1765 = arith.constant 15 : i32
      %get3A_1766 = arith.index_cast %get3A_1765 : i32 to index
      %get3A_1767 = arith.constant 96 : index
      %get3A_1768 = tpu.vector_load %arg6[%get3A_1766, %get3A_1767] {strides = array<i32>} : memref<20x128xi32, #tpu.memory_space<vmem>>, vector<1x16xi32>,
      %get3A_1769 = vector.shape_cast %get3A_1768 : vector<1x16xi32> to vector<16xi32>
      %lt3A_1770 = arith.cmpf olt, %get3A_1764, %select_n3A_1758 : vector<16xf32>
      %select_n3A_1771 = arith.select %lt3A_1770, %get3A_1764, %select_n3A_1758 : vector<16xi1>, vector<16xf32>
      %select_n3A_1772 = arith.select %lt3A_1770, %get3A_1769, %select_n3A_1759 : vector<16xi1>, vector<16xi32>
      %get3A_1773 = arith.constant 16 : i32
      %get3A_1774 = arith.index_cast %get3A_1773 : i32 to index
      %get3A_1775 = arith.constant 96 : index
      %get3A_1776 = tpu.vector_load %arg5[%get3A_1774, %get3A_1775] {strides = array<i32>} : memref<20x128xf32, #tpu.memory_space<vmem>>, vector<1x16xf32>,
      %get3A_1777 = vector.shape_cast %get3A_1776 : vector<1x16xf32> to vector<16xf32>
      %get3A_1778 = arith.constant 16 : i32
      %get3A_1779 = arith.index_cast %get3A_1778 : i32 to index
      %get3A_1780 = arith.constant 96 : index
      %get3A_1781 = tpu.vector_load %arg6[%get3A_1779, %get3A_1780] {strides = array<i32>} : memref<20x128xi32, #tpu.memory_space<vmem>>, vector<1x16xi32>,
      %get3A_1782 = vector.shape_cast %get3A_1781 : vector<1x16xi32> to vector<16xi32>
      %lt3A_1783 = arith.cmpf olt, %get3A_1777, %select_n3A_1771 : vector<16xf32>
      %select_n3A_1784 = arith.select %lt3A_1783, %get3A_1777, %select_n3A_1771 : vector<16xi1>, vector<16xf32>
      %select_n3A_1785 = arith.select %lt3A_1783, %get3A_1782, %select_n3A_1772 : vector<16xi1>, vector<16xi32>
      %get3A_1786 = arith.constant 17 : i32
      %get3A_1787 = arith.index_cast %get3A_1786 : i32 to index
      %get3A_1788 = arith.constant 96 : index
      %get3A_1789 = tpu.vector_load %arg5[%get3A_1787, %get3A_1788] {strides = array<i32>} : memref<20x128xf32, #tpu.memory_space<vmem>>, vector<1x16xf32>,
      %get3A_1790 = vector.shape_cast %get3A_1789 : vector<1x16xf32> to vector<16xf32>
      %get3A_1791 = arith.constant 17 : i32
      %get3A_1792 = arith.index_cast %get3A_1791 : i32 to index
      %get3A_1793 = arith.constant 96 : index
      %get3A_1794 = tpu.vector_load %arg6[%get3A_1792, %get3A_1793] {strides = array<i32>} : memref<20x128xi32, #tpu.memory_space<vmem>>, vector<1x16xi32>,
      %get3A_1795 = vector.shape_cast %get3A_1794 : vector<1x16xi32> to vector<16xi32>
      %lt3A_1796 = arith.cmpf olt, %get3A_1790, %select_n3A_1784 : vector<16xf32>
      %select_n3A_1797 = arith.select %lt3A_1796, %get3A_1790, %select_n3A_1784 : vector<16xi1>, vector<16xf32>
      %select_n3A_1798 = arith.select %lt3A_1796, %get3A_1795, %select_n3A_1785 : vector<16xi1>, vector<16xi32>
      %get3A_1799 = arith.constant 18 : i32
      %get3A_1800 = arith.index_cast %get3A_1799 : i32 to index
      %get3A_1801 = arith.constant 96 : index
      %get3A_1802 = tpu.vector_load %arg5[%get3A_1800, %get3A_1801] {strides = array<i32>} : memref<20x128xf32, #tpu.memory_space<vmem>>, vector<1x16xf32>,
      %get3A_1803 = vector.shape_cast %get3A_1802 : vector<1x16xf32> to vector<16xf32>
      %get3A_1804 = arith.constant 18 : i32
      %get3A_1805 = arith.index_cast %get3A_1804 : i32 to index
      %get3A_1806 = arith.constant 96 : index
      %get3A_1807 = tpu.vector_load %arg6[%get3A_1805, %get3A_1806] {strides = array<i32>} : memref<20x128xi32, #tpu.memory_space<vmem>>, vector<1x16xi32>,
      %get3A_1808 = vector.shape_cast %get3A_1807 : vector<1x16xi32> to vector<16xi32>
      %lt3A_1809 = arith.cmpf olt, %get3A_1803, %select_n3A_1797 : vector<16xf32>
      %select_n3A_1810 = arith.select %lt3A_1809, %get3A_1803, %select_n3A_1797 : vector<16xi1>, vector<16xf32>
      %select_n3A_1811 = arith.select %lt3A_1809, %get3A_1808, %select_n3A_1798 : vector<16xi1>, vector<16xi32>
      %get3A_1812 = arith.constant 19 : i32
      %get3A_1813 = arith.index_cast %get3A_1812 : i32 to index
      %get3A_1814 = arith.constant 96 : index
      %get3A_1815 = tpu.vector_load %arg5[%get3A_1813, %get3A_1814] {strides = array<i32>} : memref<20x128xf32, #tpu.memory_space<vmem>>, vector<1x16xf32>,
      %get3A_1816 = vector.shape_cast %get3A_1815 : vector<1x16xf32> to vector<16xf32>
      %get3A_1817 = arith.constant 19 : i32
      %get3A_1818 = arith.index_cast %get3A_1817 : i32 to index
      %get3A_1819 = arith.constant 96 : index
      %get3A_1820 = tpu.vector_load %arg6[%get3A_1818, %get3A_1819] {strides = array<i32>} : memref<20x128xi32, #tpu.memory_space<vmem>>, vector<1x16xi32>,
      %get3A_1821 = vector.shape_cast %get3A_1820 : vector<1x16xi32> to vector<16xi32>
      %lt3A_1822 = arith.cmpf olt, %get3A_1816, %select_n3A_1810 : vector<16xf32>
      %select_n3A_1823 = arith.select %lt3A_1822, %get3A_1816, %select_n3A_1810 : vector<16xi1>, vector<16xf32>
      %select_n3A_1824 = arith.select %lt3A_1822, %get3A_1821, %select_n3A_1811 : vector<16xi1>, vector<16xi32>
      %swap3A_1825 = arith.constant 96 : index
      %swap3A_1826 = tpu.vector_load %arg7[%swap3A_1825] {strides = array<i32>} : memref<128xi32, #tpu.memory_space<vmem>>, vector<16xi32>,
      %swap3A_1827 = vector.shape_cast %swap3A_1826 : vector<16xi32> to vector<16xi32>
      %swap3A_1828 = vector.shape_cast %select_n3A_1824 : vector<16xi32> to vector<16xi32>
      tpu.vector_store %arg7[%swap3A_1825], %swap3A_1828 {strides = array<i32>} : memref<128xi32, #tpu.memory_space<vmem>>, vector<16xi32>,
      %get3A_1829 = arith.constant 0 : i32
      %get3A_1830 = arith.index_cast %get3A_1829 : i32 to index
      %get3A_1831 = arith.constant 112 : index
      %get3A_1832 = tpu.vector_load %arg5[%get3A_1830, %get3A_1831] {strides = array<i32>} : memref<20x128xf32, #tpu.memory_space<vmem>>, vector<1x16xf32>,
      %get3A_1833 = vector.shape_cast %get3A_1832 : vector<1x16xf32> to vector<16xf32>
      %get3A_1834 = arith.constant 0 : i32
      %get3A_1835 = arith.index_cast %get3A_1834 : i32 to index
      %get3A_1836 = arith.constant 112 : index
      %get3A_1837 = tpu.vector_load %arg6[%get3A_1835, %get3A_1836] {strides = array<i32>} : memref<20x128xi32, #tpu.memory_space<vmem>>, vector<1x16xi32>,
      %get3A_1838 = vector.shape_cast %get3A_1837 : vector<1x16xi32> to vector<16xi32>
      %get3A_1839 = arith.constant 1 : i32
      %get3A_1840 = arith.index_cast %get3A_1839 : i32 to index
      %get3A_1841 = arith.constant 112 : index
      %get3A_1842 = tpu.vector_load %arg5[%get3A_1840, %get3A_1841] {strides = array<i32>} : memref<20x128xf32, #tpu.memory_space<vmem>>, vector<1x16xf32>,
      %get3A_1843 = vector.shape_cast %get3A_1842 : vector<1x16xf32> to vector<16xf32>
      %get3A_1844 = arith.constant 1 : i32
      %get3A_1845 = arith.index_cast %get3A_1844 : i32 to index
      %get3A_1846 = arith.constant 112 : index
      %get3A_1847 = tpu.vector_load %arg6[%get3A_1845, %get3A_1846] {strides = array<i32>} : memref<20x128xi32, #tpu.memory_space<vmem>>, vector<1x16xi32>,
      %get3A_1848 = vector.shape_cast %get3A_1847 : vector<1x16xi32> to vector<16xi32>
      %lt3A_1849 = arith.cmpf olt, %get3A_1843, %get3A_1833 : vector<16xf32>
      %select_n3A_1850 = arith.select %lt3A_1849, %get3A_1843, %get3A_1833 : vector<16xi1>, vector<16xf32>
      %select_n3A_1851 = arith.select %lt3A_1849, %get3A_1848, %get3A_1838 : vector<16xi1>, vector<16xi32>
      %get3A_1852 = arith.constant 2 : i32
      %get3A_1853 = arith.index_cast %get3A_1852 : i32 to index
      %get3A_1854 = arith.constant 112 : index
      %get3A_1855 = tpu.vector_load %arg5[%get3A_1853, %get3A_1854] {strides = array<i32>} : memref<20x128xf32, #tpu.memory_space<vmem>>, vector<1x16xf32>,
      %get3A_1856 = vector.shape_cast %get3A_1855 : vector<1x16xf32> to vector<16xf32>
      %get3A_1857 = arith.constant 2 : i32
      %get3A_1858 = arith.index_cast %get3A_1857 : i32 to index
      %get3A_1859 = arith.constant 112 : index
      %get3A_1860 = tpu.vector_load %arg6[%get3A_1858, %get3A_1859] {strides = array<i32>} : memref<20x128xi32, #tpu.memory_space<vmem>>, vector<1x16xi32>,
      %get3A_1861 = vector.shape_cast %get3A_1860 : vector<1x16xi32> to vector<16xi32>
      %lt3A_1862 = arith.cmpf olt, %get3A_1856, %select_n3A_1850 : vector<16xf32>
      %select_n3A_1863 = arith.select %lt3A_1862, %get3A_1856, %select_n3A_1850 : vector<16xi1>, vector<16xf32>
      %select_n3A_1864 = arith.select %lt3A_1862, %get3A_1861, %select_n3A_1851 : vector<16xi1>, vector<16xi32>
      %get3A_1865 = arith.constant 3 : i32
      %get3A_1866 = arith.index_cast %get3A_1865 : i32 to index
      %get3A_1867 = arith.constant 112 : index
      %get3A_1868 = tpu.vector_load %arg5[%get3A_1866, %get3A_1867] {strides = array<i32>} : memref<20x128xf32, #tpu.memory_space<vmem>>, vector<1x16xf32>,
      %get3A_1869 = vector.shape_cast %get3A_1868 : vector<1x16xf32> to vector<16xf32>
      %get3A_1870 = arith.constant 3 : i32
      %get3A_1871 = arith.index_cast %get3A_1870 : i32 to index
      %get3A_1872 = arith.constant 112 : index
      %get3A_1873 = tpu.vector_load %arg6[%get3A_1871, %get3A_1872] {strides = array<i32>} : memref<20x128xi32, #tpu.memory_space<vmem>>, vector<1x16xi32>,
      %get3A_1874 = vector.shape_cast %get3A_1873 : vector<1x16xi32> to vector<16xi32>
      %lt3A_1875 = arith.cmpf olt, %get3A_1869, %select_n3A_1863 : vector<16xf32>
      %select_n3A_1876 = arith.select %lt3A_1875, %get3A_1869, %select_n3A_1863 : vector<16xi1>, vector<16xf32>
      %select_n3A_1877 = arith.select %lt3A_1875, %get3A_1874, %select_n3A_1864 : vector<16xi1>, vector<16xi32>
      %get3A_1878 = arith.constant 4 : i32
      %get3A_1879 = arith.index_cast %get3A_1878 : i32 to index
      %get3A_1880 = arith.constant 112 : index
      %get3A_1881 = tpu.vector_load %arg5[%get3A_1879, %get3A_1880] {strides = array<i32>} : memref<20x128xf32, #tpu.memory_space<vmem>>, vector<1x16xf32>,
      %get3A_1882 = vector.shape_cast %get3A_1881 : vector<1x16xf32> to vector<16xf32>
      %get3A_1883 = arith.constant 4 : i32
      %get3A_1884 = arith.index_cast %get3A_1883 : i32 to index
      %get3A_1885 = arith.constant 112 : index
      %get3A_1886 = tpu.vector_load %arg6[%get3A_1884, %get3A_1885] {strides = array<i32>} : memref<20x128xi32, #tpu.memory_space<vmem>>, vector<1x16xi32>,
      %get3A_1887 = vector.shape_cast %get3A_1886 : vector<1x16xi32> to vector<16xi32>
      %lt3A_1888 = arith.cmpf olt, %get3A_1882, %select_n3A_1876 : vector<16xf32>
      %select_n3A_1889 = arith.select %lt3A_1888, %get3A_1882, %select_n3A_1876 : vector<16xi1>, vector<16xf32>
      %select_n3A_1890 = arith.select %lt3A_1888, %get3A_1887, %select_n3A_1877 : vector<16xi1>, vector<16xi32>
      %get3A_1891 = arith.constant 5 : i32
      %get3A_1892 = arith.index_cast %get3A_1891 : i32 to index
      %get3A_1893 = arith.constant 112 : index
      %get3A_1894 = tpu.vector_load %arg5[%get3A_1892, %get3A_1893] {strides = array<i32>} : memref<20x128xf32, #tpu.memory_space<vmem>>, vector<1x16xf32>,
      %get3A_1895 = vector.shape_cast %get3A_1894 : vector<1x16xf32> to vector<16xf32>
      %get3A_1896 = arith.constant 5 : i32
      %get3A_1897 = arith.index_cast %get3A_1896 : i32 to index
      %get3A_1898 = arith.constant 112 : index
      %get3A_1899 = tpu.vector_load %arg6[%get3A_1897, %get3A_1898] {strides = array<i32>} : memref<20x128xi32, #tpu.memory_space<vmem>>, vector<1x16xi32>,
      %get3A_1900 = vector.shape_cast %get3A_1899 : vector<1x16xi32> to vector<16xi32>
      %lt3A_1901 = arith.cmpf olt, %get3A_1895, %select_n3A_1889 : vector<16xf32>
      %select_n3A_1902 = arith.select %lt3A_1901, %get3A_1895, %select_n3A_1889 : vector<16xi1>, vector<16xf32>
      %select_n3A_1903 = arith.select %lt3A_1901, %get3A_1900, %select_n3A_1890 : vector<16xi1>, vector<16xi32>
      %get3A_1904 = arith.constant 6 : i32
      %get3A_1905 = arith.index_cast %get3A_1904 : i32 to index
      %get3A_1906 = arith.constant 112 : index
      %get3A_1907 = tpu.vector_load %arg5[%get3A_1905, %get3A_1906] {strides = array<i32>} : memref<20x128xf32, #tpu.memory_space<vmem>>, vector<1x16xf32>,
      %get3A_1908 = vector.shape_cast %get3A_1907 : vector<1x16xf32> to vector<16xf32>
      %get3A_1909 = arith.constant 6 : i32
      %get3A_1910 = arith.index_cast %get3A_1909 : i32 to index
      %get3A_1911 = arith.constant 112 : index
      %get3A_1912 = tpu.vector_load %arg6[%get3A_1910, %get3A_1911] {strides = array<i32>} : memref<20x128xi32, #tpu.memory_space<vmem>>, vector<1x16xi32>,
      %get3A_1913 = vector.shape_cast %get3A_1912 : vector<1x16xi32> to vector<16xi32>
      %lt3A_1914 = arith.cmpf olt, %get3A_1908, %select_n3A_1902 : vector<16xf32>
      %select_n3A_1915 = arith.select %lt3A_1914, %get3A_1908, %select_n3A_1902 : vector<16xi1>, vector<16xf32>
      %select_n3A_1916 = arith.select %lt3A_1914, %get3A_1913, %select_n3A_1903 : vector<16xi1>, vector<16xi32>
      %get3A_1917 = arith.constant 7 : i32
      %get3A_1918 = arith.index_cast %get3A_1917 : i32 to index
      %get3A_1919 = arith.constant 112 : index
      %get3A_1920 = tpu.vector_load %arg5[%get3A_1918, %get3A_1919] {strides = array<i32>} : memref<20x128xf32, #tpu.memory_space<vmem>>, vector<1x16xf32>,
      %get3A_1921 = vector.shape_cast %get3A_1920 : vector<1x16xf32> to vector<16xf32>
      %get3A_1922 = arith.constant 7 : i32
      %get3A_1923 = arith.index_cast %get3A_1922 : i32 to index
      %get3A_1924 = arith.constant 112 : index
      %get3A_1925 = tpu.vector_load %arg6[%get3A_1923, %get3A_1924] {strides = array<i32>} : memref<20x128xi32, #tpu.memory_space<vmem>>, vector<1x16xi32>,
      %get3A_1926 = vector.shape_cast %get3A_1925 : vector<1x16xi32> to vector<16xi32>
      %lt3A_1927 = arith.cmpf olt, %get3A_1921, %select_n3A_1915 : vector<16xf32>
      %select_n3A_1928 = arith.select %lt3A_1927, %get3A_1921, %select_n3A_1915 : vector<16xi1>, vector<16xf32>
      %select_n3A_1929 = arith.select %lt3A_1927, %get3A_1926, %select_n3A_1916 : vector<16xi1>, vector<16xi32>
      %get3A_1930 = arith.constant 8 : i32
      %get3A_1931 = arith.index_cast %get3A_1930 : i32 to index
      %get3A_1932 = arith.constant 112 : index
      %get3A_1933 = tpu.vector_load %arg5[%get3A_1931, %get3A_1932] {strides = array<i32>} : memref<20x128xf32, #tpu.memory_space<vmem>>, vector<1x16xf32>,
      %get3A_1934 = vector.shape_cast %get3A_1933 : vector<1x16xf32> to vector<16xf32>
      %get3A_1935 = arith.constant 8 : i32
      %get3A_1936 = arith.index_cast %get3A_1935 : i32 to index
      %get3A_1937 = arith.constant 112 : index
      %get3A_1938 = tpu.vector_load %arg6[%get3A_1936, %get3A_1937] {strides = array<i32>} : memref<20x128xi32, #tpu.memory_space<vmem>>, vector<1x16xi32>,
      %get3A_1939 = vector.shape_cast %get3A_1938 : vector<1x16xi32> to vector<16xi32>
      %lt3A_1940 = arith.cmpf olt, %get3A_1934, %select_n3A_1928 : vector<16xf32>
      %select_n3A_1941 = arith.select %lt3A_1940, %get3A_1934, %select_n3A_1928 : vector<16xi1>, vector<16xf32>
      %select_n3A_1942 = arith.select %lt3A_1940, %get3A_1939, %select_n3A_1929 : vector<16xi1>, vector<16xi32>
      %get3A_1943 = arith.constant 9 : i32
      %get3A_1944 = arith.index_cast %get3A_1943 : i32 to index
      %get3A_1945 = arith.constant 112 : index
      %get3A_1946 = tpu.vector_load %arg5[%get3A_1944, %get3A_1945] {strides = array<i32>} : memref<20x128xf32, #tpu.memory_space<vmem>>, vector<1x16xf32>,
      %get3A_1947 = vector.shape_cast %get3A_1946 : vector<1x16xf32> to vector<16xf32>
      %get3A_1948 = arith.constant 9 : i32
      %get3A_1949 = arith.index_cast %get3A_1948 : i32 to index
      %get3A_1950 = arith.constant 112 : index
      %get3A_1951 = tpu.vector_load %arg6[%get3A_1949, %get3A_1950] {strides = array<i32>} : memref<20x128xi32, #tpu.memory_space<vmem>>, vector<1x16xi32>,
      %get3A_1952 = vector.shape_cast %get3A_1951 : vector<1x16xi32> to vector<16xi32>
      %lt3A_1953 = arith.cmpf olt, %get3A_1947, %select_n3A_1941 : vector<16xf32>
      %select_n3A_1954 = arith.select %lt3A_1953, %get3A_1947, %select_n3A_1941 : vector<16xi1>, vector<16xf32>
      %select_n3A_1955 = arith.select %lt3A_1953, %get3A_1952, %select_n3A_1942 : vector<16xi1>, vector<16xi32>
      %get3A_1956 = arith.constant 10 : i32
      %get3A_1957 = arith.index_cast %get3A_1956 : i32 to index
      %get3A_1958 = arith.constant 112 : index
      %get3A_1959 = tpu.vector_load %arg5[%get3A_1957, %get3A_1958] {strides = array<i32>} : memref<20x128xf32, #tpu.memory_space<vmem>>, vector<1x16xf32>,
      %get3A_1960 = vector.shape_cast %get3A_1959 : vector<1x16xf32> to vector<16xf32>
      %get3A_1961 = arith.constant 10 : i32
      %get3A_1962 = arith.index_cast %get3A_1961 : i32 to index
      %get3A_1963 = arith.constant 112 : index
      %get3A_1964 = tpu.vector_load %arg6[%get3A_1962, %get3A_1963] {strides = array<i32>} : memref<20x128xi32, #tpu.memory_space<vmem>>, vector<1x16xi32>,
      %get3A_1965 = vector.shape_cast %get3A_1964 : vector<1x16xi32> to vector<16xi32>
      %lt3A_1966 = arith.cmpf olt, %get3A_1960, %select_n3A_1954 : vector<16xf32>
      %select_n3A_1967 = arith.select %lt3A_1966, %get3A_1960, %select_n3A_1954 : vector<16xi1>, vector<16xf32>
      %select_n3A_1968 = arith.select %lt3A_1966, %get3A_1965, %select_n3A_1955 : vector<16xi1>, vector<16xi32>
      %get3A_1969 = arith.constant 11 : i32
      %get3A_1970 = arith.index_cast %get3A_1969 : i32 to index
      %get3A_1971 = arith.constant 112 : index
      %get3A_1972 = tpu.vector_load %arg5[%get3A_1970, %get3A_1971] {strides = array<i32>} : memref<20x128xf32, #tpu.memory_space<vmem>>, vector<1x16xf32>,
      %get3A_1973 = vector.shape_cast %get3A_1972 : vector<1x16xf32> to vector<16xf32>
      %get3A_1974 = arith.constant 11 : i32
      %get3A_1975 = arith.index_cast %get3A_1974 : i32 to index
      %get3A_1976 = arith.constant 112 : index
      %get3A_1977 = tpu.vector_load %arg6[%get3A_1975, %get3A_1976] {strides = array<i32>} : memref<20x128xi32, #tpu.memory_space<vmem>>, vector<1x16xi32>,
      %get3A_1978 = vector.shape_cast %get3A_1977 : vector<1x16xi32> to vector<16xi32>
      %lt3A_1979 = arith.cmpf olt, %get3A_1973, %select_n3A_1967 : vector<16xf32>
      %select_n3A_1980 = arith.select %lt3A_1979, %get3A_1973, %select_n3A_1967 : vector<16xi1>, vector<16xf32>
      %select_n3A_1981 = arith.select %lt3A_1979, %get3A_1978, %select_n3A_1968 : vector<16xi1>, vector<16xi32>
      %get3A_1982 = arith.constant 12 : i32
      %get3A_1983 = arith.index_cast %get3A_1982 : i32 to index
      %get3A_1984 = arith.constant 112 : index
      %get3A_1985 = tpu.vector_load %arg5[%get3A_1983, %get3A_1984] {strides = array<i32>} : memref<20x128xf32, #tpu.memory_space<vmem>>, vector<1x16xf32>,
      %get3A_1986 = vector.shape_cast %get3A_1985 : vector<1x16xf32> to vector<16xf32>
      %get3A_1987 = arith.constant 12 : i32
      %get3A_1988 = arith.index_cast %get3A_1987 : i32 to index
      %get3A_1989 = arith.constant 112 : index
      %get3A_1990 = tpu.vector_load %arg6[%get3A_1988, %get3A_1989] {strides = array<i32>} : memref<20x128xi32, #tpu.memory_space<vmem>>, vector<1x16xi32>,
      %get3A_1991 = vector.shape_cast %get3A_1990 : vector<1x16xi32> to vector<16xi32>
      %lt3A_1992 = arith.cmpf olt, %get3A_1986, %select_n3A_1980 : vector<16xf32>
      %select_n3A_1993 = arith.select %lt3A_1992, %get3A_1986, %select_n3A_1980 : vector<16xi1>, vector<16xf32>
      %select_n3A_1994 = arith.select %lt3A_1992, %get3A_1991, %select_n3A_1981 : vector<16xi1>, vector<16xi32>
      %get3A_1995 = arith.constant 13 : i32
      %get3A_1996 = arith.index_cast %get3A_1995 : i32 to index
      %get3A_1997 = arith.constant 112 : index
      %get3A_1998 = tpu.vector_load %arg5[%get3A_1996, %get3A_1997] {strides = array<i32>} : memref<20x128xf32, #tpu.memory_space<vmem>>, vector<1x16xf32>,
      %get3A_1999 = vector.shape_cast %get3A_1998 : vector<1x16xf32> to vector<16xf32>
      %get3A_2000 = arith.constant 13 : i32
      %get3A_2001 = arith.index_cast %get3A_2000 : i32 to index
      %get3A_2002 = arith.constant 112 : index
      %get3A_2003 = tpu.vector_load %arg6[%get3A_2001, %get3A_2002] {strides = array<i32>} : memref<20x128xi32, #tpu.memory_space<vmem>>, vector<1x16xi32>,
      %get3A_2004 = vector.shape_cast %get3A_2003 : vector<1x16xi32> to vector<16xi32>
      %lt3A_2005 = arith.cmpf olt, %get3A_1999, %select_n3A_1993 : vector<16xf32>
      %select_n3A_2006 = arith.select %lt3A_2005, %get3A_1999, %select_n3A_1993 : vector<16xi1>, vector<16xf32>
      %select_n3A_2007 = arith.select %lt3A_2005, %get3A_2004, %select_n3A_1994 : vector<16xi1>, vector<16xi32>
      %get3A_2008 = arith.constant 14 : i32
      %get3A_2009 = arith.index_cast %get3A_2008 : i32 to index
      %get3A_2010 = arith.constant 112 : index
      %get3A_2011 = tpu.vector_load %arg5[%get3A_2009, %get3A_2010] {strides = array<i32>} : memref<20x128xf32, #tpu.memory_space<vmem>>, vector<1x16xf32>,
      %get3A_2012 = vector.shape_cast %get3A_2011 : vector<1x16xf32> to vector<16xf32>
      %get3A_2013 = arith.constant 14 : i32
      %get3A_2014 = arith.index_cast %get3A_2013 : i32 to index
      %get3A_2015 = arith.constant 112 : index
      %get3A_2016 = tpu.vector_load %arg6[%get3A_2014, %get3A_2015] {strides = array<i32>} : memref<20x128xi32, #tpu.memory_space<vmem>>, vector<1x16xi32>,
      %get3A_2017 = vector.shape_cast %get3A_2016 : vector<1x16xi32> to vector<16xi32>
      %lt3A_2018 = arith.cmpf olt, %get3A_2012, %select_n3A_2006 : vector<16xf32>
      %select_n3A_2019 = arith.select %lt3A_2018, %get3A_2012, %select_n3A_2006 : vector<16xi1>, vector<16xf32>
      %select_n3A_2020 = arith.select %lt3A_2018, %get3A_2017, %select_n3A_2007 : vector<16xi1>, vector<16xi32>
      %get3A_2021 = arith.constant 15 : i32
      %get3A_2022 = arith.index_cast %get3A_2021 : i32 to index
      %get3A_2023 = arith.constant 112 : index
      %get3A_2024 = tpu.vector_load %arg5[%get3A_2022, %get3A_2023] {strides = array<i32>} : memref<20x128xf32, #tpu.memory_space<vmem>>, vector<1x16xf32>,
      %get3A_2025 = vector.shape_cast %get3A_2024 : vector<1x16xf32> to vector<16xf32>
      %get3A_2026 = arith.constant 15 : i32
      %get3A_2027 = arith.index_cast %get3A_2026 : i32 to index
      %get3A_2028 = arith.constant 112 : index
      %get3A_2029 = tpu.vector_load %arg6[%get3A_2027, %get3A_2028] {strides = array<i32>} : memref<20x128xi32, #tpu.memory_space<vmem>>, vector<1x16xi32>,
      %get3A_2030 = vector.shape_cast %get3A_2029 : vector<1x16xi32> to vector<16xi32>
      %lt3A_2031 = arith.cmpf olt, %get3A_2025, %select_n3A_2019 : vector<16xf32>
      %select_n3A_2032 = arith.select %lt3A_2031, %get3A_2025, %select_n3A_2019 : vector<16xi1>, vector<16xf32>
      %select_n3A_2033 = arith.select %lt3A_2031, %get3A_2030, %select_n3A_2020 : vector<16xi1>, vector<16xi32>
      %get3A_2034 = arith.constant 16 : i32
      %get3A_2035 = arith.index_cast %get3A_2034 : i32 to index
      %get3A_2036 = arith.constant 112 : index
      %get3A_2037 = tpu.vector_load %arg5[%get3A_2035, %get3A_2036] {strides = array<i32>} : memref<20x128xf32, #tpu.memory_space<vmem>>, vector<1x16xf32>,
      %get3A_2038 = vector.shape_cast %get3A_2037 : vector<1x16xf32> to vector<16xf32>
      %get3A_2039 = arith.constant 16 : i32
      %get3A_2040 = arith.index_cast %get3A_2039 : i32 to index
      %get3A_2041 = arith.constant 112 : index
      %get3A_2042 = tpu.vector_load %arg6[%get3A_2040, %get3A_2041] {strides = array<i32>} : memref<20x128xi32, #tpu.memory_space<vmem>>, vector<1x16xi32>,
      %get3A_2043 = vector.shape_cast %get3A_2042 : vector<1x16xi32> to vector<16xi32>
      %lt3A_2044 = arith.cmpf olt, %get3A_2038, %select_n3A_2032 : vector<16xf32>
      %select_n3A_2045 = arith.select %lt3A_2044, %get3A_2038, %select_n3A_2032 : vector<16xi1>, vector<16xf32>
      %select_n3A_2046 = arith.select %lt3A_2044, %get3A_2043, %select_n3A_2033 : vector<16xi1>, vector<16xi32>
      %get3A_2047 = arith.constant 17 : i32
      %get3A_2048 = arith.index_cast %get3A_2047 : i32 to index
      %get3A_2049 = arith.constant 112 : index
      %get3A_2050 = tpu.vector_load %arg5[%get3A_2048, %get3A_2049] {strides = array<i32>} : memref<20x128xf32, #tpu.memory_space<vmem>>, vector<1x16xf32>,
      %get3A_2051 = vector.shape_cast %get3A_2050 : vector<1x16xf32> to vector<16xf32>
      %get3A_2052 = arith.constant 17 : i32
      %get3A_2053 = arith.index_cast %get3A_2052 : i32 to index
      %get3A_2054 = arith.constant 112 : index
      %get3A_2055 = tpu.vector_load %arg6[%get3A_2053, %get3A_2054] {strides = array<i32>} : memref<20x128xi32, #tpu.memory_space<vmem>>, vector<1x16xi32>,
      %get3A_2056 = vector.shape_cast %get3A_2055 : vector<1x16xi32> to vector<16xi32>
      %lt3A_2057 = arith.cmpf olt, %get3A_2051, %select_n3A_2045 : vector<16xf32>
      %select_n3A_2058 = arith.select %lt3A_2057, %get3A_2051, %select_n3A_2045 : vector<16xi1>, vector<16xf32>
      %select_n3A_2059 = arith.select %lt3A_2057, %get3A_2056, %select_n3A_2046 : vector<16xi1>, vector<16xi32>
      %get3A_2060 = arith.constant 18 : i32
      %get3A_2061 = arith.index_cast %get3A_2060 : i32 to index
      %get3A_2062 = arith.constant 112 : index
      %get3A_2063 = tpu.vector_load %arg5[%get3A_2061, %get3A_2062] {strides = array<i32>} : memref<20x128xf32, #tpu.memory_space<vmem>>, vector<1x16xf32>,
      %get3A_2064 = vector.shape_cast %get3A_2063 : vector<1x16xf32> to vector<16xf32>
      %get3A_2065 = arith.constant 18 : i32
      %get3A_2066 = arith.index_cast %get3A_2065 : i32 to index
      %get3A_2067 = arith.constant 112 : index
      %get3A_2068 = tpu.vector_load %arg6[%get3A_2066, %get3A_2067] {strides = array<i32>} : memref<20x128xi32, #tpu.memory_space<vmem>>, vector<1x16xi32>,
      %get3A_2069 = vector.shape_cast %get3A_2068 : vector<1x16xi32> to vector<16xi32>
      %lt3A_2070 = arith.cmpf olt, %get3A_2064, %select_n3A_2058 : vector<16xf32>
      %select_n3A_2071 = arith.select %lt3A_2070, %get3A_2064, %select_n3A_2058 : vector<16xi1>, vector<16xf32>
      %select_n3A_2072 = arith.select %lt3A_2070, %get3A_2069, %select_n3A_2059 : vector<16xi1>, vector<16xi32>
      %get3A_2073 = arith.constant 19 : i32
      %get3A_2074 = arith.index_cast %get3A_2073 : i32 to index
      %get3A_2075 = arith.constant 112 : index
      %get3A_2076 = tpu.vector_load %arg5[%get3A_2074, %get3A_2075] {strides = array<i32>} : memref<20x128xf32, #tpu.memory_space<vmem>>, vector<1x16xf32>,
      %get3A_2077 = vector.shape_cast %get3A_2076 : vector<1x16xf32> to vector<16xf32>
      %get3A_2078 = arith.constant 19 : i32
      %get3A_2079 = arith.index_cast %get3A_2078 : i32 to index
      %get3A_2080 = arith.constant 112 : index
      %get3A_2081 = tpu.vector_load %arg6[%get3A_2079, %get3A_2080] {strides = array<i32>} : memref<20x128xi32, #tpu.memory_space<vmem>>, vector<1x16xi32>,
      %get3A_2082 = vector.shape_cast %get3A_2081 : vector<1x16xi32> to vector<16xi32>
      %lt3A_2083 = arith.cmpf olt, %get3A_2077, %select_n3A_2071 : vector<16xf32>
      %select_n3A_2084 = arith.select %lt3A_2083, %get3A_2077, %select_n3A_2071 : vector<16xi1>, vector<16xf32>
      %select_n3A_2085 = arith.select %lt3A_2083, %get3A_2082, %select_n3A_2072 : vector<16xi1>, vector<16xi32>
      %swap3A_2086 = arith.constant 112 : index
      %swap3A_2087 = tpu.vector_load %arg7[%swap3A_2086] {strides = array<i32>} : memref<128xi32, #tpu.memory_space<vmem>>, vector<16xi32>,
      %swap3A_2088 = vector.shape_cast %swap3A_2087 : vector<16xi32> to vector<16xi32>
      %swap3A_2089 = vector.shape_cast %select_n3A_2085 : vector<16xi32> to vector<16xi32>
      tpu.vector_store %arg7[%swap3A_2086], %swap3A_2089 {strides = array<i32>} : memref<128xi32, #tpu.memory_space<vmem>>, vector<16xi32>,
      "tpu.region"() ({
        %run_scoped3A = tpu.sem_alloc : memref<!tpu.dma_semaphore, #tpu.memory_space<semaphore_mem>>
        %dma_start3A = tpu.memref_slice %arg4[%mul3A_4] : memref<1024xi32, #tpu.memory_space<hbm>> -> memref<128xi32, #tpu.memory_space<hbm>>
        %dma_start3A_2090 = tpu.memref_slice %arg4[%mul3A_4] : memref<1024xi32, #tpu.memory_space<hbm>> -> memref<128xi32, #tpu.memory_space<hbm>>
        tpu.enqueue_dma source(%arg7 : memref<128xi32, #tpu.memory_space<vmem>>) target(%dma_start3A_2090 : memref<128xi32, #tpu.memory_space<hbm>>) target_semaphore(%run_scoped3A : memref<!tpu.dma_semaphore, #tpu.memory_space<semaphore_mem>>)
        %dma_wait3A = tpu.memref_slice %arg4[%mul3A_4] : memref<1024xi32, #tpu.memory_space<hbm>> -> memref<128xi32, #tpu.memory_space<hbm>>
        %dma_wait3A_2091 = tpu.memref_slice %arg4[%mul3A_4] : memref<1024xi32, #tpu.memory_space<hbm>> -> memref<128xi32, #tpu.memory_space<hbm>>
        tpu.wait_dma2 semaphore(%run_scoped3A : memref<!tpu.dma_semaphore, #tpu.memory_space<semaphore_mem>>) src(%arg7 : memref<128xi32, #tpu.memory_space<vmem>>) dst(%dma_wait3A_2091 : memref<128xi32, #tpu.memory_space<hbm>>)
        tpu.yield
      }) : () -> ()
    } else {
    }
    return
  }
}

module attributes {stable_mosaic.version = 14 : i64} {
  func.func @_nn_kernel(%arg0: i32, %arg1: memref<64x1024xf32, #tpu.memory_space<vmem>>, %arg2: memref<5000x64xf32, #tpu.memory_space<vmem>>, %arg3: memref<1x1x1024xf32, #tpu.memory_space<vmem>>, %arg4: memref<1x1x1024xi32, #tpu.memory_space<vmem>>, %arg5: memref<387x1024xbf16, #tpu.memory_space<vmem>>) attributes {dimension_semantics = [#tpu.dimension_semantics<arbitrary>], iteration_bounds = array<i64: 20>, scalar_prefetch = 0 : i64, scratch_operands = 1 : i64, tpu.core_type = #tpu.core_type<tc>, window_params = [{pipeline_mode = #tpu.pipeline_mode<synchronous>, transform_indices = @transform_0, window_bounds = array<i64: 64, 1024>}, {transform_indices = @transform_1, window_bounds = array<i64: 5000, 64>}, {transform_indices = @transform_2, window_bounds = array<i64: 1, 1, 1024>}, {transform_indices = @transform_3, window_bounds = array<i64: 1, 1, 1024>}]} {
    %eq3A = arith.constant 0 : i32
    %eq3A_0 = arith.cmpi eq, %arg0, %eq3A : i32
    %convert_element_type3A = arith.extui %eq3A_0 : i1 to i32
    %cond3A = arith.constant 0 : i32
    %cond3A_1 = arith.cmpi ne, %convert_element_type3A, %cond3A : i32
    scf.if %cond3A_1 {
      %get3A_51 = arith.constant 0 : index
      %get3A_52 = arith.constant 0 : index
      %get3A_53 = vector.load %arg1[%get3A_51, %get3A_52] : memref<64x1024xf32, #tpu.memory_space<vmem>>, vector<64x1024xf32>
      %bitcast_convert_type3A_54 = tpu.bitcast %get3A_53 : vector<64x1024xf32> -> vector<64x1024xi32>
      %and3A_55 = arith.constant -65536 : i32
      %and3A_56 = vector.broadcast %and3A_55 : i32 to vector<64x1024xi32>
      %and3A_57 = arith.andi %bitcast_convert_type3A_54, %and3A_56 : vector<64x1024xi32>
      %bitcast_convert_type3A_58 = tpu.bitcast %and3A_57 : vector<64x1024xi32> -> vector<64x1024xf32>
      %sub3A_59 = arith.subf %get3A_53, %bitcast_convert_type3A_58 : vector<64x1024xf32>
      %bitcast_convert_type3A_60 = tpu.bitcast %sub3A_59 : vector<64x1024xf32> -> vector<64x1024xi32>
      %and3A_61 = arith.constant -65536 : i32
      %and3A_62 = vector.broadcast %and3A_61 : i32 to vector<64x1024xi32>
      %and3A_63 = arith.andi %bitcast_convert_type3A_60, %and3A_62 : vector<64x1024xi32>
      %bitcast_convert_type3A_64 = tpu.bitcast %and3A_63 : vector<64x1024xi32> -> vector<64x1024xf32>
      %sub3A_65 = arith.subf %sub3A_59, %bitcast_convert_type3A_64 : vector<64x1024xf32>
      %convert_element_type3A_66 = arith.truncf %bitcast_convert_type3A_58 : vector<64x1024xf32> to vector<64x1024xbf16>
      %convert_element_type3A_67 = arith.truncf %bitcast_convert_type3A_64 : vector<64x1024xf32> to vector<64x1024xbf16>
      %convert_element_type3A_68 = arith.truncf %sub3A_65 : vector<64x1024xf32> to vector<64x1024xbf16>
      %broadcast_in_dim3A_69 = arith.constant 1.000000e+00 : bf16
      %broadcast_in_dim3A_70 = vector.broadcast %broadcast_in_dim3A_69 : bf16 to vector<3x1024xbf16>
      %concatenate3A_71 = tpu.concatenate %convert_element_type3A_66, %convert_element_type3A_66, %convert_element_type3A_67, %convert_element_type3A_68, %convert_element_type3A_66, %convert_element_type3A_67, %broadcast_in_dim3A_70 in 0 : vector<64x1024xbf16>, vector<64x1024xbf16>, vector<64x1024xbf16>, vector<64x1024xbf16>, vector<64x1024xbf16>, vector<64x1024xbf16>, vector<3x1024xbf16> -> vector<387x1024xbf16>
      %swap3A_72 = arith.constant 0 : index
      %swap3A_73 = arith.constant 0 : index
      %swap3A_74 = vector.load %arg5[%swap3A_72, %swap3A_73] : memref<387x1024xbf16, #tpu.memory_space<vmem>>, vector<387x1024xbf16>
      tpu.vector_store %arg5[%swap3A_72, %swap3A_73], %concatenate3A_71 {strides = array<i32>} : memref<387x1024xbf16, #tpu.memory_space<vmem>>, vector<387x1024xbf16>,
    } else {
    }
    %get3A = arith.constant 0 : index
    %get3A_2 = arith.constant 0 : index
    %get3A_3 = vector.load %arg2[%get3A, %get3A_2] : memref<5000x64xf32, #tpu.memory_space<vmem>>, vector<5000x64xf32>
    %bitcast_convert_type3A = tpu.bitcast %get3A_3 : vector<5000x64xf32> -> vector<5000x64xi32>
    %and3A = arith.constant -65536 : i32
    %and3A_4 = vector.broadcast %and3A : i32 to vector<5000x64xi32>
    %and3A_5 = arith.andi %bitcast_convert_type3A, %and3A_4 : vector<5000x64xi32>
    %bitcast_convert_type3A_6 = tpu.bitcast %and3A_5 : vector<5000x64xi32> -> vector<5000x64xf32>
    %sub3A = arith.subf %get3A_3, %bitcast_convert_type3A_6 : vector<5000x64xf32>
    %bitcast_convert_type3A_7 = tpu.bitcast %sub3A : vector<5000x64xf32> -> vector<5000x64xi32>
    %and3A_8 = arith.constant -65536 : i32
    %and3A_9 = vector.broadcast %and3A_8 : i32 to vector<5000x64xi32>
    %and3A_10 = arith.andi %bitcast_convert_type3A_7, %and3A_9 : vector<5000x64xi32>
    %bitcast_convert_type3A_11 = tpu.bitcast %and3A_10 : vector<5000x64xi32> -> vector<5000x64xf32>
    %sub3A_12 = arith.subf %sub3A, %bitcast_convert_type3A_11 : vector<5000x64xf32>
    %convert_element_type3A_13 = arith.truncf %bitcast_convert_type3A_6 : vector<5000x64xf32> to vector<5000x64xbf16>
    %convert_element_type3A_14 = arith.truncf %bitcast_convert_type3A_11 : vector<5000x64xf32> to vector<5000x64xbf16>
    %convert_element_type3A_15 = arith.truncf %sub3A_12 : vector<5000x64xf32> to vector<5000x64xbf16>
    %mul3A = arith.mulf %get3A_3, %get3A_3 : vector<5000x64xf32>
    %reduce_sum3A = arith.constant dense<0.000000e+00> : vector<5000xf32>
    %reduce_sum3A_16 = vector.multi_reduction <add>, %mul3A, %reduce_sum3A [1] : vector<5000x64xf32> to vector<5000xf32>
    %broadcast_in_dim3A = vector.shape_cast %reduce_sum3A_16 : vector<5000xf32> to vector<5000x1xf32>
    %bitcast_convert_type3A_17 = tpu.bitcast %broadcast_in_dim3A : vector<5000x1xf32> -> vector<5000x1xi32>
    %and3A_18 = arith.constant -65536 : i32
    %and3A_19 = vector.broadcast %and3A_18 : i32 to vector<5000x1xi32>
    %and3A_20 = arith.andi %bitcast_convert_type3A_17, %and3A_19 : vector<5000x1xi32>
    %bitcast_convert_type3A_21 = tpu.bitcast %and3A_20 : vector<5000x1xi32> -> vector<5000x1xf32>
    %sub3A_22 = arith.subf %broadcast_in_dim3A, %bitcast_convert_type3A_21 : vector<5000x1xf32>
    %bitcast_convert_type3A_23 = tpu.bitcast %sub3A_22 : vector<5000x1xf32> -> vector<5000x1xi32>
    %and3A_24 = arith.constant -65536 : i32
    %and3A_25 = vector.broadcast %and3A_24 : i32 to vector<5000x1xi32>
    %and3A_26 = arith.andi %bitcast_convert_type3A_23, %and3A_25 : vector<5000x1xi32>
    %bitcast_convert_type3A_27 = tpu.bitcast %and3A_26 : vector<5000x1xi32> -> vector<5000x1xf32>
    %sub3A_28 = arith.subf %sub3A_22, %bitcast_convert_type3A_27 : vector<5000x1xf32>
    %convert_element_type3A_29 = arith.truncf %bitcast_convert_type3A_21 : vector<5000x1xf32> to vector<5000x1xbf16>
    %convert_element_type3A_30 = arith.truncf %bitcast_convert_type3A_27 : vector<5000x1xf32> to vector<5000x1xbf16>
    %convert_element_type3A_31 = arith.truncf %sub3A_28 : vector<5000x1xf32> to vector<5000x1xbf16>
    %concatenate3A = tpu.concatenate %convert_element_type3A_13, %convert_element_type3A_14, %convert_element_type3A_13, %convert_element_type3A_13, %convert_element_type3A_15, %convert_element_type3A_14, %convert_element_type3A_29, %convert_element_type3A_30, %convert_element_type3A_31 in 1 : vector<5000x64xbf16>, vector<5000x64xbf16>, vector<5000x64xbf16>, vector<5000x64xbf16>, vector<5000x64xbf16>, vector<5000x64xbf16>, vector<5000x1xbf16>, vector<5000x1xbf16>, vector<5000x1xbf16> -> vector<5000x387xbf16>
    %get3A_32 = arith.constant 0 : index
    %get3A_33 = arith.constant 0 : index
    %get3A_34 = vector.load %arg5[%get3A_32, %get3A_33] : memref<387x1024xbf16, #tpu.memory_space<vmem>>, vector<387x1024xbf16>
    %dot_general3A = arith.constant dense<0.000000e+00> : vector<5000x1024xf32>
    %dot_general3A_35 = tpu.matmul %concatenate3A, %get3A_34, %dot_general3A {dimension_numbers = #tpu.dot_dimension_numbers<[1], [0], [0], [1], [0, 0, 1, 1], [], []>, transpose_lhs_hint = false} : vector<5000x387xbf16>, vector<387x1024xbf16>, vector<5000x1024xf32> -> vector<5000x1024xf32>
    %reduce_min3A = arith.constant dense<0x7F800000> : vector<1024xf32>
    %reduce_min3A_36 = vector.multi_reduction <minimumf>, %dot_general3A_35, %reduce_min3A [0] : vector<5000x1024xf32> to vector<1024xf32>
    %broadcast_in_dim3A_37 = vector.shape_cast %reduce_min3A_36 : vector<1024xf32> to vector<1x1024xf32>
    %broadcast_in_dim3A_38 = vector.shape_cast %broadcast_in_dim3A_37 : vector<1x1024xf32> to vector<1x1x1024xf32>
    %swap3A = arith.constant 0 : index
    %swap3A_39 = arith.constant 0 : index
    %swap3A_40 = arith.constant 0 : index
    %swap3A_41 = vector.load %arg3[%swap3A, %swap3A_39, %swap3A_40] : memref<1x1x1024xf32, #tpu.memory_space<vmem>>, vector<1x1x1024xf32>
    tpu.vector_store %arg3[%swap3A, %swap3A_39, %swap3A_40], %broadcast_in_dim3A_38 {strides = array<i32>} : memref<1x1x1024xf32, #tpu.memory_space<vmem>>, vector<1x1x1024xf32>,
    %argmin3A = tpu.reduce_index %dot_general3A_35 {axis = 0 : i32, kind = #tpu.reduction_kind<arg_min>} : vector<5000x1024xf32> -> vector<1024xi32>
    %broadcast_in_dim3A_42 = vector.shape_cast %argmin3A : vector<1024xi32> to vector<1x1024xi32>
    %mul3A_43 = arith.constant 5000 : i32
    %mul3A_44 = arith.muli %arg0, %mul3A_43 : i32
    %add3A = vector.broadcast %mul3A_44 : i32 to vector<1x1024xi32>
    %add3A_45 = arith.addi %broadcast_in_dim3A_42, %add3A : vector<1x1024xi32>
    %broadcast_in_dim3A_46 = vector.shape_cast %add3A_45 : vector<1x1024xi32> to vector<1x1x1024xi32>
    %swap3A_47 = arith.constant 0 : index
    %swap3A_48 = arith.constant 0 : index
    %swap3A_49 = arith.constant 0 : index
    %swap3A_50 = vector.load %arg4[%swap3A_47, %swap3A_48, %swap3A_49] : memref<1x1x1024xi32, #tpu.memory_space<vmem>>, vector<1x1x1024xi32>
    tpu.vector_store %arg4[%swap3A_47, %swap3A_48, %swap3A_49], %broadcast_in_dim3A_46 {strides = array<i32>} : memref<1x1x1024xi32, #tpu.memory_space<vmem>>, vector<1x1x1024xi32>,
    return
  }
  func.func @transform_0(%arg0: i32) -> (i32, i32) {
    %c0_i32 = arith.constant 0 : i32
    %c0_i32_0 = arith.constant 0 : i32
    %c0_i32_1 = arith.constant 0 : i32
    return %c0_i32, %c0_i32_0 : i32, i32
  }
  func.func @transform_1(%arg0: i32) -> (i32, i32) {
    %c0_i32 = arith.constant 0 : i32
    %c0_i32_0 = arith.constant 0 : i32
    return %arg0, %c0_i32 : i32, i32
  }
  func.func @transform_2(%arg0: i32) -> (i32, i32, i32) {
    %c0_i32 = arith.constant 0 : i32
    %c0_i32_0 = arith.constant 0 : i32
    %c0_i32_1 = arith.constant 0 : i32
    return %arg0, %c0_i32, %c0_i32_0 : i32, i32, i32
  }
  func.func @transform_3(%arg0: i32) -> (i32, i32, i32) {
    %c0_i32 = arith.constant 0 : i32
    %c0_i32_0 = arith.constant 0 : i32
    %c0_i32_1 = arith.constant 0 : i32
    return %arg0, %c0_i32, %c0_i32_0 : i32, i32, i32
  }
}

</mosaic_0001>

<sc_bundles>
// kernel: kernel.4.cloned.1.call-start
scs
__scs_entry_jumppad:
0x0: {  	(pc) =	sbr.rel $0x88, $3  }
0x1: {  	(tag) =	ssettag $0x0;
	lr =	simm.s32 $0x1  }
0x2: {  	[smem:$0x3F9F] =	sst lr;
	_ =	strace $0xD0000000  }
0x3: {  	_ = 	snop  }
0x4: {  	_ = 	snop  }
0x5: {  	_ = 	snop  }
0x6: {  	_ = 	snop  }
0x7: {  	_ = 	snop  }
__scs_overlays_trampoline_lowered:
0x8: {  	[smem:$0x3FAE] =	sst s0  }
0x9: {  	[smem:$0x3FAF] =	sst s1  }
0xa: {  	[smem:$0x3FB0] =	sst s2  }
0xb: {  	[smem:$0x3FB1] =	sst s3  }
0xc: {  	[smem:$0x3FB2] =	sst s4  }
0xd: {  	[smem:$0x3FB3] =	sst s5  }
0xe: {  	[smem:$0x3FB4] =	sst s6  }
0xf: {  	[smem:$0x3FB5] =	sst s7  }
0x10: {  	[smem:$0x3FB6] =	sst s8  }
0x11: {  	[smem:$0x3FB7] =	sst s9;
	s0 =	simm.s32 @!p0 $0x0  }
0x12: {  	s1 =	sld [smem:$0x3F9D];
	s0 =	simm.s32 @p0 $0x1  }
0x13: {  	[smem:$0x3FB8] =	sst s0;
	s0 =	simm.s32 @!p1 $0x0  }
0x14: {  	s2 =	sld [smem:$0x3F9C];
	s0 =	simm.s32 @p1 $0x1  }
0x15: {  	[smem:$0x3FB9] =	sst s0;
	s0 =	simm.s32 @!p2 $0x0  }
0x16: {  	s3 =	sld [smem:$0x3FDB];
	s0 =	simm.s32 @p2 $0x1  }
0x17: {  	s4 =	simm.s32 $0x1BF5;
	[smem:$0x3FBB] =	sst s0  }
0x18: {  	s0 =	sld [smem:$0x3F9E];
	_ =	swait.ge [sflag:s4], $0x0  }
0x19: {  	s7 =	sld [smem:$0x3F9F]  }
0x1a: {  	s8 =	sadd.s32 $0xFFFFE003, lr  }
0x1b: {  	s9 =	sadd.s32 $0xFFFFFEF7, lr;
	s5 =	simm.s32 $0xFFFFFFFF;
	p2 =	slt.u32 s8, $0xFFFFF086  }
0x1c: {  	p1 =	slt.u32 s9, $0xF7A;
	s5 =	simm.s32 @!p2 $0x0  }
0x1d: {  	s5 =	simm.s32 @p1 $0x1;
	p0 =	seq.s32 s7, s2  }
0x1e: {  	s7 =	smul.u32 @!p0 $0xF7A, s2;
	p2 =	seq.s32 @!p0 s5, $0x0  }
0x1f: {  	s9 =	smul.u32 $0xF7A, s1;
	s8 =	simm.s32 @!p0 $0x1BF5;
	p2 =	por !p2, p0  }
0x20: {  	[sflag:s8] =	ssyncset.s32 @!p0 $0xFFFFF086;
	s6 =	sadd.s32 @!p0 s3, s7;
	s7 =	simm.s32 @!p0 $0x108  }
0x21: {  	s3 =	sadd.s32 s3, s9;
	s6 =	sadd.s32 @!p0 $0x88, s6;
	s7 =	simm.s32 @p2 $0x1082  }
0x22: {  	[simem:s7], [sflag:s8] =	dma.local @!p0 [hbm:s6], $0xF7A  }
0x23: {  	s9 =	sor.u32 $0xD0000000, s2;
	s6 =	simm.s32 $0x108;
	_ =	swait.ge @!p0 [sflag:s8], $0x0  }
0x24: {  	s3 =	sadd.s32 $0x88, s3;
	s6 =	simm.s32 @!p1 $0x1082;
	[sflag:s4] =	ssyncset.s32 $0xFFFFF086  }
0x25: {  	[simem:s6], [sflag:s4] =	dma.local [hbm:s3], $0xF7A  }
0x26: {  	[smem:$0x3F9F] =	sst s1;
	(tag) =	ssettag s2;
	_ =	strace s9  }
0x27: {  	s1 =	sld [smem:$0x3FAF]  }
0x28: {  	s2 =	sld [smem:$0x3FB0]  }
0x29: {  	s4 =	sld [smem:$0x3FB2]  }
0x2a: {  	p0 =	seq.s32 s5, $0x0;
	s5 =	sld [smem:$0x3FB3]  }
0x2b: {  	s6 =	sld [smem:$0x3FB4]  }
0x2c: {  	s7 =	sld [smem:$0x3FB5]  }
0x2d: {  	s3 =	simm.s32 $0x108;
	s8 =	sld [smem:$0x3FB6]  }
0x2e: {  	s3 =	simm.s32 @!p0 $0x1082;
	s9 =	sld [smem:$0x3FB7]  }
0x2f: {  	lr =	sadd.s32 s0, s3;
	s0 =	sld [smem:$0x3FAE]  }
0x30: {  	s3 =	sld [smem:$0x3FB1]  }
0x31: {  	[smem:$0x3FBA] =	sst s10  }
0x32: {  	s10 =	sld [smem:$0x3FB8];
	_ =	sdelay $0x3  }
0x33: {  	p0 =	seq.s32 s10, $0x1;
	s10 =	sld [smem:$0x3FBA];
	_ =	sdelay $0x3  }
0x34: {  	[smem:$0x3FBA] =	sst s10  }
0x35: {  	s10 =	sld [smem:$0x3FB9];
	_ =	sdelay $0x3  }
0x36: {  	p1 =	seq.s32 s10, $0x1;
	s10 =	sld [smem:$0x3FBA];
	_ =	sdelay $0x3  }
0x37: {  	[smem:$0x3FBA] =	sst s10  }
0x38: {  	s10 =	sld [smem:$0x3FBB]  }
0x39: {  	_ = 	snop;
	(pc) =	sbr.ind lr, $3  }
0x3a: {  	_ = 	snop  }
0x3b: {  	_ = 	snop  }
0x3c: {  	p2 =	seq.s32 s10, $0x1;
	s10 =	sld [smem:$0x3FBA]  }
0x3d: {  	_ =	shalt  }
0x3e: {  	_ =	shalt  }
0x3f: {  	_ =	shalt  }
0x40: {  	_ =	shalt  }
0x41: {  	_ =	shalt  }
0x42: {  	_ =	shalt  }
0x43: {  	_ =	shalt  }
0x44: {  	_ =	shalt  }
0x45: {  	_ =	shalt  }
0x46: {  	_ =	shalt  }
0x47: {  	_ =	shalt  }
0x48: {  	_ =	shalt  }
0x49: {  	_ =	shalt  }
0x4a: {  	_ =	shalt  }
0x4b: {  	_ =	shalt  }
0x4c: {  	_ =	shalt  }
0x4d: {  	_ =	shalt  }
0x4e: {  	_ =	shalt  }
0x4f: {  	_ =	shalt  }
0x50: {  	_ =	shalt  }
0x51: {  	_ =	shalt  }
0x52: {  	_ =	shalt  }
0x53: {  	_ =	shalt  }
0x54: {  	_ =	shalt  }
0x55: {  	_ =	shalt  }
0x56: {  	_ =	shalt  }
0x57: {  	_ =	shalt  }
0x58: {  	_ =	shalt  }
0x59: {  	_ =	shalt  }
0x5a: {  	_ =	shalt  }
0x5b: {  	_ =	shalt  }
0x5c: {  	_ =	shalt  }
0x5d: {  	_ =	shalt  }
0x5e: {  	_ =	shalt  }
0x5f: {  	_ =	shalt  }
0x60: {  	_ =	shalt  }
0x61: {  	_ =	shalt  }
0x62: {  	_ =	shalt  }
0x63: {  	_ =	shalt  }
0x64: {  	_ =	shalt  }
0x65: {  	_ =	shalt  }
0x66: {  	_ =	shalt  }
0x67: {  	_ =	shalt  }
0x68: {  	_ =	shalt  }
0x69: {  	_ =	shalt  }
0x6a: {  	_ =	shalt  }
0x6b: {  	_ =	shalt  }
0x6c: {  	_ =	shalt  }
0x6d: {  	_ =	shalt  }
0x6e: {  	_ =	shalt  }
0x6f: {  	_ =	shalt  }
0x70: {  	_ =	shalt  }
0x71: {  	_ =	shalt  }
0x72: {  	_ =	shalt  }
0x73: {  	_ =	shalt  }
0x74: {  	_ =	shalt  }
0x75: {  	_ =	shalt  }
0x76: {  	_ =	shalt  }
0x77: {  	_ =	shalt  }
0x78: {  	_ =	shalt  }
0x79: {  	_ =	shalt  }
0x7a: {  	_ =	shalt  }
0x7b: {  	_ =	shalt  }
0x7c: {  	_ =	shalt  }
0x7d: {  	_ =	shalt  }
0x7e: {  	_ =	shalt  }
0x7f: {  	_ =	shalt  }
0x80: {  	_ =	shalt  }
0x81: {  	_ =	shalt  }
0x82: {  	_ =	shalt  }
0x83: {  	_ =	shalt  }
0x84: {  	_ =	shalt  }
0x85: {  	_ =	shalt  }
0x86: {  	_ =	shalt  }
0x87: {  	_ =	shalt  }
.Lfunc_end0:
.L_simem_size_0:
called_computation_lowered:
.L_overlay_start_0:
0x88: {  	s2 =	sld [smem:$0x3FD9]  }
0x89: {  	s3 =	sld [smem:$0x3FFE];
	_ =	sdelay $0x1  }
0x8a: {  	s1 =	srdreg.scid  }
0x8b: {  	s0 =	sand.u32 $0x1, s1  }
0x8c: {  	s17 =	sshll.u32 s0, $0xA;
	s2 =	sadd.s32 s3, s2  }
0x8d: {  	s2 =	sadd.s32 s2, s17  }
0x8e: {  	[smem:$0x3FC6] =	sst s2  }
0x8f: {  	_ = 	snop  }
0x90: {  	s2 =	sld [smem:$0x3FD0];
	(tm) =	ssettm $0x1  }
0x91: {  	s18 =	sld [smem:$0x3FFB];
	_ =	sdelay $0x3  }
0x92: {  	_ =	strace s18  }
0x93: {  	s3 =	sld [smem:$0x3FFC];
	_ =	sdelay $0x3  }
0x94: {  	_ =	strace s3  }
0x95: {  	s3 =	sld [smem:$0x3FFD];
	_ =	sdelay $0x3  }
0x96: {  	_ =	strace s3  }
0x97: {  	_ =	strace $0x8FFFFFFF  }
0x98: {  	s19 =	sld [smem:$0x3FDB];
	_ =	sdelay $0x1  }
0x99: {  	s4 =	simm.s32 $_scs_section_size  }
0x9a: {  	s5 =	simm.s32 $_size__tile_overlayer_lowered;
	s6 =	simm.s32 $_tile_overlayer_lowered  }
0x9b: {  	s22 =	simm.s32 $0x1BFF;
	s21 =	sshll.u32 s6, $0x1;
	s3 =	sadd.s32 s4, s19  }
0x9c: {  	s7 =	simm.s32 $0x0;
	s20 =	sshll.u32 s5, $0x1;
	s5 =	sadd.s32 s21, s3  }
0x9d: {  	[timem:s7], [sflag:s22] =	dma.local [hbm:s5], s20  }
0x9e: {  	_ =	swait.ge [sflag:s22], s20  }
0x9f: {  	s4 =	ssub.s32 $0x0, s20;
	[sflag:s22] =	ssyncset.done $0x0  }
0xa0: {  	[sflag:s22] =	ssyncadd.s32 s4;
	_ =	sdelay $0x1  }
0xa1: {  	s23 =	simm.s32 $0x1B8B  }
0xa2: {  	_ =	swait.ge [sflag:s23], $0x1  }
0xa3: {  	[sflag:s23] =	ssyncset.done $0x0  }
0xa4: {  	s25 =	simm.s32 $0x1B8E;
	s24 =	sld [smem:$0x3FFE];
	[sflag:s23] =	ssyncadd.s32 $0xFFFFFFFF  }
0xa5: {  	s26 =	simm.s32 $execute0_lowered;
	[smem:$0x3FD2] =	sst s25  }
0xa6: {  	s5 =	sshll.u32 s26, $0x1;
	_ =	strace $0x80000046;
	[dreg:$0x1] =	wrdreg $0xFFFFFFFF  }
0xa7: {  	s28 =	simm.s32 $_size_execute0_lowered;
	s3 =	sadd.s32 s3, s5;
	[dreg:$0x0] =	wrdreg $0x0  }
0xa8: {  	s5 =	sshll.u32 s28, $0x1;
	[dreg:$0x2] =	wrdreg s3  }
0xa9: {  	[dreg:$0x3] =	wrdreg s5  }
0xaa: {  	[dreg:$0x4] =	wrdreg $0xC0  }
0xab: {  	_ =	task [dreg:s7], $0x5FFFF  }
0xac: {  	[dreg:$0x1] =	wrdreg $0xFFFFFFFF  }
0xad: {  	[dreg:$0x0] =	wrdreg $0x60  }
0xae: {  	[dreg:$0x2] =	wrdreg s24  }
0xaf: {  	[dreg:$0x3] =	wrdreg s2  }
0xb0: {  	[dreg:$0x4] =	wrdreg $0x9  }
0xb1: {  	_ =	task.clear_ibuf [dreg:s7], $0x5FFFF;
	_ =	strace $0x90000046  }
0xb2: {  	s29 =	simm.s32 $0x9;
	_ =	strace $0x80000048  }
0xb3: {  	_ =	swait.ge [sflag:s29], $0x1  }
0xb4: {  	[sflag:s29] =	ssyncadd.s32 $0xFFFFFFFF  }
0xb5: {  	_ =	strace $0x90000048  }
0xb6: {  	_ =	sfence  }
0xb7: {  	s30 =	sld [smem:$0x0];
	_ =	sdelay $0x2  }
0xb8: {  	s31 =	sshll.u32 s1, $0xD;
	s1 =	sshrl.u32 s1, $0x2  }
0xb9: {  	s3 =	sand.u32 $0x4000, s31;
	s1 =	sadd.s32 s1, s30  }
0xba: {  	s0 =	sor.u32 s3, s0;
	s1 =	sshll.u32 s1, $0x11  }
0xbb: {  	s0 =	sor.u32 s1, s0  }
0xbc: {  	s0 =	sadd.s32 $0x8F2B, s0  }
0xbd: {  	[sflag:s0] =	ssyncadd.remote.s32 $0x1  }
0xbe: {  	_ =	sfence.sel $0xFFFF  }
0xbf: {  	[dreg:$0x0] =	wrdreg $0xFFFFFFFF;
	(pc) =	sbr.abs _section_cstart, $3  }
0xc0: {  	[dreg:$0x1] =	wrdreg $0xFFFFFFFF  }
0xc1: {  	_ =	task.clear_ibuf [dreg:s7], $0x2FFFF;
	_ =	strace $0x9FFFFFFF  }
0xc2: {  	(tm) =	ssettm $0x7FFFFFFF  }
0xc3: {  	_ =	shalt  }
tec
execute0_lowered:
.L_overlay_start_1:
0x0: {  	(tag) =	ssettag $0x1  }
0x1: {  	s1 =	stileid.u32  }
0x2: {  	p0 =	sgt.u32 s1, $0x3  }
.Ltmp0:
0x3: {  	_ = 	snop;
	(pc) =	sbr.rel @p0 .LBB2_3-.Ltmp0, $4  }
0x4: {  	s3 =	rddreg [dreg:$0x0]  }
0x5: {  	s5 =	rddreg [dreg:$0x1];
	s2 =	simm.s32 $0x0  }
0x6: {  	[smem:$0x7FF] =	sst s2  }
0x7: {  	s0 =	rddreg [dreg:$0x2];
	_ =	strace $0x80000047  }
0x8: {  	s4 =	srdreg.scid;
	s6 =	sshll.u32 s1, $0x1;
	s9 =	sadd.s32 $0x600, s3  }
0x9: {  	s11 =	simm.s32 $0x1;
	s12 =	simm.s32 $0xC00;
	s4 =	sand.u32 $0x1, s4  }
0xa: {  	s14 =	simm.s32 $0x1400;
	s15 =	simm.s32 $0x1800;
	s6 =	sor.u32 s4, s6  }
0xb: {  	s30 =	ssub.s32 $0x2, s4;
	s7 =	sshll.u32 s6, $0x7;
	s6 =	sshll.u32 s6, $0x4  }
0xc: {  	s10 =	sshrl.u32 s30, $0x1;
	s8 =	sadd.s32 s7, s3;
	s4 =	sadd.s32 s9, s7  }
0xd: {  	s5 =	sadd.s32 s5, s6;
	s31 =	ssub.s32 s30, s10;
	s9 =	simm.s32 $0x2000  }
0xe: {  	s10 =	simm.s32 $0x800;
	s3 =	sadd.s32 $0x1200, s8;
	s6 =	sadd.s32 $0x800, s4  }
0xf: {  	s7 =	smax.u32 s31, $0x1;
	s8 =	simm.s32 $0x400;
	s13 =	sadd.s32 $0x800, s3  }
.LBB2_2:
0x10: {  	[tilespmem:s2], [sflag:$0x1] =	stream.strided.gather [hbm4b:s4+s8], $0x800, s9, s8, $0x38;
	[tilespmem:$0x1880] =	vst v63  }
0x11: {  	_ = 	snop  }
0x12: {  	[tilespmem:s10], [sflag:$0x1] =	stream.linear.gather [hbm4b:s6+s2], $0x200, $0x38;
	[tilespmem:$0x1880] =	vst v63  }
0x13: {  	_ =	swait.ge [sflag:s11], $0xA00  }
0x14: {  	[sflag:s11] =	ssyncset.done $0x0  }
0x15: {  	[sflag:s11] =	ssyncadd.s32 $0xFFFFF600  }
0x16: {  	[tilespmem:s12], [sflag:$0x1] =	stream.strided.gather [hbm4b:s3+s8], $0x800, s9, s8, $0x38;
	[tilespmem:$0x1880] =	vst v63  }
0x17: {  	_ = 	snop  }
0x18: {  	[tilespmem:s14], [sflag:$0x1] =	stream.linear.gather [hbm4b:s13+s2], $0x200, $0x38;
	[tilespmem:$0x1880] =	vst v63  }
0x19: {  	_ =	swait.ge [sflag:s11], $0xA00  }
0x1a: {  	[sflag:s11] =	ssyncset.done $0x0  }
0x1b: {  	[sflag:s11] =	ssyncadd.s32 $0xFFFFF600  }
0x1c: {  	v59 =	vld [tilespmem:$0x0]  }
0x1d: {  	v0 =	vld [tilespmem:$0xC00]  }
0x1e: {  	v6 =	vld [tilespmem:$0x80]  }
0x1f: {  	v25 =	vld [tilespmem:$0xC80]  }
0x20: {  	v61 =	vld [tilespmem:$0x100]  }
0x21: {  	v26 =	vld [tilespmem:$0xD00]  }
0x22: {  	v62 =	vld [tilespmem:$0x180]  }
0x23: {  	v27 =	vld [tilespmem:$0xD80]  }
0x24: {  	v8 =	vld [tilespmem:$0x200]  }
0x25: {  	v28 =	vld [tilespmem:$0xE00]  }
0x26: {  	v9 =	vld [tilespmem:$0x280]  }
0x27: {  	v29 =	vld [tilespmem:$0xE80]  }
0x28: {  	v11 =	vld [tilespmem:$0x300]  }
0x29: {  	v30 =	vld [tilespmem:$0xF00]  }
0x2a: {  	v12 =	vld [tilespmem:$0x380]  }
0x2b: {  	v31 =	vld [tilespmem:$0xF80]  }
0x2c: {  	v14 =	vld [tilespmem:$0x400]  }
0x2d: {  	v32 =	vld [tilespmem:$0x1000]  }
0x2e: {  	v16 =	vld [tilespmem:$0x480]  }
0x2f: {  	v33 =	vld [tilespmem:$0x1080]  }
0x30: {  	v17 =	vld [tilespmem:$0x500]  }
0x31: {  	v34 =	vld [tilespmem:$0x1100]  }
0x32: {  	v19 =	vld [tilespmem:$0x580]  }
0x33: {  	v35 =	vld [tilespmem:$0x1180]  }
0x34: {  	v21 =	vld [tilespmem:$0x600]  }
0x35: {  	v36 =	vld [tilespmem:$0x1200]  }
0x36: {  	v63 =	vld [tilespmem:$0x680]  }
0x37: {  	v37 =	vld [tilespmem:$0x1280]  }
0x38: {  	v38 =	vld [tilespmem:$0x1300]  }
0x39: {  	v39 =	vld [tilespmem:$0x1380]  }
0x3a: {  	v40 =	vld [tilespmem:$0x1400]  }
0x3b: {  	v42 =	vld [tilespmem:$0x880]  }
0x3c: {  	v41 =	vld [tilespmem:$0x1480]  }
0x3d: {  	v47 =	vld [tilespmem:$0x900]  }
0x3e: {  	v43 =	vld [tilespmem:$0x1500]  }
0x3f: {  	v44 =	vld [tilespmem:$0x980]  }
0x40: {  	v45 =	vld [tilespmem:$0x1580]  }
0x41: {  	v1 =	vld [tilespmem:$0x10]  }
0x42: {  	v46 =	vld [tilespmem:$0xC10]  }
0x43: {  	v2 =	vld [tilespmem:$0xC90]  }
0x44: {  	v3 =	vld [tilespmem:$0xD10]  }
0x45: {  	v4 =	vld [tilespmem:$0xD90]  }
0x46: {  	v5 =	vld [tilespmem:$0xE10];
	[tilespmem:$0x1F690] =	vst v0  }
0x47: {  	v7 =	vld [tilespmem:$0xE90];
	[tilespmem:$0x1F6A0] =	vst v25  }
0x48: {  	v10 =	vld [tilespmem:$0xF10];
	[tilespmem:$0x1F6B0] =	vst v26  }
0x49: {  	v13 =	vld [tilespmem:$0xF90];
	[tilespmem:$0x1F6C0] =	vst v27  }
0x4a: {  	v15 =	vld [tilespmem:$0x1010];
	[tilespmem:$0x1F6D0] =	vst v28  }
0x4b: {  	v18 =	vld [tilespmem:$0x1090];
	[tilespmem:$0x1F6E0] =	vst v29  }
0x4c: {  	v20 =	vld [tilespmem:$0x1110];
	[tilespmem:$0x1F6F0] =	vst v30  }
0x4d: {  	v22 =	vld [tilespmem:$0x1190];
	[tilespmem:$0x1F700] =	vst v31  }
0x4e: {  	v23 =	vld [tilespmem:$0x1210];
	[tilespmem:$0x1F710] =	vst v32  }
0x4f: {  	v48 =	vld [tilespmem:$0x1290];
	[tilespmem:$0x1F720] =	vst v33  }
0x50: {  	v49 =	vld [tilespmem:$0x1310];
	[tilespmem:$0x1F730] =	vst v34  }
0x51: {  	v50 =	vld [tilespmem:$0x1390];
	[tilespmem:$0x1F740] =	vst v35  }
0x52: {  	v51 =	vld [tilespmem:$0x1410];
	[tilespmem:$0x1F750] =	vst v36  }
0x53: {  	v52 =	vld [tilespmem:$0x1490];
	[tilespmem:$0x1F760] =	vst v37  }
0x54: {  	v53 =	vld [tilespmem:$0x1510];
	[tilespmem:$0x1F770] =	vst v38  }
0x55: {  	v54 =	vld [tilespmem:$0x990];
	[tilespmem:$0x1F780] =	vst v39  }
0x56: {  	v55 =	vld [tilespmem:$0x1590];
	[tilespmem:$0x1F790] =	vst v40  }
0x57: {  	v24 =	vld [tilespmem:$0x20];
	[tilespmem:$0x1F7B0] =	vst v41  }
0x58: {  	v56 =	vld [tilespmem:$0xC20];
	[tilespmem:$0x1F7C0] =	vst v43  }
0x59: {  	v57 =	vld [tilespmem:$0xD20];
	[tilespmem:$0x1F7A0] =	vst v44  }
0x5a: {  	v58 =	vld [tilespmem:$0xDA0];
	[tilespmem:$0x1F8A0] =	vst v45  }
0x5b: {  	v29 =	vld [tilespmem:$0x700];
	[tilespmem:$0x1F7D0] =	vst v46  }
0x5c: {  	v35 =	vld [tilespmem:$0x780];
	[tilespmem:$0x1F7E0] =	vst v2  }
0x5d: {  	v38 =	vld [tilespmem:$0x800];
	[tilespmem:$0x1F800] =	vst v3  }
0x5e: {  	v0 =	vld [tilespmem:$0x90];
	[tilespmem:$0x1F810] =	vst v4  }
0x5f: {  	v2 =	vld [tilespmem:$0x110];
	[tilespmem:$0x1F820] =	vst v5  }
0x60: {  	v3 =	vld [tilespmem:$0x190];
	[tilespmem:$0x1F830] =	vst v7  }
0x61: {  	v4 =	vld [tilespmem:$0x210];
	[tilespmem:$0x1F840] =	vst v10  }
0x62: {  	v5 =	vld [tilespmem:$0x290];
	[tilespmem:$0x1F860] =	vst v13  }
0x63: {  	v7 =	vld [tilespmem:$0x310];
	[tilespmem:$0x1F870] =	vst v15  }
0x64: {  	v10 =	vld [tilespmem:$0x390];
	[tilespmem:$0x1F880] =	vst v18  }
0x65: {  	v13 =	vld [tilespmem:$0x410];
	[tilespmem:$0x1F8B0] =	vst v20  }
0x66: {  	v15 =	vld [tilespmem:$0x490];
	[tilespmem:$0x1F8C0] =	vst v22  }
0x67: {  	v18 =	vld [tilespmem:$0x510];
	[tilespmem:$0x1F8D0] =	vst v23  }
0x68: {  	v20 =	vld [tilespmem:$0x590];
	[tilespmem:$0x1F8E0] =	vst v48  }
0x69: {  	v22 =	vld [tilespmem:$0x610];
	[tilespmem:$0x1F8F0] =	vst v49  }
0x6a: {  	v26 =	vld [tilespmem:$0x690];
	[tilespmem:$0x1F900] =	vst v50  }
0x6b: {  	v30 =	vld [tilespmem:$0x710];
	[tilespmem:$0x1F910] =	vst v51  }
0x6c: {  	v33 =	vld [tilespmem:$0x790];
	[tilespmem:$0x1F920] =	vst v52  }
0x6d: {  	[tilespmem:$0x1F930] =	vst v53;
	v25 =	vld [tilespmem:$0xCA0]  }
0x6e: {  	v39 =	vld [tilespmem:$0x810];
	[tilespmem:$0x1F890] =	vst v54  }
0x6f: {  	v43 =	vld [tilespmem:$0x890];
	[tilespmem:$0x1F940] =	vst v55  }
0x70: {  	v46 =	vld [tilespmem:$0x910];
	[tilespmem:$0x1F950] =	vst v56  }
0x71: {  	v23 =	vld [tilespmem:$0xA0];
	[tilespmem:$0x1F980] =	vst v57  }
0x72: {  	v28 =	vld [tilespmem:$0x120];
	[tilespmem:$0x1F960] =	vst v25  }
0x73: {  	v32 =	vld [tilespmem:$0x1A0];
	[tilespmem:$0x1F990] =	vst v58  }
0x74: {  	v36 =	vld [tilespmem:$0x220]  }
0x75: {  	v25 =	vld [tilespmem:$0xE20]  }
0x76: {  	v40 =	vld [tilespmem:$0x2A0]  }
0x77: {  	v60 =	vld [tilespmem:$0xEA0]  }
0x78: {  	v44 =	vld [tilespmem:$0x320]  }
0x79: {  	v31 =	vld [tilespmem:$0xF20]  }
0x7a: {  	v48 =	vld [tilespmem:$0x3A0]  }
0x7b: {  	v34 =	vld [tilespmem:$0xFA0]  }
0x7c: {  	v50 =	vld [tilespmem:$0x420]  }
0x7d: {  	v37 =	vld [tilespmem:$0x1020]  }
0x7e: {  	v52 =	vld [tilespmem:$0x4A0]  }
0x7f: {  	v41 =	vld [tilespmem:$0x10A0]  }
0x80: {  	v54 =	vld [tilespmem:$0x520]  }
0x81: {  	v45 =	vld [tilespmem:$0x1120]  }
0x82: {  	v56 =	vld [tilespmem:$0x5A0]  }
0x83: {  	v49 =	vld [tilespmem:$0x11A0]  }
0x84: {  	v58 =	vld [tilespmem:$0x620]  }
0x85: {  	vm0 =	vlt.f32 v6, v59;
	v51 =	vld [tilespmem:$0x1220]  }
0x86: {  	v6 =	vsel vm0, v6, v59;
	v53 =	vld [tilespmem:$0x6A0]  }
0x87: {  	vm1 =	vlt.f32 v61, v6;
	v55 =	vld [tilespmem:$0x12A0]  }
0x88: {  	v6 =	vsel vm1, v61, v6;
	v57 =	vld [tilespmem:$0x720]  }
0x89: {  	vm3 =	vlt.f32 v62, v6;
	v27 =	vld [tilespmem:$0x30]  }
0x8a: {  	v6 =	vsel vm3, v62, v6;
	v59 =	vld [tilespmem:$0x1C0]  }
0x8b: {  	v61 =	vld [tilespmem:$0x240];
	vm7 =	vlt.f32 v8, v6  }
0x8c: {  	v62 =	vld [tilespmem:$0x2C0];
	v6 =	vsel vm7, v8, v6  }
0x8d: {  	v8 =	vld [tilespmem:$0xF40];
	vm8 =	vlt.f32 v9, v6  }
0x8e: {  	v6 =	vsel vm8, v9, v6;
	v9 =	vld [tilespmem:$0x440]  }
0x8f: {  	[tilespmem:$0x1F9B0] =	vst v60;
	v60 =	vld [tilespmem:$0x1320]  }
0x90: {  	[tilespmem:$0x1F9D0] =	vst v31;
	v31 =	vld [tilespmem:$0x7A0]  }
0x91: {  	[tilespmem:$0x1F9E0] =	vst v34;
	v34 =	vld [tilespmem:$0x13A0]  }
0x92: {  	[tilespmem:$0x1FA00] =	vst v37;
	v37 =	vld [tilespmem:$0x820]  }
0x93: {  	[tilespmem:$0x1FA10] =	vst v41;
	v41 =	vld [tilespmem:$0x1420]  }
0x94: {  	[tilespmem:$0x1FA30] =	vst v45;
	v45 =	vld [tilespmem:$0x8A0]  }
0x95: {  	[tilespmem:$0x1FA40] =	vst v49;
	v49 =	vld [tilespmem:$0x14A0]  }
0x96: {  	[tilespmem:$0x1FA60] =	vst v51;
	v51 =	vld [tilespmem:$0x920]  }
0x97: {  	[tilespmem:$0x1F9C0] =	vst v53;
	v53 =	vld [tilespmem:$0x1520]  }
0x98: {  	[tilespmem:$0x1FA70] =	vst v55;
	v55 =	vld [tilespmem:$0x9A0]  }
0x99: {  	[tilespmem:$0x1F9F0] =	vst v57;
	v57 =	vld [tilespmem:$0x15A0]  }
0x9a: {  	vm9 =	vlt.f32 v11, v6;
	[tilespmem:$0x1F9A0] =	vst v25;
	v25 =	vld [tilespmem:$0xB0]  }
0x9b: {  	v6 =	vsel vm9, v11, v6;
	v11 =	vld [tilespmem:$0x1040];
	[tilespmem:$0x1FE10] =	vst v8  }
0x9c: {  	v8 =	vld [tilespmem:$0x3C0];
	[tilespmem:$0x1FCD0] =	vst v9  }
0x9d: {  	v9 =	vld [tilespmem:$0x4C0];
	[tilespmem:$0x1FA90] =	vst v60  }
0x9e: {  	[tilespmem:$0x1FA20] =	vst v31;
	v60 =	vld [tilespmem:$0xC30]  }
0x9f: {  	[tilespmem:$0x1FAB0] =	vst v34;
	v31 =	vld [tilespmem:$0xCB0]  }
0xa0: {  	[tilespmem:$0x1FA50] =	vst v37;
	v34 =	vld [tilespmem:$0xD30]  }
0xa1: {  	[tilespmem:$0x1FAD0] =	vst v41;
	v37 =	vld [tilespmem:$0xDB0]  }
0xa2: {  	[tilespmem:$0x1FA80] =	vst v45;
	v41 =	vld [tilespmem:$0xE30]  }
0xa3: {  	[tilespmem:$0x1FB00] =	vst v49;
	v45 =	vld [tilespmem:$0xEB0]  }
0xa4: {  	[tilespmem:$0x1FAC0] =	vst v51;
	v49 =	vld [tilespmem:$0xF30]  }
0xa5: {  	[tilespmem:$0x1FB10] =	vst v53;
	v51 =	vld [tilespmem:$0xFB0]  }
0xa6: {  	[tilespmem:$0x1FAF0] =	vst v55;
	v53 =	vld [tilespmem:$0x1030]  }
0xa7: {  	[tilespmem:$0x1FB50] =	vst v57;
	v55 =	vld [tilespmem:$0x10B0]  }
0xa8: {  	vm2 =	vlt.f32 v0, v1;
	v57 =	vld [tilespmem:$0x1130];
	[tilespmem:$0x1FCA0] =	vst v8;
	v8 =	vimm.s32 $0x0  }
0xa9: {  	[tilespmem:$0x1FE40] =	vst v11;
	v11 =	vld [tilespmem:$0x10C0];
	v8 =	vsel vm2, $0xFFFFFFFF, v8  }
0xaa: {  	[tilespmem:$0x1F7F0] =	vst v8;
	v8 =	vld [tilespmem:$0xFC0]  }
0xab: {  	[tilespmem:$0x1FD00] =	vst v9;
	v9 =	vld [tilespmem:$0x1F6A0]  }
0xac: {  	[tilespmem:$0x1FB70] =	vst v31;
	v31 =	vld [tilespmem:$0x130]  }
0xad: {  	[tilespmem:$0x1FBA0] =	vst v34;
	v34 =	vld [tilespmem:$0x1B0]  }
0xae: {  	[tilespmem:$0x1FBC0] =	vst v37;
	v37 =	vld [tilespmem:$0x230]  }
0xaf: {  	[tilespmem:$0x1FBE0] =	vst v41;
	v41 =	vld [tilespmem:$0x2B0]  }
0xb0: {  	v0 =	vsel vm2, v0, v1;
	[tilespmem:$0x1FC00] =	vst v45;
	v45 =	vld [tilespmem:$0x330]  }
0xb1: {  	vm11 =	vlt.f32 v2, v0;
	[tilespmem:$0x1FC20] =	vst v49;
	v49 =	vld [tilespmem:$0x3B0]  }
0xb2: {  	v0 =	vsel vm11, v2, v0;
	[tilespmem:$0x1FC30] =	vst v51;
	v51 =	vld [tilespmem:$0x430]  }
0xb3: {  	vm2 =	vlt.f32 v3, v0;
	[tilespmem:$0x1FC50] =	vst v53;
	v53 =	vld [tilespmem:$0x4B0]  }
0xb4: {  	v0 =	vsel vm2, v3, v0;
	[tilespmem:$0x1FC70] =	vst v55;
	v55 =	vld [tilespmem:$0x530]  }
0xb5: {  	vm13 =	vlt.f32 v4, v0;
	[tilespmem:$0x1FC80] =	vst v57;
	v57 =	vld [tilespmem:$0x5B0]  }
0xb6: {  	[tilespmem:$0x1FB60] =	vst v60;
	v60 =	vld [tilespmem:$0x11B0];
	v0 =	vsel vm13, v4, v0  }
0xb7: {  	vm4 =	vlt.f32 v12, v6;
	v4 =	vld [tilespmem:$0x11C0];
	vm15 =	vlt.f32 v5, v0  }
0xb8: {  	v0 =	vsel vm15, v5, v0;
	[tilespmem:$0x1FE30] =	vst v8;
	v8 =	vsel vm4, v12, v6;
	v12 =	vld [tilespmem:$0x540]  }
0xb9: {  	v6 =	vld [tilespmem:$0x640];
	vm6 =	vlt.f32 v7, v0  }
0xba: {  	[tilespmem:$0x1FE60] =	vst v11;
	v11 =	vimm.s32 $0x0;
	v0 =	vsel vm6, v7, v0;
	v7 =	vld [tilespmem:$0x740]  }
0xbb: {  	v3 =	vsel vm6, $0xFFFFFFFF, v11;
	v11 =	vld [tilespmem:$0x7C0]  }
0xbc: {  	vm10 =	vlt.f32 v14, v8;
	[tilespmem:$0x1FC90] =	vst v60;
	v60 =	vld [tilespmem:$0x630]  }
0xbd: {  	v1 =	vsel vm10, v14, v8;
	v14 =	vld [tilespmem:$0x1140]  }
0xbe: {  	v8 =	vld [tilespmem:$0x1F690];
	vm6 =	vlt.f32 v10, v0  }
0xbf: {  	vm5 =	vlt.f32 v16, v1;
	v0 =	vsel vm6, v10, v0;
	v10 =	vld [tilespmem:$0x1F6F0]  }
0xc0: {  	v1 =	vsel vm5, v16, v1;
	v16 =	vld [tilespmem:$0x5C0]  }
0xc1: {  	[tilespmem:$0x1FD30] =	vst v12;
	v12 =	vld [tilespmem:$0x1240]  }
0xc2: {  	vm12 =	vlt.f32 v17, v1;
	[tilespmem:$0x1FDC0] =	vst v6;
	v6 =	vld [tilespmem:$0x1F6D0]  }
0xc3: {  	v1 =	vsel vm12, v17, v1;
	v17 =	vld [tilespmem:$0x1F6C0]  }
0xc4: {  	[tilespmem:$0x1FE50] =	vst v11;
	v11 =	vld [tilespmem:$0x1F780]  }
0xc5: {  	[tilespmem:$0x1FE20] =	vst v7;
	v7 =	vld [tilespmem:$0xD0]  }
0xc6: {  	[tilespmem:$0x1FAA0] =	vst v60;
	v60 =	vld [tilespmem:$0x1230]  }
0xc7: {  	[tilespmem:$0x1FE70] =	vst v14;
	v14 =	vld [tilespmem:$0x1F6B0]  }
0xc8: {  	v2 =	vsel vm0, v9, v8;
	v8 =	vld [tilespmem:$0x1F6E0]  }
0xc9: {  	vm14 =	vlt.f32 v19, v1;
	v9 =	vld [tilespmem:$0x1340]  }
0xca: {  	v1 =	vsel vm14, v19, v1;
	v19 =	vld [tilespmem:$0x12C0]  }
0xcb: {  	[tilespmem:$0x1FD60] =	vst v16;
	v16 =	vld [tilespmem:$0x6C0]  }
0xcc: {  	[tilespmem:$0x1FE90] =	vst v12;
	v12 =	vld [tilespmem:$0x1F700]  }
0xcd: {  	[tilespmem:$0x1FCB0] =	vst v60;
	v60 =	vld [tilespmem:$0x6B0]  }
0xce: {  	v2 =	vsel vm1, v14, v2;
	v14 =	vld [tilespmem:$0x1F710]  }
0xcf: {  	[tilespmem:$0x1FEC0] =	vst v9;
	v9 =	vld [tilespmem:$0x1F770]  }
0xd0: {  	v2 =	vsel vm3, v17, v2;
	v17 =	vld [tilespmem:$0x1F730]  }
0xd1: {  	vm1 =	vlt.f32 v21, v1;
	[tilespmem:$0x1FEB0] =	vst v19;
	v19 =	vld [tilespmem:$0x1F740]  }
0xd2: {  	v1 =	vsel vm1, v21, v1;
	v21 =	vld [tilespmem:$0x14C0]  }
0xd3: {  	[tilespmem:$0x1FDF0] =	vst v16;
	v2 =	vsel vm7, v6, v2;
	vm7 =	vlt.f32 v13, v0;
	v16 =	vld [tilespmem:$0x1440]  }
0xd4: {  	vm3 =	vlt.f32 v63, v1;
	v0 =	vsel vm7, v13, v0;
	v13 =	vld [tilespmem:$0x13C0]  }
0xd5: {  	v1 =	vsel vm3, v63, v1;
	v63 =	vld [tilespmem:$0x840]  }
0xd6: {  	v2 =	vsel vm8, v8, v2;
	v8 =	vld [tilespmem:$0x1540]  }
0xd7: {  	v2 =	vsel vm9, v10, v2;
	v10 =	vld [tilespmem:$0x9C0]  }
0xd8: {  	vm8 =	vlt.f32 v15, v0;
	[tilespmem:$0x1FAE0] =	vst v60;
	v60 =	vld [tilespmem:$0x12B0]  }
0xd9: {  	v0 =	vsel vm8, v15, v0;
	v15 =	vld [tilespmem:$0x1F720]  }
0xda: {  	v2 =	vsel vm4, v12, v2;
	vm4 =	vlt.f32 v29, v1;
	v12 =	vld [tilespmem:$0x15C0]  }
0xdb: {  	v1 =	vsel vm4, v29, v1;
	v29 =	vld [tilespmem:$0x1F750]  }
0xdc: {  	v2 =	vsel vm10, v14, v2;
	vm10 =	vlt.f32 v18, v0;
	[tilespmem:$0x1FF50] =	vst v21;
	v21 =	vld [tilespmem:$0x1F7E0]  }
0xdd: {  	v0 =	vsel vm10, v18, v0;
	v18 =	vld [tilespmem:$0x8C0]  }
0xde: {  	[tilespmem:$0x1FF20] =	vst v16;
	v16 =	vld [tilespmem:$0x1F7B0]  }
0xdf: {  	[tilespmem:$0x1FED0] =	vst v13;
	v13 =	vld [tilespmem:$0x1F790]  }
0xe0: {  	[tilespmem:$0x1FF10] =	vst v10;
	v10 =	vld [tilespmem:$0x250]  }
0xe1: {  	[tilespmem:$0x1FCC0] =	vst v60;
	v60 =	vld [tilespmem:$0x730]  }
0xe2: {  	v2 =	vsel vm5, v15, v2;
	v15 =	vld [tilespmem:$0x1F7A0]  }
0xe3: {  	[tilespmem:$0x1FF90] =	vst v12;
	v12 =	vld [tilespmem:$0x1F870]  }
0xe4: {  	vm5 =	vlt.f32 v35, v1;
	v2 =	vsel vm12, v17, v2;
	vm12 =	vlt.f32 v20, v0;
	v17 =	vld [tilespmem:$0xC50]  }
0xe5: {  	v1 =	vsel vm5, v35, v1;
	v35 =	vsel vm12, v20, v0;
	v0 =	vld [tilespmem:$0x940]  }
0xe6: {  	[tilespmem:$0x1FEA0] =	vst v18;
	v18 =	vld [tilespmem:$0x1F7C0]  }
0xe7: {  	vm0 =	vlt.f32 v38, v1;
	v20 =	vld [tilespmem:$0x1F7D0]  }
0xe8: {  	v2 =	vsel vm14, v19, v2;
	v1 =	vsel vm0, v38, v1;
	v38 =	vld [tilespmem:$0x1F760]  }
0xe9: {  	v2 =	vsel vm1, v29, v2;
	vm14 =	vlt.f32 v22, v35;
	v29 =	vld [tilespmem:$0x1F800]  }
0xea: {  	[tilespmem:$0x1F850] =	vst v3;
	v3 =	vsel vm14, v22, v35;
	v22 =	vld [tilespmem:$0x1F7F0]  }
0xeb: {  	v35 =	vld [tilespmem:$0x1F820]  }
0xec: {  	vm1 =	vlt.f32 v42, v1;
	[tilespmem:$0x1FB20] =	vst v60;
	v60 =	vld [tilespmem:$0x1330]  }
0xed: {  	v1 =	vsel vm1, v42, v1;
	v42 =	vld [tilespmem:$0x1F840]  }
0xee: {  	vm9 =	vlt.f32 v47, v1;
	[tilespmem:$0x1FEE0] =	vst v17;
	v17 =	vld [tilespmem:$0x1F8A0]  }
0xef: {  	v14 =	vsel vm9, v47, v1;
	v1 =	vld [tilespmem:$0x50]  }
0xf0: {  	v47 =	vld [tilespmem:$0x1F850]  }
0xf1: {  	v19 =	vimm.s32 $0x0;
	v2 =	vsel vm3, v38, v2;
	vm3 =	vlt.f32 v23, v24;
	v38 =	vld [tilespmem:$0x1F830]  }
0xf2: {  	[tilespmem:$0x1FE80] =	vst v4;
	v4 =	vsel vm3, $0xFFFFFFFF, v19;
	v19 =	vld [tilespmem:$0x1D0]  }
0xf3: {  	v2 =	vsel vm4, v9, v2;
	v9 =	vld [tilespmem:$0x1F860]  }
0xf4: {  	vm4 =	vlt.f32 v15, v14;
	v14 =	vld [tilespmem:$0x1F890]  }
0xf5: {  	v15 =	vld [tilespmem:$0xED0]  }
0xf6: {  	v24 =	vsel vm3, v23, v24;
	v23 =	vld [tilespmem:$0xF50]  }
0xf7: {  	[tilespmem:$0x1FCE0] =	vst v60;
	v60 =	vld [tilespmem:$0x7B0]  }
0xf8: {  	v2 =	vsel vm5, v11, v2;
	vm5 =	vlt.f32 v26, v3;
	v11 =	vld [tilespmem:$0xE50]  }
0xf9: {  	v3 =	vsel vm5, v26, v3;
	v26 =	vld [tilespmem:$0xCD0]  }
0xfa: {  	v2 =	vsel vm0, v13, v2;
	v13 =	vld [tilespmem:$0x1F880]  }
0xfb: {  	v2 =	vsel vm1, v16, v2;
	vm1 =	vlt.f32 v30, v3;
	v16 =	vld [tilespmem:$0x150]  }
0xfc: {  	v3 =	vsel vm1, v30, v3;
	v30 =	vld [tilespmem:$0x1F810]  }
0xfd: {  	v2 =	vsel vm9, v18, v2;
	vm9 =	vnez.u8 v22;
	v18 =	vld [tilespmem:$0x2D0]  }
0xfe: {  	[tilespmem:$0x1F970] =	vst v4;
	v4 =	vsel vm9, v21, v20;
	v20 =	vld [tilespmem:$0x1F8B0]  }
0xff: {  	v21 =	vld [tilespmem:$0x1F8C0]  }
0x100: {  	[tilespmem:$0x1FFB0] =	vst v23;
	v23 =	vld [tilespmem:$0x750]  }
0x101: {  	[tilespmem:$0x1FFA0] =	vst v15;
	v15 =	vld [tilespmem:$0x13D0]  }
0x102: {  	v2 =	vsel vm4, v17, v2;
	v17 =	vld [tilespmem:$0x1FA50]  }
0x103: {  	vm3 =	vlt.f32 v33, v3;
	[tilespmem:$0x1FB80] =	vst v60;
	v60 =	vld [tilespmem:$0x13B0]  }
0x104: {  	v3 =	vsel vm3, v33, v3;
	v33 =	vld [tilespmem:$0xD50]  }
0x105: {  	v4 =	vsel vm11, v29, v4;
	vm11 =	vlt.f32 v28, v24;
	v29 =	vld [tilespmem:$0xFD0]  }
0x106: {  	v5 =	vsel vm11, v28, v24;
	v24 =	vld [tilespmem:$0x1F8D0]  }
0x107: {  	[tilespmem:$0x1FEF0] =	vst v26;
	v26 =	vld [tilespmem:$0x1F8E0]  }
0x108: {  	v4 =	vsel vm2, v30, v4;
	vm2 =	vlt.f32 v39, v3;
	v30 =	vld [tilespmem:$0x1F8F0]  }
0x109: {  	v3 =	vsel vm2, v39, v3;
	v39 =	vld [tilespmem:$0xDD0]  }
0x10a: {  	v4 =	vsel vm13, v35, v4;
	v35 =	vld [tilespmem:$0x1F930]  }
0x10b: {  	vm13 =	vlt.f32 v32, v5;
	[tilespmem:$0x1FCF0] =	vst v60;
	v60 =	vld [tilespmem:$0x830]  }
0x10c: {  	v5 =	vsel vm13, v32, v5;
	v32 =	vld [tilespmem:$0x1F910]  }
0x10d: {  	[tilespmem:$0x1FF30] =	vst v33;
	v33 =	vld [tilespmem:$0x1F920]  }
0x10e: {  	v4 =	vsel vm15, v38, v4;
	v38 =	vld [tilespmem:$0x1F960]  }
0x10f: {  	[tilespmem:$0x1FFC0] =	vst v29;
	v29 =	vld [tilespmem:$0x1250]  }
0x110: {  	vm15 =	vnez.u8 v47;
	v47 =	vld [tilespmem:$0x1F9C0]  }
0x111: {  	vm0 =	vlt.f32 v43, v3;
	v4 =	vsel vm15, v42, v4;
	v42 =	vld [tilespmem:$0x1F980]  }
0x112: {  	v3 =	vsel vm0, v43, v3;
	vm15 =	vlt.f32 v36, v5;
	v43 =	vld [tilespmem:$0x11D0]  }
0x113: {  	v4 =	vsel vm6, v9, v4;
	v5 =	vsel vm15, v36, v5;
	vm6 =	vlt.f32 v46, v3;
	v36 =	vld [tilespmem:$0x1F940]  }
0x114: {  	v3 =	vsel vm6, v46, v3;
	v46 =	vld [tilespmem:$0x1F9B0]  }
0x115: {  	v4 =	vsel vm7, v12, v4;
	vm7 =	vlt.f32 v40, v5;
	vm9 =	vlt.f32 v14, v3;
	v3 =	vld [tilespmem:$0x350]  }
0x116: {  	v5 =	vsel vm7, v40, v5;
	v40 =	vld [tilespmem:$0x1050]  }
0x117: {  	v4 =	vsel vm8, v13, v4;
	v13 =	vld [tilespmem:$0x10D0]  }
0x118: {  	[tilespmem:$0x1FF60] =	vst v39;
	v39 =	vld [tilespmem:$0x1F970]  }
0x119: {  	v14 =	vld [tilespmem:$0x14D0]  }
0x11a: {  	[tilespmem:$0x1FBD0] =	vst v60;
	v60 =	vld [tilespmem:$0x1430]  }
0x11b: {  	[tilespmem:$0x1FFE0] =	vst v2;
	v2 =	vsel vm10, v20, v4;
	vm4 =	vlt.f32 v44, v5;
	v20 =	vld [tilespmem:$0x1FA60]  }
0x11c: {  	v22 =	vsel vm4, v44, v5;
	v44 =	vld [tilespmem:$0x1F990]  }
0x11d: {  	vm10 =	vlt.f32 v25, v27;
	v2 =	vsel vm12, v21, v2;
	[tilespmem:$0x1FFD0] =	vst v43;
	v43 =	vld [tilespmem:$0x1FAF0]  }
0x11e: {  	v25 =	vsel vm10, v25, v27;
	v5 =	vsel vm14, v24, v2;
	v2 =	vld [tilespmem:$0x3D0]  }
0x11f: {  	vm14 =	vlt.f32 v31, v25;
	v24 =	vld [tilespmem:$0x7D0]  }
0x120: {  	v6 =	vsel vm14, v31, v25;
	v31 =	vld [tilespmem:$0x1F900]  }
0x121: {  	v25 =	vld [tilespmem:$0x1150]  }
0x122: {  	vm8 =	vlt.f32 v48, v22;
	v5 =	vsel vm5, v26, v5;
	v26 =	vld [tilespmem:$0x650]  }
0x123: {  	v27 =	vsel vm8, v48, v22;
	v48 =	vld [tilespmem:$0x1F9D0]  }
0x124: {  	v28 =	vimm.s32 $0x0;
	v22 =	vld [tilespmem:$0x1FA70]  }
0x125: {  	v4 =	vsel vm14, $0xFFFFFFFF, v28;
	v28 =	vld [tilespmem:$0x1FA90]  }
0x126: {  	[tilespmem:$0x1FBB0] =	vst v4;
	v4 =	vld [tilespmem:$0x450]  }
0x127: {  	v5 =	vsel vm1, v30, v5;
	v30 =	vld [tilespmem:$0x12D0]  }
0x128: {  	vm1 =	vlt.f32 v50, v27;
	vm12 =	vlt.f32 v34, v6;
	[tilespmem:$0x1FD10] =	vst v60;
	v60 =	vld [tilespmem:$0x8B0]  }
0x129: {  	[tilespmem:$0x1FF70] =	vst v8;
	v8 =	vsel vm1, v50, v27;
	v6 =	vsel vm12, v34, v6;
	v50 =	vld [tilespmem:$0x1F9F0]  }
0x12a: {  	v27 =	vld [tilespmem:$0x1FA80];
	vm5 =	vlt.f32 v37, v6  }
0x12b: {  	v34 =	vimm.s32 $0x0;
	v6 =	vsel vm5, v37, v6;
	v37 =	vld [tilespmem:$0x1F950]  }
0x12c: {  	[tilespmem:$0x1FF80] =	vst v11;
	v11 =	vsel vm5, $0xFFFFFFFF, v34;
	v34 =	vld [tilespmem:$0x1FAB0]  }
0x12d: {  	v5 =	vsel vm3, v31, v5;
	v31 =	vld [tilespmem:$0x1FAA0]  }
0x12e: {  	v9 =	vsel vm2, v32, v5;
	v5 =	vld [tilespmem:$0x4D0]  }
0x12f: {  	vm14 =	vlt.f32 v41, v6;
	v32 =	vld [tilespmem:$0x1350]  }
0x130: {  	v6 =	vsel vm14, v41, v6;
	v41 =	vld [tilespmem:$0x950]  }
0x131: {  	[tilespmem:$0x1FC10] =	vst v60;
	v60 =	vld [tilespmem:$0x14B0]  }
0x132: {  	vm2 =	vlt.f32 v52, v8;
	v9 =	vsel vm0, v33, v9;
	v33 =	vld [tilespmem:$0x550]  }
0x133: {  	v8 =	vsel vm2, v52, v8;
	v52 =	vld [tilespmem:$0x1FA10]  }
0x134: {  	vm0 =	vlt.f32 v45, v6;
	v9 =	vsel vm6, v35, v9;
	v35 =	vld [tilespmem:$0x5D0]  }
0x135: {  	v6 =	vsel vm0, v45, v6;
	v45 =	vld [tilespmem:$0x1F9A0]  }
0x136: {  	vm3 =	vlt.f32 v54, v8;
	vm6 =	vnez.u8 v39;
	v39 =	vld [tilespmem:$0x1FAD0]  }
0x137: {  	v8 =	vsel vm3, v54, v8;
	v54 =	vld [tilespmem:$0x1FA20]  }
0x138: {  	v9 =	vsel vm9, v36, v9;
	v36 =	vld [tilespmem:$0x850]  }
0x139: {  	[tilespmem:$0x1FFF0] =	vst v9;
	v9 =	vsel vm6, v38, v37;
	v38 =	vld [tilespmem:$0x8D0]  }
0x13a: {  	[tilespmem:$0x1FD20] =	vst v60;
	v60 =	vld [tilespmem:$0x930]  }
0x13b: {  	vm6 =	vlt.f32 v49, v6;
	v37 =	vld [tilespmem:$0x1FAC0]  }
0x13c: {  	vm5 =	vlt.f32 v56, v8;
	v6 =	vsel vm6, v49, v6;
	v49 =	vld [tilespmem:$0x1F9E0]  }
0x13d: {  	v8 =	vsel vm5, v56, v8;
	v56 =	vld [tilespmem:$0x1FA30]  }
0x13e: {  	v9 =	vsel vm11, v42, v9;
	v42 =	vld [tilespmem:$0x1FAE0]  }
0x13f: {  	[tilespmem:$0x1FC40] =	vst v60;
	v60 =	vld [tilespmem:$0x1530]  }
0x140: {  	v9 =	vsel vm13, v44, v9;
	vm13 =	vlt.f32 v58, v8;
	v44 =	vld [tilespmem:$0x1FB00]  }
0x141: {  	v9 =	vsel vm15, v45, v9;
	v8 =	vsel vm13, v58, v8;
	v58 =	vld [tilespmem:$0x1FA40]  }
0x142: {  	[tilespmem:$0x1FBF0] =	vst v11;
	v45 =	vld [tilespmem:$0x1FB10];
	v11 =	vsel vm7, v46, v9;
	vm7 =	vlt.f32 v51, v6  }
0x143: {  	v6 =	vsel vm7, v51, v6;
	v51 =	vld [tilespmem:$0x1FA00]  }
0x144: {  	vm15 =	vlt.f32 v47, v8;
	[tilespmem:$0x1FD40] =	vst v60;
	v60 =	vld [tilespmem:$0x9B0]  }
0x145: {  	v9 =	vld [tilespmem:$0x6D0];
	v8 =	vsel vm15, v47, v8  }
0x146: {  	v46 =	vld [tilespmem:$0x1FB20];
	v11 =	vsel vm4, v48, v11;
	vm4 =	vlt.f32 v50, v8  }
0x147: {  	vm9 =	vlt.f32 v53, v6;
	v8 =	vsel vm4, v50, v8;
	v50 =	vld [tilespmem:$0x1FB50]  }
0x148: {  	v11 =	vsel vm8, v49, v11;
	v6 =	vsel vm9, v53, v6;
	v53 =	vld [tilespmem:$0x1FB70]  }
0x149: {  	v11 =	vsel vm1, v51, v11;
	vm1 =	vlt.f32 v54, v8;
	[tilespmem:$0x1FC60] =	vst v60;
	v60 =	vld [tilespmem:$0x15B0]  }
0x14a: {  	v11 =	vsel vm2, v52, v11;
	v8 =	vsel vm1, v54, v8;
	v52 =	vld [tilespmem:$0x1FB60]  }
0x14b: {  	v54 =	vld [tilespmem:$0x1FB80];
	vm2 =	vlt.f32 v17, v8  }
0x14c: {  	v11 =	vsel vm3, v56, v11;
	v21 =	vsel vm2, v17, v8;
	v8 =	vld [tilespmem:$0x1450]  }
0x14d: {  	vm11 =	vlt.f32 v55, v6;
	v11 =	vsel vm5, v58, v11;
	v58 =	vld [tilespmem:$0x1FBB0]  }
0x14e: {  	v6 =	vsel vm11, v55, v6;
	v11 =	vsel vm13, v20, v11;
	[tilespmem:$0x1FD50] =	vst v60;
	v60 =	vld [tilespmem:$0x40]  }
0x14f: {  	vm13 =	vlt.f32 v57, v6;
	v11 =	vsel vm15, v22, v11;
	v22 =	vld [tilespmem:$0x9D0]  }
0x150: {  	vm3 =	vlt.f32 v27, v21;
	v6 =	vsel vm13, v57, v6;
	v57 =	vld [tilespmem:$0x1FBA0]  }
0x151: {  	v12 =	vsel vm3, v27, v21;
	v21 =	vsel vm10, v53, v52;
	v52 =	vld [tilespmem:$0x1FC00]  }
0x152: {  	v53 =	vld [tilespmem:$0x1FC10]  }
0x153: {  	v11 =	vsel vm4, v28, v11;
	[tilespmem:$0x1FB30] =	vst v60;
	v60 =	vld [tilespmem:$0xC40]  }
0x154: {  	vm15 =	vlt.f32 v31, v6;
	v11 =	vsel vm1, v34, v11;
	v34 =	vld [tilespmem:$0x60]  }
0x155: {  	vm8 =	vlt.f32 v37, v12;
	v6 =	vsel vm15, v31, v6;
	v31 =	vld [tilespmem:$0xDE0]  }
0x156: {  	v12 =	vsel vm8, v37, v12;
	v17 =	vsel vm2, v39, v11;
	v11 =	vld [tilespmem:$0x1550]  }
0x157: {  	vm2 =	vlt.f32 v43, v12;
	v43 =	vld [tilespmem:$0x1FBD0]  }
0x158: {  	vm5 =	vlt.f32 v42, v6;
	[tilespmem:$0x1FD70] =	vst v60;
	v60 =	vld [tilespmem:$0xC0]  }
0x159: {  	v6 =	vsel vm5, v42, v6;
	v42 =	vld [tilespmem:$0x1FBC0]  }
0x15a: {  	v12 =	vsel vm3, v44, v17;
	v44 =	vld [tilespmem:$0x1FBE0]  }
0x15b: {  	v12 =	vsel vm8, v45, v12;
	v45 =	vld [tilespmem:$0x1FBF0]  }
0x15c: {  	vm4 =	vlt.f32 v46, v6;
	v47 =	vld [tilespmem:$0x1FB30]  }
0x15d: {  	v6 =	vsel vm4, v46, v6;
	[tilespmem:$0x1FB40] =	vst v60;
	v60 =	vld [tilespmem:$0xCC0]  }
0x15e: {  	vm3 =	vlt.f32 v54, v6;
	v48 =	vld [tilespmem:$0x1FB40]  }
0x15f: {  	v28 =	vsel vm2, v50, v12;
	v50 =	vld [tilespmem:$0x260];
	v6 =	vsel vm3, v54, v6  }
0x160: {  	v54 =	vld [tilespmem:$0x1FC20];
	vm2 =	vlt.f32 v43, v6  }
0x161: {  	v46 =	vsel vm2, v43, v6;
	v6 =	vld [tilespmem:$0xD60]  }
0x162: {  	[tilespmem:$0x1FD80] =	vst v60;
	v60 =	vld [tilespmem:$0x140]  }
0x163: {  	v43 =	vld [tilespmem:$0x1FC90];
	vm8 =	vlt.f32 v48, v47  }
0x164: {  	v51 =	vsel vm8, v48, v47;
	v47 =	vld [tilespmem:$0xE0]  }
0x165: {  	v49 =	vimm.s32 $0x0;
	v48 =	vld [tilespmem:$0x160]  }
0x166: {  	v17 =	vsel vm8, $0xFFFFFFFF, v49;
	v49 =	vld [tilespmem:$0x1E0]  }
0x167: {  	[tilespmem:$0x1FB90] =	vst v60;
	v60 =	vld [tilespmem:$0xD40]  }
0x168: {  	v55 =	vld [tilespmem:$0x1FB90]  }
0x169: {  	vm8 =	vnez.u8 v58;
	v58 =	vld [tilespmem:$0x1FC50]  }
0x16a: {  	[tilespmem:$0x1FD90] =	vst v17;
	v17 =	vld [tilespmem:$0x15D0]  }
0x16b: {  	v21 =	vsel vm8, v57, v21;
	v57 =	vld [tilespmem:$0x1FC40]  }
0x16c: {  	v27 =	vsel vm12, v42, v21;
	v21 =	vld [tilespmem:$0xCE0]  }
0x16d: {  	v56 =	vimm.s32 $0x0;
	[tilespmem:$0x1FDA0] =	vst v60;
	v60 =	vld [tilespmem:$0xDC0];
	vm10 =	vlt.f32 v55, v51  }
0x16e: {  	v20 =	vsel vm10, $0xFFFFFFFF, v56;
	v56 =	vld [tilespmem:$0x1FC30]  }
0x16f: {  	v12 =	vsel vm10, v55, v51;
	v51 =	vld [tilespmem:$0x2E0]  }
0x170: {  	vm10 =	vnez.u8 v45;
	v45 =	vld [tilespmem:$0x1FCB0]  }
0x171: {  	[tilespmem:$0x1FDB0] =	vst v20;
	v20 =	vld [tilespmem:$0xC60]  }
0x172: {  	vm12 =	vlt.f32 v59, v12;
	v27 =	vsel vm10, v44, v27;
	v44 =	vld [tilespmem:$0x1FCA0]  }
0x173: {  	v12 =	vsel vm12, v59, v12;
	v59 =	vld [tilespmem:$0x1FC60]  }
0x174: {  	v27 =	vsel vm14, v52, v27;
	v52 =	vld [tilespmem:$0x360]  }
0x175: {  	vm1 =	vlt.f32 v53, v46;
	[tilespmem:$0x1FDD0] =	vst v60;
	v60 =	vld [tilespmem:$0xE40]  }
0x176: {  	v55 =	vsel vm1, v53, v46;
	vm14 =	vlt.f32 v61, v12;
	v27 =	vsel vm0, v54, v27;
	v54 =	vld [tilespmem:$0x1FCC0]  }
0x177: {  	vm0 =	vlt.f32 v57, v55;
	v12 =	vsel vm14, v61, v12;
	v61 =	vld [tilespmem:$0x1FC70]  }
0x178: {  	v37 =	vsel vm0, v57, v55;
	v55 =	vld [tilespmem:$0x1FCD0]  }
0x179: {  	v27 =	vsel vm6, v56, v27;
	vm8 =	vlt.f32 v62, v12;
	v56 =	vld [tilespmem:$0x1FCE0]  }
0x17a: {  	v12 =	vsel vm8, v62, v12;
	v62 =	vld [tilespmem:$0x1FC80]  }
0x17b: {  	v27 =	vsel vm7, v58, v27;
	v58 =	vld [tilespmem:$0x1FCF0]  }
0x17c: {  	vm10 =	vlt.f32 v59, v37;
	v37 =	vld [tilespmem:$0xE60]  }
0x17d: {  	v59 =	vld [tilespmem:$0x1FD00]  }
0x17e: {  	[tilespmem:$0x1FDE0] =	vst v60;
	v60 =	vld [tilespmem:$0xEC0]  }
0x17f: {  	v27 =	vsel vm9, v61, v27;
	v61 =	vld [tilespmem:$0x1FD10]  }
0x180: {  	v27 =	vsel vm11, v62, v27;
	vm11 =	vlt.f32 v7, v1;
	v62 =	vld [tilespmem:$0x1FD20]  }
0x181: {  	v1 =	vsel vm11, v7, v1;
	v7 =	vld [tilespmem:$0xEE0]  }
0x182: {  	v27 =	vsel vm13, v43, v27;
	v43 =	vld [tilespmem:$0x1FD30]  }
0x183: {  	[tilespmem:$0x1FE00] =	vst v60;
	v60 =	vld [tilespmem:$0x340]  }
0x184: {  	v27 =	vsel vm15, v45, v27;
	v45 =	vld [tilespmem:$0x1FD50]  }
0x185: {  	v42 =	vimm.s32 $0x0;
	vm6 =	vlt.f32 v16, v1;
	v27 =	vsel vm5, v54, v27;
	v54 =	vld [tilespmem:$0x460]  }
0x186: {  	v39 =	vsel vm11, $0xFFFFFFFF, v42;
	v1 =	vsel vm6, v16, v1;
	v16 =	vsel vm4, v56, v27;
	v56 =	vld [tilespmem:$0x1FD60]  }
0x187: {  	[tilespmem:$0x1FF00] =	vst v39;
	vm15 =	vlt.f32 v19, v1;
	v39 =	vsel vm3, v58, v16;
	v16 =	vld [tilespmem:$0xFE0]  }
0x188: {  	v1 =	vsel vm15, v19, v1;
	v58 =	vld [tilespmem:$0x1FD80]  }
0x189: {  	v19 =	vsel vm2, v61, v39;
	vm3 =	vlt.f32 v10, v1;
	v61 =	vld [tilespmem:$0x1FDA0]  }
0x18a: {  	vm9 =	vlt.f32 v60, v12;
	v42 =	vsel vm3, v10, v1;
	v10 =	vld [tilespmem:$0x1060]  }
0x18b: {  	v19 =	vsel vm1, v62, v19;
	v62 =	vld [tilespmem:$0x1FDB0];
	v12 =	vsel vm9, v60, v12  }
0x18c: {  	v53 =	vimm.s32 $0x0;
	v60 =	vld [tilespmem:$0x1FE10];
	vm13 =	vlt.f32 v44, v12  }
0x18d: {  	v46 =	vsel vm13, v44, v12;
	v12 =	vsel vm6, $0xFFFFFFFF, v53;
	v53 =	vld [tilespmem:$0x3E0]  }
0x18e: {  	v44 =	vld [tilespmem:$0x1FD40]  }
0x18f: {  	[tilespmem:$0x1FF40] =	vst v12;
	vm6 =	vlt.f32 v55, v46;
	v12 =	vld [tilespmem:$0xF60]  }
0x190: {  	vm11 =	vlt.f32 v18, v42;
	v57 =	vsel vm6, v55, v46;
	v55 =	vld [tilespmem:$0x4E0]  }
0x191: {  	v46 =	vsel vm11, v18, v42;
	v18 =	vld [tilespmem:$0x10E0];
	vm5 =	vlt.f32 v59, v57  }
0x192: {  	v27 =	vsel vm5, v59, v57;
	v57 =	vld [tilespmem:$0x1FD70]  }
0x193: {  	v59 =	vld [tilespmem:$0x1FD90]  }
0x194: {  	v1 =	vsel vm0, v44, v19;
	v44 =	vld [tilespmem:$0x1FDC0]  }
0x195: {  	vm7 =	vlt.f32 v43, v27;
	v1 =	vsel vm10, v45, v1;
	v45 =	vld [tilespmem:$0x1FDD0]  }
0x196: {  	v19 =	vsel vm7, v43, v27;
	vm10 =	vnez.u8 v62;
	v62 =	vld [tilespmem:$0x1FE30]  }
0x197: {  	v43 =	vld [tilespmem:$0x1FE40];
	vm2 =	vlt.f32 v56, v19  }
0x198: {  	v19 =	vsel vm2, v56, v19;
	v56 =	vld [tilespmem:$0x560]  }
0x199: {  	vm4 =	vnez.u8 v59;
	v59 =	vld [tilespmem:$0x1FE00]  }
0x19a: {  	v39 =	vsel vm4, v58, v57;
	v57 =	vld [tilespmem:$0x5E0]  }
0x19b: {  	v58 =	vld [tilespmem:$0x1FDF0]  }
0x19c: {  	vm4 =	vlt.f32 v3, v46;
	v42 =	vsel vm10, v61, v39;
	v39 =	vld [tilespmem:$0x1160]  }
0x19d: {  	v3 =	vsel vm4, v3, v46;
	v46 =	vld [tilespmem:$0x1FDE0]  }
0x19e: {  	vm1 =	vlt.f32 v44, v19;
	v61 =	vld [tilespmem:$0x1FE20]  }
0x19f: {  	v19 =	vsel vm1, v44, v19;
	v44 =	vld [tilespmem:$0x1FE50]  }
0x1a0: {  	v27 =	vsel vm12, v45, v42;
	v42 =	vld [tilespmem:$0x11E0]  }
0x1a1: {  	v45 =	vld [tilespmem:$0x1260]  }
0x1a2: {  	v27 =	vsel vm14, v46, v27;
	vm14 =	vlt.f32 v58, v19;
	v46 =	vld [tilespmem:$0x1FE60]  }
0x1a3: {  	vm10 =	vlt.f32 v2, v3;
	v19 =	vsel vm14, v58, v19;
	v58 =	vld [tilespmem:$0x660]  }
0x1a4: {  	v2 =	vsel vm10, v2, v3;
	v3 =	vsel vm8, v59, v27;
	v59 =	vld [tilespmem:$0x6E0]  }
0x1a5: {  	vm12 =	vlt.f32 v4, v2;
	v3 =	vsel vm9, v60, v3;
	vm0 =	vlt.f32 v61, v19;
	v60 =	vld [tilespmem:$0x12E0]  }
0x1a6: {  	v2 =	vsel vm12, v4, v2;
	v27 =	vsel vm0, v61, v19;
	v61 =	vld [tilespmem:$0x1FE70]  }
0x1a7: {  	v3 =	vsel vm13, v62, v3;
	vm13 =	vlt.f32 v5, v2;
	v62 =	vld [tilespmem:$0x1FE80]  }
0x1a8: {  	v19 =	vld [tilespmem:$0x1FE90];
	v2 =	vsel vm13, v5, v2  }
0x1a9: {  	v3 =	vsel vm6, v43, v3;
	v43 =	vld [tilespmem:$0x7E0];
	vm8 =	vlt.f32 v33, v2  }
0x1aa: {  	v3 =	vsel vm5, v46, v3;
	v2 =	vsel vm8, v33, v2;
	v33 =	vld [tilespmem:$0x1FEB0]  }
0x1ab: {  	v3 =	vsel vm7, v61, v3;
	v61 =	vld [tilespmem:$0x1FEC0]  }
0x1ac: {  	vm6 =	vlt.f32 v44, v27;
	v3 =	vsel vm2, v62, v3;
	v62 =	vld [tilespmem:$0x1FED0]  }
0x1ad: {  	v4 =	vsel vm6, v44, v27;
	v44 =	vld [tilespmem:$0x760]  }
0x1ae: {  	v46 =	vld [tilespmem:$0x1360];
	v3 =	vsel vm1, v19, v3  }
0x1af: {  	v27 =	vld [tilespmem:$0x1FEA0];
	vm5 =	vlt.f32 v63, v4;
	v3 =	vsel vm14, v33, v3  }
0x1b0: {  	v4 =	vsel vm5, v63, v4;
	v63 =	vld [tilespmem:$0x1FEE0];
	v3 =	vsel vm0, v61, v3  }
0x1b1: {  	v3 =	vsel vm6, v62, v3;
	v62 =	vld [tilespmem:$0x1FF00]  }
0x1b2: {  	vm9 =	vlt.f32 v35, v2;
	v61 =	vld [tilespmem:$0x1FEF0]  }
0x1b3: {  	v2 =	vsel vm9, v35, v2;
	v35 =	vld [tilespmem:$0x13E0]  }
0x1b4: {  	vm2 =	vlt.f32 v27, v4;
	v19 =	vld [tilespmem:$0x8E0]  }
0x1b5: {  	v4 =	vsel vm2, v27, v4;
	v27 =	vld [tilespmem:$0x1FF20]  }
0x1b6: {  	vm0 =	vlt.f32 v0, v4;
	vm14 =	vnez.u8 v62;
	v62 =	vld [tilespmem:$0x1FF40]  }
0x1b7: {  	v0 =	vsel vm0, v0, v4;
	v4 =	vsel vm14, v61, v63;
	v63 =	vld [tilespmem:$0x1FF10]  }
0x1b8: {  	v61 =	vld [tilespmem:$0x1FF30]  }
0x1b9: {  	vm1 =	vlt.f32 v26, v2;
	v33 =	vld [tilespmem:$0x860]  }
0x1ba: {  	v2 =	vsel vm1, v26, v2;
	v26 =	vld [tilespmem:$0x1460]  }
0x1bb: {  	v3 =	vsel vm5, v27, v3;
	v27 =	vld [tilespmem:$0x1FF60]  }
0x1bc: {  	vm5 =	vnez.u8 v62;
	vm14 =	vlt.f32 v63, v0;
	v63 =	vld [tilespmem:$0x1FF50]  }
0x1bd: {  	v4 =	vsel vm5, v61, v4;
	v61 =	vld [tilespmem:$0x1FF70]  }
0x1be: {  	vm6 =	vlt.f32 v9, v2;
	v62 =	vld [tilespmem:$0x1FF80]  }
0x1bf: {  	v2 =	vsel vm6, v9, v2;
	v9 =	vld [tilespmem:$0x14E0]  }
0x1c0: {  	v0 =	vld [tilespmem:$0x960]  }
0x1c1: {  	vm7 =	vlt.f32 v23, v2;
	v5 =	vsel vm15, v27, v4;
	v4 =	vld [tilespmem:$0x1560];
	v3 =	vsel vm2, v63, v3  }
0x1c2: {  	v23 =	vsel vm7, v23, v2;
	v2 =	vsel vm0, v61, v3;
	v61 =	vld [tilespmem:$0x1FFA0]  }
0x1c3: {  	v5 =	vsel vm3, v62, v5;
	vm3 =	vlt.f32 v24, v23;
	v62 =	vld [tilespmem:$0x1FFB0]  }
0x1c4: {  	v63 =	vld [tilespmem:$0x1FF90];
	v23 =	vsel vm3, v24, v23  }
0x1c5: {  	v3 =	vld [tilespmem:$0x9E0];
	vm2 =	vlt.f32 v36, v23  }
0x1c6: {  	v23 =	vsel vm2, v36, v23;
	v36 =	vld [tilespmem:$0xC70]  }
0x1c7: {  	v27 =	vsel vm11, v61, v5;
	v61 =	vld [tilespmem:$0x1FFC0]  }
0x1c8: {  	v5 =	vld [tilespmem:$0x15E0];
	v24 =	vsel vm4, v62, v27;
	vm4 =	vlt.f32 v47, v34  }
0x1c9: {  	v27 =	vld [tilespmem:$0x70];
	v34 =	vsel vm4, v47, v34  }
0x1ca: {  	v47 =	vld [tilespmem:$0x170];
	vm5 =	vlt.f32 v48, v34  }
0x1cb: {  	v2 =	vsel vm14, v63, v2;
	v63 =	vsel vm5, v48, v34;
	v48 =	vld [tilespmem:$0x1FFD0]  }
0x1cc: {  	v34 =	vld [tilespmem:$0xCF0];
	v24 =	vsel vm10, v61, v24  }
0x1cd: {  	vm10 =	vlt.f32 v38, v23;
	v24 =	vsel vm12, v40, v24;
	v40 =	vld [tilespmem:$0xF0]  }
0x1ce: {  	v20 =	vsel vm4, v21, v20;
	v61 =	vld [tilespmem:$0x1F0];
	v23 =	vsel vm10, v38, v23;
	v13 =	vsel vm13, v13, v24  }
0x1cf: {  	v6 =	vsel vm5, v6, v20;
	v38 =	vld [tilespmem:$0xD70];
	vm11 =	vlt.f32 v41, v23;
	v13 =	vsel vm8, v25, v13  }
0x1d0: {  	vm8 =	vlt.f32 v49, v63;
	v23 =	vsel vm11, v41, v23;
	v41 =	vld [tilespmem:$0x2F0];
	v13 =	vsel vm9, v48, v13  }
0x1d1: {  	v24 =	vsel vm8, v49, v63;
	vm12 =	vlt.f32 v22, v23;
	v63 =	vld [tilespmem:$0x270];
	v6 =	vsel vm8, v31, v6  }
0x1d2: {  	v23 =	vld [tilespmem:$0xE70];
	v13 =	vsel vm1, v29, v13;
	vm9 =	vlt.f32 v50, v24;
	vm0 =	vlt.f32 v40, v27  }
0x1d3: {  	v49 =	vld [tilespmem:$0x370];
	v13 =	vsel vm6, v30, v13;
	v62 =	vsel vm9, v50, v24;
	v27 =	vsel vm0, v40, v27  }
0x1d4: {  	v31 =	vld [tilespmem:$0x5F0];
	v13 =	vsel vm7, v32, v13;
	vm15 =	vlt.f32 v51, v62;
	vm1 =	vlt.f32 v47, v27  }
0x1d5: {  	v24 =	vld [tilespmem:$0xDF0];
	v13 =	vsel vm3, v15, v13;
	v32 =	vsel vm15, v51, v62;
	v40 =	vsel vm1, v47, v27  }
0x1d6: {  	v50 =	vld [tilespmem:$0xF70];
	v8 =	vsel vm2, v8, v13;
	vm7 =	vlt.f32 v52, v32;
	vm2 =	vlt.f32 v61, v40  }
0x1d7: {  	v6 =	vsel vm9, v37, v6;
	v30 =	vld [tilespmem:$0x1170];
	v47 =	vsel vm7, v52, v32;
	v48 =	vsel vm2, v61, v40  }
0x1d8: {  	v37 =	vld [tilespmem:$0x670];
	v8 =	vsel vm10, v14, v8;
	vm10 =	vlt.f32 v53, v47;
	vm3 =	vlt.f32 v63, v48  }
0x1d9: {  	v51 =	vld [tilespmem:$0x3F0];
	v8 =	vsel vm11, v11, v8;
	v14 =	vsel vm10, v53, v47;
	v11 =	vsel vm3, v63, v48  }
0x1da: {  	v15 =	vld [tilespmem:$0xEF0];
	vm13 =	vlt.f32 v54, v14;
	vm4 =	vlt.f32 v41, v11  }
0x1db: {  	v6 =	vsel vm15, v7, v6;
	v53 =	vld [tilespmem:$0x470];
	v14 =	vsel vm13, v54, v14;
	v11 =	vsel vm4, v41, v11  }
0x1dc: {  	v27 =	vld [tilespmem:$0x570];
	v6 =	vsel vm7, v12, v6;
	vm14 =	vlt.f32 v55, v14;
	vm5 =	vlt.f32 v49, v11  }
0x1dd: {  	v61 =	vld [tilespmem:$0x4F0];
	v40 =	vsel vm0, v34, v36;
	v14 =	vsel vm14, v55, v14;
	v55 =	vsel vm5, v49, v11  }
0x1de: {  	v52 =	vld [tilespmem:$0xFF0];
	v8 =	vsel vm12, v17, v8;
	v22 =	vsel vm1, v38, v40;
	vm6 =	vlt.f32 v51, v55  }
0x1df: {  	v32 =	vld [tilespmem:$0x11F0];
	v6 =	vsel vm10, v16, v6;
	v22 =	vsel vm2, v24, v22;
	v7 =	vsel vm6, v51, v55  }
0x1e0: {  	v47 =	vld [tilespmem:$0x1370];
	v6 =	vsel vm13, v10, v6;
	v22 =	vsel vm3, v23, v22;
	vm7 =	vlt.f32 v53, v7  }
0x1e1: {  	v54 =	vld [tilespmem:$0x1070];
	v15 =	vsel vm4, v15, v22;
	v6 =	vsel vm14, v18, v6;
	v7 =	vsel vm7, v53, v7  }
0x1e2: {  	v63 =	vld [tilespmem:$0x10F0];
	vm15 =	vlt.f32 v56, v14;
	v15 =	vsel vm5, v50, v15;
	vm8 =	vlt.f32 v61, v7  }
0x1e3: {  	v48 =	vld [tilespmem:$0x7F0];
	v62 =	vsel vm15, v56, v14;
	v6 =	vsel vm15, v39, v6;
	v7 =	vsel vm8, v61, v7  }
0x1e4: {  	v41 =	vld [tilespmem:$0x6F0];
	vm12 =	vlt.f32 v57, v62;
	v15 =	vsel vm6, v52, v15;
	vm9 =	vlt.f32 v27, v7  }
0x1e5: {  	v49 =	vld [tilespmem:$0x13F0];
	v29 =	vsel vm12, v57, v62;
	v6 =	vsel vm12, v42, v6;
	v7 =	vsel vm9, v27, v7  }
0x1e6: {  	v50 =	vld [tilespmem:$0x870];
	vm13 =	vlt.f32 v58, v29;
	v15 =	vsel vm7, v54, v15;
	vm0 =	vlt.f32 v31, v7  }
0x1e7: {  	v10 =	vsel vm13, v58, v29;
	v6 =	vsel vm13, v45, v6;
	v45 =	vld [tilespmem:$0x770];
	v7 =	vsel vm0, v31, v7  }
0x1e8: {  	v39 =	vld [tilespmem:$0x1270];
	vm14 =	vlt.f32 v59, v10;
	v13 =	vsel vm8, v63, v15;
	vm11 =	vlt.f32 v37, v7  }
0x1e9: {  	v56 =	vld [tilespmem:$0x1FFE0];
	v10 =	vsel vm14, v59, v10;
	v6 =	vsel vm14, v60, v6;
	v7 =	vsel vm11, v37, v7  }
0x1ea: {  	v51 =	vld [tilespmem:$0x1470];
	vm15 =	vlt.f32 v44, v10;
	v12 =	vsel vm9, v30, v13;
	vm13 =	vlt.f32 v41, v7  }
0x1eb: {  	v42 =	vld [tilespmem:$0x12F0];
	v10 =	vsel vm15, v44, v10;
	v6 =	vsel vm15, v46, v6;
	v7 =	vsel vm13, v41, v7  }
0x1ec: {  	v52 =	vld [tilespmem:$0x8F0];
	vm12 =	vlt.f32 v43, v10;
	v12 =	vsel vm0, v32, v12;
	vm15 =	vlt.f32 v45, v7  }
0x1ed: {  	v55 =	vld [tilespmem:$0x1570];
	v10 =	vsel vm12, v43, v10;
	v6 =	vsel vm12, v35, v6;
	v7 =	vsel vm15, v45, v7  }
0x1ee: {  	v53 =	vld [tilespmem:$0x14F0];
	vm14 =	vlt.f32 v33, v10;
	v12 =	vsel vm11, v39, v12;
	vm8 =	vlt.f32 v48, v7  }
0x1ef: {  	v54 =	vld [tilespmem:$0x970];
	v10 =	vsel vm14, v33, v10;
	v6 =	vsel vm14, v26, v6;
	v7 =	vsel vm8, v48, v7  }
0x1f0: {  	v58 =	vld [tilespmem:$0x9F0];
	vm9 =	vlt.f32 v19, v10;
	v57 =	vsel vm13, v42, v12;
	vm10 =	vlt.f32 v50, v7  }
0x1f1: {  	[tilespmem:$0x1820] =	vst v28;
	v59 =	vld [tilespmem:$0x1FFF0];
	v10 =	vsel vm9, v19, v10;
	v6 =	vsel vm9, v9, v6;
	v7 =	vsel vm10, v50, v7  }
0x1f2: {  	[tilespmem:$0x1830] =	vst v1;
	v60 =	vld [tilespmem:$0x15F0];
	vm11 =	vlt.f32 v0, v10;
	v9 =	vsel vm15, v47, v57;
	vm12 =	vlt.f32 v52, v7  }
0x1f3: {  	[tilespmem:$0x1840] =	vst v2;
	v0 =	vsel vm11, v0, v10;
	v9 =	vsel vm8, v49, v9;
	v7 =	vsel vm12, v52, v7  }
0x1f4: {  	[tilespmem:$0x1850] =	vst v8;
	v4 =	vsel vm11, v4, v6;
	v61 =	vsel vm10, v51, v9;
	vm13 =	vlt.f32 v54, v7  }
0x1f5: {  	[tilespmem:$0x1800] =	vst v56;
	vm14 =	vlt.f32 v3, v0;
	v1 =	vsel vm12, v53, v61;
	v62 =	vsel vm13, v54, v7  }
0x1f6: {  	[tilespmem:$0x1810] =	vst v59;
	v63 =	vsel vm14, v5, v4;
	v1 =	vsel vm13, v55, v1;
	vm15 =	vlt.f32 v58, v62  }
0x1f7: {  	p0 =	sne.s32 s7, $0x1;
	[tilespmem:$0x1860] =	vst v63;
	v0 =	vsel vm15, v60, v1  }
.Ltmp1:
0x1f8: {  	[tilespmem:$0x1870] =	vst v0;
	(pc) =	sbr.rel @p0 .LBB2_2-.Ltmp1, $4  }
0x1f9: {  	[hbm4b:s5+s2] =	stream.linear.scatter [tilespmem:s15], [sflag:$0x1], $0x80, $0x38;
	[tilespmem:$0x1880] =	vst v63  }
0x1fa: {  	_ =	swait.ge [sflag:s11], $0x80  }
0x1fb: {  	[sflag:s11] =	ssyncset.done $0x0  }
0x1fc: {  	s7 =	sadd.s32 $0xFFFFFFFF, s7;
	[sflag:s11] =	ssyncadd.s32 $0xFFFFFF80  }
.LBB2_3:
0x1fd: {  	_ =	sfence.sel $0x180000  }
0x1fe: {  	[bflag:$0x0] =	sbarrier.arrive $0xFFFF  }
0x1ff: {  	p0 =	sne.s32 s1, $0x0;
	_ =	strace $0x90000047  }
0x200: {  	s0 =	sadd.s32 @!p0 $0x100000, s0;
	[bflag:$0x2] =	sbarrier.arrive $0xFFFF  }
0x201: {  	[sflag:s0] =	ssyncadd.tile.s32 @!p0 $0x1;
	_ =	shalt  }
.Lfunc_end2:
_tile_overlayer_lowered:
.L_overlay_start_2:
0x202: {  	(tag) =	ssettag $0x2  }
0x203: {  	s0 =	rddreg [dreg:$0x0];
	s2 =	stileid.u32  }
0x204: {  	s1 =	rddreg [dreg:$0x1];
	p0 =	sne.s32 s2, $0x0  }
0x205: {  	s3 =	rddreg [dreg:$0x2];
	[bflag:$0x3] =	sbarrier.arrive $0xFFFF;
	s2 =	simm.s32 @!p0 $0x1C01  }
0x206: {  	[timem:s3], [sflag:s2] =	dma.local @!p0 [hbm:s0], s1  }
0x207: {  	s0 =	simm.s32 @!p0 $0x1  }
0x208: {  	_ =	swait.ge @!p0 [sflag:s0], s1  }
0x209: {  	s1 =	ssub.s32 @!p0 $0x0, s1;
	[sflag:s0] =	ssyncset.done @!p0 $0x0  }
0x20a: {  	[sflag:s0] =	ssyncadd.s32 @!p0 s1  }
0x20b: {  	[bflag:$0x3] =	sbarrier.arrive $0xFFFF  }
0x20c: {  	_ =	shalt  }

</sc_bundles>
